<compile_context>
chip_gen: v7x
topology: tpu7x:2x2x1
jax: 0.10.2.dev20260603
libtpu: 0.0.44.dev20260713+nightly
codegen_flags: <defaults>
</compile_context>

<pallas_src>
import functools

import jax
import jax.numpy as jnp
import numpy as np
from jax import lax
from jax.experimental import pallas as pl
from jax.experimental.pallas import tpu as pltpu
from jax.experimental.pallas import tpu_sc as plsc

B = 16384
F = 26
V = 1000000
MAX_DIM = 16
TEMP = 5.0
FS_WEIGHT = 1.0

NC = 2
NS = 16
NW = NC * NS
BPW = B // NW
NJ = BPW // 128

_CONST = {}


def _threefry2x32(k0, k1, x0, x1):
    ks = [np.uint32(k0), np.uint32(k1),
          np.uint32(np.uint32(k0) ^ np.uint32(k1) ^ np.uint32(0x1BD11BDA))]
    rotations = [[13, 15, 26, 6], [17, 29, 16, 24]]
    x0 = (x0 + ks[0]).astype(np.uint32)
    x1 = (x1 + ks[1]).astype(np.uint32)
    for i in range(5):
        for r in rotations[i % 2]:
            x0 = (x0 + x1).astype(np.uint32)
            x1 = ((x1 << np.uint32(r)) | (x1 >> np.uint32(32 - r))).astype(np.uint32)
            x1 = (x1 ^ x0).astype(np.uint32)
        x0 = (x0 + ks[(i + 1) % 3]).astype(np.uint32)
        x1 = (x1 + ks[(i + 2) % 3] + np.uint32(i + 1)).astype(np.uint32)
    return x0, x1


def _consts():
    if "p2" not in _CONST:
        size = F * B
        b1, b2 = _threefry2x32(0, 42, np.zeros(size, np.uint32),
                               np.arange(size, dtype=np.uint32))
        bits = b1 ^ b2
        u = (((bits >> np.uint32(9)) | np.uint32(0x3F800000))
             .view(np.float32) - np.float32(1.0)).reshape(F, B)
        perm = np.argsort(u, axis=1, kind="stable").astype(np.int64)
        p2 = (perm * F + np.arange(F, dtype=np.int64)[:, None]).astype(np.int32)
        p2 = p2.reshape(F, NW, BPW).transpose(1, 0, 2).reshape(NW, F * BPW).copy()
        _CONST["p2"] = p2
    return _CONST["p2"]


_P2 = _consts()


def _body(tflat, inflat, idxr, th, wt, p2r, out, fs,
          p2v, iv, iv2, x1v, x2v, outv, thv, wv, av, cv, s_i2, s_x1, s_x2):
    cid = lax.axis_index("c")
    sid = lax.axis_index("s")
    w = sid * NC + cid

    pltpu.sync_copy(p2r.at[w], p2v)
    pltpu.async_copy(inflat.at[p2v], iv2, s_i2)

    pltpu.sync_copy(idxr.at[w], iv)
    pltpu.sync_copy(th, thv)
    pltpu.sync_copy(wt, wv)

    def _off1(f, c):
        offv = jnp.full((16,), f * V, jnp.int32)
        for r in range(BPW // 16):
            sl = pl.ds(f * BPW + r * 16, 16)
            iv[sl] = iv[sl] + offv
        return c
    lax.fori_loop(0, F, _off1, 0, unroll=False)

    pltpu.async_copy(tflat.at[iv], x1v, s_x1)

    pltpu.make_async_copy(inflat.at[p2v], iv2, s_i2).wait()

    def _off2(f, c):
        offv = jnp.full((16,), f * V, jnp.int32)
        for r in range(BPW // 16):
            sl = pl.ds(f * BPW + r * 16, 16)
            iv2[sl] = iv2[sl] + offv
        return c
    lax.fori_loop(0, F, _off2, 0, unroll=False)

    pltpu.async_copy(tflat.at[iv2], x2v, s_x2)

    zv = jnp.zeros((16,), jnp.float32)
    for j in range(NJ):
        for l in range(8):
            outv[j, pl.ds(l * 16, 16)] = zv

    tr0 = thv[pl.ds(0, 16)]
    tr1 = thv[pl.ds(16, 16)]
    wr0 = wv[pl.ds(0, 16)]
    wr1 = wv[pl.ds(16, 16)]
    g0 = 1.0 / (1.0 + jnp.exp(tr0 * (-TEMP)))
    g1 = 1.0 / (1.0 + jnp.exp(tr1 * (-TEMP)))
    a0 = g0 * wr0
    c0 = (1.0 - g0) * wr0
    a1 = g1 * wr1
    c1 = (1.0 - g1) * wr1
    for f in range(F):
        asrc = a0 if f < 16 else a1
        csrc = c0 if f < 16 else c1
        lane = f % 16
        av[pl.ds(f * 16, 16)] = jnp.full((16,), asrc[lane])
        cv[pl.ds(f * 16, 16)] = jnp.full((16,), csrc[lane])

    pltpu.make_async_copy(tflat.at[iv], x1v, s_x1).wait()
    pltpu.make_async_copy(tflat.at[iv2], x2v, s_x2).wait()

    def _acc(f, c):
        a = av[pl.ds(f * 16, 16)]
        cc = cv[pl.ds(f * 16, 16)]
        for j in range(NJ):
            for l in range(8):
                sl = pl.ds(f * BPW + j * 128 + l * 16, 16)
                o = (j, pl.ds(l * 16, 16))
                outv[o] = outv[o] + a * x1v[sl] + cc * x2v[sl]
        return c
    lax.fori_loop(0, F, _acc, 0, unroll=False)

    pltpu.sync_copy(outv, out.at[w])

    @pl.when(w == 0)
    def _fs():
        s = g0[0]
        for i in range(1, 16):
            s = s + g0[i]
        for i in range(F - 16):
            s = s + g1[i]
        outv[0, pl.ds(0, 16)] = jnp.full((16,), s * (FS_WEIGHT * 0.1 / F))
        pltpu.sync_copy(outv.at[0, pl.ds(0, 16)], fs)


@functools.partial(
    pl.kernel,
    out_type=[
        jax.ShapeDtypeStruct((NW, NJ, 128), jnp.float32),
        jax.ShapeDtypeStruct((16,), jnp.float32),
    ],
    mesh=plsc.VectorSubcoreMesh(core_axis_name="c", subcore_axis_name="s"),
    scratch_types=[
        pltpu.VMEM((F * BPW,), jnp.int32),
        pltpu.VMEM((F * BPW,), jnp.int32),
        pltpu.VMEM((F * BPW,), jnp.int32),
        pltpu.VMEM((F * BPW,), jnp.float32),
        pltpu.VMEM((F * BPW,), jnp.float32),
        pltpu.VMEM((NJ, 128), jnp.float32),
        pltpu.VMEM((32,), jnp.float32),
        pltpu.VMEM((32,), jnp.float32),
        pltpu.VMEM((F * 16,), jnp.float32),
        pltpu.VMEM((F * 16,), jnp.float32),
        pltpu.SemaphoreType.DMA,
        pltpu.SemaphoreType.DMA,
        pltpu.SemaphoreType.DMA,
    ],
)
def _sc_call(tflat, inflat, idxr, th, wt, p2r, out, fs, *scratch):
    _body(tflat, inflat, idxr, th, wt, p2r, out, fs, *scratch)


def kernel(inputs, tables, theta, weight):
    p2r = jnp.asarray(_P2)
    tflat = tables.reshape(F * V)
    inflat = inputs.reshape(B * F)
    idxr = inputs.T.reshape(F, NW, BPW).transpose(1, 0, 2).reshape(NW, F * BPW)
    thc = jnp.pad(theta[:, 0], (0, 32 - F))
    wc = jnp.pad(weight[:, 0], (0, 32 - F))
    out, fs = _sc_call(tflat, inflat, idxr, thc, wc, p2r)
    return out.reshape(B), fs[0]

# --- scband reference (transcript-rebuilt; emitter-appended) ---
"""Pipeline reference for scband-shuffle-dim-no-darts-49340584297189 (READ-ONLY COPY).

The authoritative reference and input builder live on the scoring server;
editing this copy changes nothing except your own understanding.
"""

import jax, jax.numpy as jnp
import numpy as np

B = 16384
F = 26
V = 1000000
MAX_DIM = 16
TEMP = 5.0
FS_WEIGHT = 1.0


def setup_inputs(seed: int = 0) -> dict:
    key = jax.random.key(seed)
    k1, k2, k3 = jax.random.split(key, 3)
    inputs = jax.random.randint(k1, (B, F), 0, V, dtype=jnp.int32)
    # DynamicEmbedding tables: at init, dim_count per feature is 1 (init_dim=1).
    # We materialize the stacked per-feature tables with the current active dim = 1.
    tables = jax.random.normal(k2, (F, V, 1), dtype=jnp.float32) * 0.01
    # theta initialized to zeros (torch.full((max_emb_dim,), 0.0))
    theta = jnp.zeros((F, MAX_DIM), dtype=jnp.float32)
    # AdaptWeight per feature: a learned vector of length max_emb_dim, sliced to dim
    weight = jax.random.normal(k3, (F, MAX_DIM), dtype=jnp.float32) * 0.1
    return {"inputs": inputs, "tables": tables, "theta": theta, "weight": weight}


def _shuffle_batch(x, key):
    # torch: indices = torch.rand(d, b).argsort(dim=1); gather(x.T, 1, indices).T
    b, d = x.shape
    perm = jnp.argsort(jax.random.uniform(key, (d, b)), axis=1)
    return jnp.take_along_axis(x.T, perm, axis=1).T


def reference(inputs, tables, theta, weight):
    dim = 1  # dim_count[fea] == 1 for every feature at init
    # per-feature embedding lookup, sliced to [:dim]; concat over features
    # tables[f, inputs[:, f], :dim] for all f -> [B, F, dim] -> [B, F*dim]
    gathered = tables[jnp.arange(F)[None, :], inputs]  # [B, F, 1]
    x = gathered[:, :, :dim].reshape(inputs.shape[0], F * dim)  # [B, F]
    theta_ = theta[:, :dim].reshape(-1)  # [F]
    weight_ = weight[:, :dim].reshape(-1)  # [F]
    shuffle_x = _shuffle_batch(x, jax.random.key(42))
    g = jax.nn.sigmoid(theta_ * TEMP)
    x_ = x * g + (1.0 - g) * jax.lax.stop_gradient(shuffle_x)
    output = x_ @ weight_  # [B]
    # fs_loss
    gate = jax.nn.sigmoid(theta * TEMP)  # [F, MAX_DIM]
    dim_weight = 1.0 / jnp.arange(1, dim + 1, dtype=jnp.float32)  # [dim]
    gvals = gate[:, :dim] * dim_weight[None, :] * FS_WEIGHT * 0.1  # [F, dim]
    fs_loss = jnp.mean(gvals)
    return (output, fs_loss)

if __name__ == "__main__":
    import jax
    _d = setup_inputs()
    print(jax.jit(kernel)(*tuple(_d.values())))

</pallas_src>

<mosaic_0001>
#map = affine_map<(d0, d1) -> (0)>
#map1 = affine_map<(d0, d1) -> (0, 0)>
#map2 = affine_map<(d0, d1) -> (0, 0, 0)>
module attributes {stable_mosaic.version = 14 : i64} {
  func.func @_sc_call(%arg0: i32, %arg1: i32, %arg2: memref<26000000xf32, #tpu.memory_space<hbm>>, %arg3: memref<425984xi32, #tpu.memory_space<hbm>>, %arg4: memref<32x13312xi32, #tpu.memory_space<hbm>>, %arg5: memref<32xf32, #tpu.memory_space<hbm>>, %arg6: memref<32xf32, #tpu.memory_space<hbm>>, %arg7: memref<32x13312xi32, #tpu.memory_space<hbm>>, %arg8: memref<32x4x128xf32, #tpu.memory_space<hbm>>, %arg9: memref<16xf32, #tpu.memory_space<hbm>>, %arg10: memref<13312xi32, #tpu.memory_space<vmem>>, %arg11: memref<13312xi32, #tpu.memory_space<vmem>>, %arg12: memref<13312xi32, #tpu.memory_space<vmem>>, %arg13: memref<13312xf32, #tpu.memory_space<vmem>>, %arg14: memref<13312xf32, #tpu.memory_space<vmem>>, %arg15: memref<4x128xf32, #tpu.memory_space<vmem>>, %arg16: memref<32xf32, #tpu.memory_space<vmem>>, %arg17: memref<32xf32, #tpu.memory_space<vmem>>, %arg18: memref<416xf32, #tpu.memory_space<vmem>>, %arg19: memref<416xf32, #tpu.memory_space<vmem>>, %arg20: memref<!tpu.dma_semaphore, #tpu.memory_space<semaphore_mem>>, %arg21: memref<!tpu.dma_semaphore, #tpu.memory_space<semaphore_mem>>, %arg22: memref<!tpu.dma_semaphore, #tpu.memory_space<semaphore_mem>>) attributes {dimension_semantics = [#tpu.dimension_semantics<core_parallel>, #tpu.dimension_semantics<subcore_parallel>], iteration_bounds = array<i64: 2, 16>, scalar_prefetch = 0 : i64, scratch_operands = 13 : i64, tpu.core_type = #tpu.core_type<sc_vector_subcore>, window_params = [{transform_indices = #map}, {transform_indices = #map}, {transform_indices = #map1}, {transform_indices = #map}, {transform_indices = #map}, {transform_indices = #map1}, {transform_indices = #map2}, {transform_indices = #map}]} {
    %mul3A = arith.constant 2 : i32
    %mul3A_0 = arith.muli %arg1, %mul3A : i32
    %add3A = arith.addi %mul3A_0, %arg0 : i32
    "tpu.region"() ({
      %run_scoped3A = tpu.sem_alloc : memref<!tpu.dma_semaphore, #tpu.memory_space<semaphore_mem>>
      %dma_start3A_622 = arith.constant 0 : i32
      %dma_start3A_623 = tpu.memref_slice %arg7[%add3A, %dma_start3A_622] : memref<32x13312xi32, #tpu.memory_space<hbm>> -> memref<1x13312xi32, #tpu.memory_space<hbm>>
      %dma_start3A_624 = tpu.memref_squeeze %dma_start3A_623 : memref<1x13312xi32, #tpu.memory_space<hbm>> -> memref<13312xi32, #tpu.memory_space<hbm>>
      %dma_start3A_625 = arith.constant 0 : i32
      %dma_start3A_626 = tpu.memref_slice %arg7[%add3A, %dma_start3A_625] : memref<32x13312xi32, #tpu.memory_space<hbm>> -> memref<1x13312xi32, #tpu.memory_space<hbm>>
      %dma_start3A_627 = tpu.memref_squeeze %dma_start3A_626 : memref<1x13312xi32, #tpu.memory_space<hbm>> -> memref<13312xi32, #tpu.memory_space<hbm>>
      tpu.enqueue_dma source(%dma_start3A_627 : memref<13312xi32, #tpu.memory_space<hbm>>) target(%arg10 : memref<13312xi32, #tpu.memory_space<vmem>>) target_semaphore(%run_scoped3A : memref<!tpu.dma_semaphore, #tpu.memory_space<semaphore_mem>>)
      %dma_wait3A_628 = arith.constant 0 : i32
      %dma_wait3A_629 = tpu.memref_slice %arg7[%add3A, %dma_wait3A_628] : memref<32x13312xi32, #tpu.memory_space<hbm>> -> memref<1x13312xi32, #tpu.memory_space<hbm>>
      %dma_wait3A_630 = tpu.memref_squeeze %dma_wait3A_629 : memref<1x13312xi32, #tpu.memory_space<hbm>> -> memref<13312xi32, #tpu.memory_space<hbm>>
      %dma_wait3A_631 = arith.constant 0 : i32
      %dma_wait3A_632 = tpu.memref_slice %arg7[%add3A, %dma_wait3A_631] : memref<32x13312xi32, #tpu.memory_space<hbm>> -> memref<1x13312xi32, #tpu.memory_space<hbm>>
      %dma_wait3A_633 = tpu.memref_squeeze %dma_wait3A_632 : memref<1x13312xi32, #tpu.memory_space<hbm>> -> memref<13312xi32, #tpu.memory_space<hbm>>
      tpu.wait_dma2 semaphore(%run_scoped3A : memref<!tpu.dma_semaphore, #tpu.memory_space<semaphore_mem>>) src(%dma_wait3A_633 : memref<13312xi32, #tpu.memory_space<hbm>>) dst(%arg10 : memref<13312xi32, #tpu.memory_space<vmem>>)
      tpu.yield
    }) : () -> ()
    %dma_start3A = arith.constant 0 : i32
    %dma_start3A_1 = tpu.memref_slice %arg3[%dma_start3A] : memref<425984xi32, #tpu.memory_space<hbm>> -> memref<425984xi32, #tpu.memory_space<hbm>>
    tpu.enqueue_indirect_dma source(%dma_start3A_1 : memref<425984xi32, #tpu.memory_space<hbm>>) target(%arg12 : memref<13312xi32, #tpu.memory_space<vmem>>) offsets(%arg10 : memref<13312xi32, #tpu.memory_space<vmem>>) semaphore(%arg20 : memref<!tpu.dma_semaphore, #tpu.memory_space<semaphore_mem>>)
    "tpu.region"() ({
      %run_scoped3A = tpu.sem_alloc : memref<!tpu.dma_semaphore, #tpu.memory_space<semaphore_mem>>
      %dma_start3A_622 = arith.constant 0 : i32
      %dma_start3A_623 = tpu.memref_slice %arg4[%add3A, %dma_start3A_622] : memref<32x13312xi32, #tpu.memory_space<hbm>> -> memref<1x13312xi32, #tpu.memory_space<hbm>>
      %dma_start3A_624 = tpu.memref_squeeze %dma_start3A_623 : memref<1x13312xi32, #tpu.memory_space<hbm>> -> memref<13312xi32, #tpu.memory_space<hbm>>
      %dma_start3A_625 = arith.constant 0 : i32
      %dma_start3A_626 = tpu.memref_slice %arg4[%add3A, %dma_start3A_625] : memref<32x13312xi32, #tpu.memory_space<hbm>> -> memref<1x13312xi32, #tpu.memory_space<hbm>>
      %dma_start3A_627 = tpu.memref_squeeze %dma_start3A_626 : memref<1x13312xi32, #tpu.memory_space<hbm>> -> memref<13312xi32, #tpu.memory_space<hbm>>
      tpu.enqueue_dma source(%dma_start3A_627 : memref<13312xi32, #tpu.memory_space<hbm>>) target(%arg11 : memref<13312xi32, #tpu.memory_space<vmem>>) target_semaphore(%run_scoped3A : memref<!tpu.dma_semaphore, #tpu.memory_space<semaphore_mem>>)
      %dma_wait3A_628 = arith.constant 0 : i32
      %dma_wait3A_629 = tpu.memref_slice %arg4[%add3A, %dma_wait3A_628] : memref<32x13312xi32, #tpu.memory_space<hbm>> -> memref<1x13312xi32, #tpu.memory_space<hbm>>
      %dma_wait3A_630 = tpu.memref_squeeze %dma_wait3A_629 : memref<1x13312xi32, #tpu.memory_space<hbm>> -> memref<13312xi32, #tpu.memory_space<hbm>>
      %dma_wait3A_631 = arith.constant 0 : i32
      %dma_wait3A_632 = tpu.memref_slice %arg4[%add3A, %dma_wait3A_631] : memref<32x13312xi32, #tpu.memory_space<hbm>> -> memref<1x13312xi32, #tpu.memory_space<hbm>>
      %dma_wait3A_633 = tpu.memref_squeeze %dma_wait3A_632 : memref<1x13312xi32, #tpu.memory_space<hbm>> -> memref<13312xi32, #tpu.memory_space<hbm>>
      tpu.wait_dma2 semaphore(%run_scoped3A : memref<!tpu.dma_semaphore, #tpu.memory_space<semaphore_mem>>) src(%dma_wait3A_633 : memref<13312xi32, #tpu.memory_space<hbm>>) dst(%arg11 : memref<13312xi32, #tpu.memory_space<vmem>>)
      tpu.yield
    }) : () -> ()
    "tpu.region"() ({
      %run_scoped3A = tpu.sem_alloc : memref<!tpu.dma_semaphore, #tpu.memory_space<semaphore_mem>>
      tpu.enqueue_dma source(%arg5 : memref<32xf32, #tpu.memory_space<hbm>>) target(%arg16 : memref<32xf32, #tpu.memory_space<vmem>>) target_semaphore(%run_scoped3A : memref<!tpu.dma_semaphore, #tpu.memory_space<semaphore_mem>>)
      tpu.wait_dma2 semaphore(%run_scoped3A : memref<!tpu.dma_semaphore, #tpu.memory_space<semaphore_mem>>) src(%arg5 : memref<32xf32, #tpu.memory_space<hbm>>) dst(%arg16 : memref<32xf32, #tpu.memory_space<vmem>>)
      tpu.yield
    }) : () -> ()
    "tpu.region"() ({
      %run_scoped3A = tpu.sem_alloc : memref<!tpu.dma_semaphore, #tpu.memory_space<semaphore_mem>>
      tpu.enqueue_dma source(%arg6 : memref<32xf32, #tpu.memory_space<hbm>>) target(%arg17 : memref<32xf32, #tpu.memory_space<vmem>>) target_semaphore(%run_scoped3A : memref<!tpu.dma_semaphore, #tpu.memory_space<semaphore_mem>>)
      tpu.wait_dma2 semaphore(%run_scoped3A : memref<!tpu.dma_semaphore, #tpu.memory_space<semaphore_mem>>) src(%arg6 : memref<32xf32, #tpu.memory_space<hbm>>) dst(%arg17 : memref<32xf32, #tpu.memory_space<vmem>>)
      tpu.yield
    }) : () -> ()
    %scan3A = arith.constant 0 : i32
    %scan3A_2 = arith.constant 0 : i32
    %scan3A_3 = arith.constant 26 : i32
    %scan3A_4 = arith.addi %scan3A_2, %scan3A_3 : i32
    %scan3A_5 = arith.constant 1 : i32
    scf.for %scan3A_622 = %scan3A_2 to %scan3A_4 step %scan3A_5  : i32 {
      %mul3A_623 = arith.constant 1000000 : i32
      %mul3A_624 = arith.muli %scan3A_622, %mul3A_623 : i32
      %broadcast_in_dim3A_625 = vector.broadcast %mul3A_624 : i32 to vector<16xi32>
      %mul3A_626 = arith.constant 512 : i32
      %mul3A_627 = arith.muli %scan3A_622, %mul3A_626 : i32
      %add3A_628 = arith.constant 0 : i32
      %add3A_629 = arith.addi %mul3A_627, %add3A_628 : i32
      %get3A_630 = arith.index_cast %add3A_629 : i32 to index
      %get3A_631 = tpu.vector_load %arg11[%get3A_630] {strides = array<i32>} : memref<13312xi32, #tpu.memory_space<vmem>>, vector<16xi32>,
      %get3A_632 = vector.shape_cast %get3A_631 : vector<16xi32> to vector<16xi32>
      %add3A_633 = arith.addi %get3A_632, %broadcast_in_dim3A_625 : vector<16xi32>
      %swap3A_634 = arith.index_cast %add3A_629 : i32 to index
      %swap3A_635 = tpu.vector_load %arg11[%swap3A_634] {strides = array<i32>} : memref<13312xi32, #tpu.memory_space<vmem>>, vector<16xi32>,
      %swap3A_636 = vector.shape_cast %swap3A_635 : vector<16xi32> to vector<16xi32>
      %swap3A_637 = vector.shape_cast %add3A_633 : vector<16xi32> to vector<16xi32>
      tpu.vector_store %arg11[%swap3A_634], %swap3A_637 {strides = array<i32>} : memref<13312xi32, #tpu.memory_space<vmem>>, vector<16xi32>,
      %mul3A_638 = arith.constant 512 : i32
      %mul3A_639 = arith.muli %scan3A_622, %mul3A_638 : i32
      %add3A_640 = arith.constant 16 : i32
      %add3A_641 = arith.addi %mul3A_639, %add3A_640 : i32
      %get3A_642 = arith.index_cast %add3A_641 : i32 to index
      %get3A_643 = tpu.vector_load %arg11[%get3A_642] {strides = array<i32>} : memref<13312xi32, #tpu.memory_space<vmem>>, vector<16xi32>,
      %get3A_644 = vector.shape_cast %get3A_643 : vector<16xi32> to vector<16xi32>
      %add3A_645 = arith.addi %get3A_644, %broadcast_in_dim3A_625 : vector<16xi32>
      %swap3A_646 = arith.index_cast %add3A_641 : i32 to index
      %swap3A_647 = tpu.vector_load %arg11[%swap3A_646] {strides = array<i32>} : memref<13312xi32, #tpu.memory_space<vmem>>, vector<16xi32>,
      %swap3A_648 = vector.shape_cast %swap3A_647 : vector<16xi32> to vector<16xi32>
      %swap3A_649 = vector.shape_cast %add3A_645 : vector<16xi32> to vector<16xi32>
      tpu.vector_store %arg11[%swap3A_646], %swap3A_649 {strides = array<i32>} : memref<13312xi32, #tpu.memory_space<vmem>>, vector<16xi32>,
      %mul3A_650 = arith.constant 512 : i32
      %mul3A_651 = arith.muli %scan3A_622, %mul3A_650 : i32
      %add3A_652 = arith.constant 32 : i32
      %add3A_653 = arith.addi %mul3A_651, %add3A_652 : i32
      %get3A_654 = arith.index_cast %add3A_653 : i32 to index
      %get3A_655 = tpu.vector_load %arg11[%get3A_654] {strides = array<i32>} : memref<13312xi32, #tpu.memory_space<vmem>>, vector<16xi32>,
      %get3A_656 = vector.shape_cast %get3A_655 : vector<16xi32> to vector<16xi32>
      %add3A_657 = arith.addi %get3A_656, %broadcast_in_dim3A_625 : vector<16xi32>
      %swap3A_658 = arith.index_cast %add3A_653 : i32 to index
      %swap3A_659 = tpu.vector_load %arg11[%swap3A_658] {strides = array<i32>} : memref<13312xi32, #tpu.memory_space<vmem>>, vector<16xi32>,
      %swap3A_660 = vector.shape_cast %swap3A_659 : vector<16xi32> to vector<16xi32>
      %swap3A_661 = vector.shape_cast %add3A_657 : vector<16xi32> to vector<16xi32>
      tpu.vector_store %arg11[%swap3A_658], %swap3A_661 {strides = array<i32>} : memref<13312xi32, #tpu.memory_space<vmem>>, vector<16xi32>,
      %mul3A_662 = arith.constant 512 : i32
      %mul3A_663 = arith.muli %scan3A_622, %mul3A_662 : i32
      %add3A_664 = arith.constant 48 : i32
      %add3A_665 = arith.addi %mul3A_663, %add3A_664 : i32
      %get3A_666 = arith.index_cast %add3A_665 : i32 to index
      %get3A_667 = tpu.vector_load %arg11[%get3A_666] {strides = array<i32>} : memref<13312xi32, #tpu.memory_space<vmem>>, vector<16xi32>,
      %get3A_668 = vector.shape_cast %get3A_667 : vector<16xi32> to vector<16xi32>
      %add3A_669 = arith.addi %get3A_668, %broadcast_in_dim3A_625 : vector<16xi32>
      %swap3A_670 = arith.index_cast %add3A_665 : i32 to index
      %swap3A_671 = tpu.vector_load %arg11[%swap3A_670] {strides = array<i32>} : memref<13312xi32, #tpu.memory_space<vmem>>, vector<16xi32>,
      %swap3A_672 = vector.shape_cast %swap3A_671 : vector<16xi32> to vector<16xi32>
      %swap3A_673 = vector.shape_cast %add3A_669 : vector<16xi32> to vector<16xi32>
      tpu.vector_store %arg11[%swap3A_670], %swap3A_673 {strides = array<i32>} : memref<13312xi32, #tpu.memory_space<vmem>>, vector<16xi32>,
      %mul3A_674 = arith.constant 512 : i32
      %mul3A_675 = arith.muli %scan3A_622, %mul3A_674 : i32
      %add3A_676 = arith.constant 64 : i32
      %add3A_677 = arith.addi %mul3A_675, %add3A_676 : i32
      %get3A_678 = arith.index_cast %add3A_677 : i32 to index
      %get3A_679 = tpu.vector_load %arg11[%get3A_678] {strides = array<i32>} : memref<13312xi32, #tpu.memory_space<vmem>>, vector<16xi32>,
      %get3A_680 = vector.shape_cast %get3A_679 : vector<16xi32> to vector<16xi32>
      %add3A_681 = arith.addi %get3A_680, %broadcast_in_dim3A_625 : vector<16xi32>
      %swap3A_682 = arith.index_cast %add3A_677 : i32 to index
      %swap3A_683 = tpu.vector_load %arg11[%swap3A_682] {strides = array<i32>} : memref<13312xi32, #tpu.memory_space<vmem>>, vector<16xi32>,
      %swap3A_684 = vector.shape_cast %swap3A_683 : vector<16xi32> to vector<16xi32>
      %swap3A_685 = vector.shape_cast %add3A_681 : vector<16xi32> to vector<16xi32>
      tpu.vector_store %arg11[%swap3A_682], %swap3A_685 {strides = array<i32>} : memref<13312xi32, #tpu.memory_space<vmem>>, vector<16xi32>,
      %mul3A_686 = arith.constant 512 : i32
      %mul3A_687 = arith.muli %scan3A_622, %mul3A_686 : i32
      %add3A_688 = arith.constant 80 : i32
      %add3A_689 = arith.addi %mul3A_687, %add3A_688 : i32
      %get3A_690 = arith.index_cast %add3A_689 : i32 to index
      %get3A_691 = tpu.vector_load %arg11[%get3A_690] {strides = array<i32>} : memref<13312xi32, #tpu.memory_space<vmem>>, vector<16xi32>,
      %get3A_692 = vector.shape_cast %get3A_691 : vector<16xi32> to vector<16xi32>
      %add3A_693 = arith.addi %get3A_692, %broadcast_in_dim3A_625 : vector<16xi32>
      %swap3A_694 = arith.index_cast %add3A_689 : i32 to index
      %swap3A_695 = tpu.vector_load %arg11[%swap3A_694] {strides = array<i32>} : memref<13312xi32, #tpu.memory_space<vmem>>, vector<16xi32>,
      %swap3A_696 = vector.shape_cast %swap3A_695 : vector<16xi32> to vector<16xi32>
      %swap3A_697 = vector.shape_cast %add3A_693 : vector<16xi32> to vector<16xi32>
      tpu.vector_store %arg11[%swap3A_694], %swap3A_697 {strides = array<i32>} : memref<13312xi32, #tpu.memory_space<vmem>>, vector<16xi32>,
      %mul3A_698 = arith.constant 512 : i32
      %mul3A_699 = arith.muli %scan3A_622, %mul3A_698 : i32
      %add3A_700 = arith.constant 96 : i32
      %add3A_701 = arith.addi %mul3A_699, %add3A_700 : i32
      %get3A_702 = arith.index_cast %add3A_701 : i32 to index
      %get3A_703 = tpu.vector_load %arg11[%get3A_702] {strides = array<i32>} : memref<13312xi32, #tpu.memory_space<vmem>>, vector<16xi32>,
      %get3A_704 = vector.shape_cast %get3A_703 : vector<16xi32> to vector<16xi32>
      %add3A_705 = arith.addi %get3A_704, %broadcast_in_dim3A_625 : vector<16xi32>
      %swap3A_706 = arith.index_cast %add3A_701 : i32 to index
      %swap3A_707 = tpu.vector_load %arg11[%swap3A_706] {strides = array<i32>} : memref<13312xi32, #tpu.memory_space<vmem>>, vector<16xi32>,
      %swap3A_708 = vector.shape_cast %swap3A_707 : vector<16xi32> to vector<16xi32>
      %swap3A_709 = vector.shape_cast %add3A_705 : vector<16xi32> to vector<16xi32>
      tpu.vector_store %arg11[%swap3A_706], %swap3A_709 {strides = array<i32>} : memref<13312xi32, #tpu.memory_space<vmem>>, vector<16xi32>,
      %mul3A_710 = arith.constant 512 : i32
      %mul3A_711 = arith.muli %scan3A_622, %mul3A_710 : i32
      %add3A_712 = arith.constant 112 : i32
      %add3A_713 = arith.addi %mul3A_711, %add3A_712 : i32
      %get3A_714 = arith.index_cast %add3A_713 : i32 to index
      %get3A_715 = tpu.vector_load %arg11[%get3A_714] {strides = array<i32>} : memref<13312xi32, #tpu.memory_space<vmem>>, vector<16xi32>,
      %get3A_716 = vector.shape_cast %get3A_715 : vector<16xi32> to vector<16xi32>
      %add3A_717 = arith.addi %get3A_716, %broadcast_in_dim3A_625 : vector<16xi32>
      %swap3A_718 = arith.index_cast %add3A_713 : i32 to index
      %swap3A_719 = tpu.vector_load %arg11[%swap3A_718] {strides = array<i32>} : memref<13312xi32, #tpu.memory_space<vmem>>, vector<16xi32>,
      %swap3A_720 = vector.shape_cast %swap3A_719 : vector<16xi32> to vector<16xi32>
      %swap3A_721 = vector.shape_cast %add3A_717 : vector<16xi32> to vector<16xi32>
      tpu.vector_store %arg11[%swap3A_718], %swap3A_721 {strides = array<i32>} : memref<13312xi32, #tpu.memory_space<vmem>>, vector<16xi32>,
      %mul3A_722 = arith.constant 512 : i32
      %mul3A_723 = arith.muli %scan3A_622, %mul3A_722 : i32
      %add3A_724 = arith.constant 128 : i32
      %add3A_725 = arith.addi %mul3A_723, %add3A_724 : i32
      %get3A_726 = arith.index_cast %add3A_725 : i32 to index
      %get3A_727 = tpu.vector_load %arg11[%get3A_726] {strides = array<i32>} : memref<13312xi32, #tpu.memory_space<vmem>>, vector<16xi32>,
      %get3A_728 = vector.shape_cast %get3A_727 : vector<16xi32> to vector<16xi32>
      %add3A_729 = arith.addi %get3A_728, %broadcast_in_dim3A_625 : vector<16xi32>
      %swap3A_730 = arith.index_cast %add3A_725 : i32 to index
      %swap3A_731 = tpu.vector_load %arg11[%swap3A_730] {strides = array<i32>} : memref<13312xi32, #tpu.memory_space<vmem>>, vector<16xi32>,
      %swap3A_732 = vector.shape_cast %swap3A_731 : vector<16xi32> to vector<16xi32>
      %swap3A_733 = vector.shape_cast %add3A_729 : vector<16xi32> to vector<16xi32>
      tpu.vector_store %arg11[%swap3A_730], %swap3A_733 {strides = array<i32>} : memref<13312xi32, #tpu.memory_space<vmem>>, vector<16xi32>,
      %mul3A_734 = arith.constant 512 : i32
      %mul3A_735 = arith.muli %scan3A_622, %mul3A_734 : i32
      %add3A_736 = arith.constant 144 : i32
      %add3A_737 = arith.addi %mul3A_735, %add3A_736 : i32
      %get3A_738 = arith.index_cast %add3A_737 : i32 to index
      %get3A_739 = tpu.vector_load %arg11[%get3A_738] {strides = array<i32>} : memref<13312xi32, #tpu.memory_space<vmem>>, vector<16xi32>,
      %get3A_740 = vector.shape_cast %get3A_739 : vector<16xi32> to vector<16xi32>
      %add3A_741 = arith.addi %get3A_740, %broadcast_in_dim3A_625 : vector<16xi32>
      %swap3A_742 = arith.index_cast %add3A_737 : i32 to index
      %swap3A_743 = tpu.vector_load %arg11[%swap3A_742] {strides = array<i32>} : memref<13312xi32, #tpu.memory_space<vmem>>, vector<16xi32>,
      %swap3A_744 = vector.shape_cast %swap3A_743 : vector<16xi32> to vector<16xi32>
      %swap3A_745 = vector.shape_cast %add3A_741 : vector<16xi32> to vector<16xi32>
      tpu.vector_store %arg11[%swap3A_742], %swap3A_745 {strides = array<i32>} : memref<13312xi32, #tpu.memory_space<vmem>>, vector<16xi32>,
      %mul3A_746 = arith.constant 512 : i32
      %mul3A_747 = arith.muli %scan3A_622, %mul3A_746 : i32
      %add3A_748 = arith.constant 160 : i32
      %add3A_749 = arith.addi %mul3A_747, %add3A_748 : i32
      %get3A_750 = arith.index_cast %add3A_749 : i32 to index
      %get3A_751 = tpu.vector_load %arg11[%get3A_750] {strides = array<i32>} : memref<13312xi32, #tpu.memory_space<vmem>>, vector<16xi32>,
      %get3A_752 = vector.shape_cast %get3A_751 : vector<16xi32> to vector<16xi32>
      %add3A_753 = arith.addi %get3A_752, %broadcast_in_dim3A_625 : vector<16xi32>
      %swap3A_754 = arith.index_cast %add3A_749 : i32 to index
      %swap3A_755 = tpu.vector_load %arg11[%swap3A_754] {strides = array<i32>} : memref<13312xi32, #tpu.memory_space<vmem>>, vector<16xi32>,
      %swap3A_756 = vector.shape_cast %swap3A_755 : vector<16xi32> to vector<16xi32>
      %swap3A_757 = vector.shape_cast %add3A_753 : vector<16xi32> to vector<16xi32>
      tpu.vector_store %arg11[%swap3A_754], %swap3A_757 {strides = array<i32>} : memref<13312xi32, #tpu.memory_space<vmem>>, vector<16xi32>,
      %mul3A_758 = arith.constant 512 : i32
      %mul3A_759 = arith.muli %scan3A_622, %mul3A_758 : i32
      %add3A_760 = arith.constant 176 : i32
      %add3A_761 = arith.addi %mul3A_759, %add3A_760 : i32
      %get3A_762 = arith.index_cast %add3A_761 : i32 to index
      %get3A_763 = tpu.vector_load %arg11[%get3A_762] {strides = array<i32>} : memref<13312xi32, #tpu.memory_space<vmem>>, vector<16xi32>,
      %get3A_764 = vector.shape_cast %get3A_763 : vector<16xi32> to vector<16xi32>
      %add3A_765 = arith.addi %get3A_764, %broadcast_in_dim3A_625 : vector<16xi32>
      %swap3A_766 = arith.index_cast %add3A_761 : i32 to index
      %swap3A_767 = tpu.vector_load %arg11[%swap3A_766] {strides = array<i32>} : memref<13312xi32, #tpu.memory_space<vmem>>, vector<16xi32>,
      %swap3A_768 = vector.shape_cast %swap3A_767 : vector<16xi32> to vector<16xi32>
      %swap3A_769 = vector.shape_cast %add3A_765 : vector<16xi32> to vector<16xi32>
      tpu.vector_store %arg11[%swap3A_766], %swap3A_769 {strides = array<i32>} : memref<13312xi32, #tpu.memory_space<vmem>>, vector<16xi32>,
      %mul3A_770 = arith.constant 512 : i32
      %mul3A_771 = arith.muli %scan3A_622, %mul3A_770 : i32
      %add3A_772 = arith.constant 192 : i32
      %add3A_773 = arith.addi %mul3A_771, %add3A_772 : i32
      %get3A_774 = arith.index_cast %add3A_773 : i32 to index
      %get3A_775 = tpu.vector_load %arg11[%get3A_774] {strides = array<i32>} : memref<13312xi32, #tpu.memory_space<vmem>>, vector<16xi32>,
      %get3A_776 = vector.shape_cast %get3A_775 : vector<16xi32> to vector<16xi32>
      %add3A_777 = arith.addi %get3A_776, %broadcast_in_dim3A_625 : vector<16xi32>
      %swap3A_778 = arith.index_cast %add3A_773 : i32 to index
      %swap3A_779 = tpu.vector_load %arg11[%swap3A_778] {strides = array<i32>} : memref<13312xi32, #tpu.memory_space<vmem>>, vector<16xi32>,
      %swap3A_780 = vector.shape_cast %swap3A_779 : vector<16xi32> to vector<16xi32>
      %swap3A_781 = vector.shape_cast %add3A_777 : vector<16xi32> to vector<16xi32>
      tpu.vector_store %arg11[%swap3A_778], %swap3A_781 {strides = array<i32>} : memref<13312xi32, #tpu.memory_space<vmem>>, vector<16xi32>,
      %mul3A_782 = arith.constant 512 : i32
      %mul3A_783 = arith.muli %scan3A_622, %mul3A_782 : i32
      %add3A_784 = arith.constant 208 : i32
      %add3A_785 = arith.addi %mul3A_783, %add3A_784 : i32
      %get3A_786 = arith.index_cast %add3A_785 : i32 to index
      %get3A_787 = tpu.vector_load %arg11[%get3A_786] {strides = array<i32>} : memref<13312xi32, #tpu.memory_space<vmem>>, vector<16xi32>,
      %get3A_788 = vector.shape_cast %get3A_787 : vector<16xi32> to vector<16xi32>
      %add3A_789 = arith.addi %get3A_788, %broadcast_in_dim3A_625 : vector<16xi32>
      %swap3A_790 = arith.index_cast %add3A_785 : i32 to index
      %swap3A_791 = tpu.vector_load %arg11[%swap3A_790] {strides = array<i32>} : memref<13312xi32, #tpu.memory_space<vmem>>, vector<16xi32>,
      %swap3A_792 = vector.shape_cast %swap3A_791 : vector<16xi32> to vector<16xi32>
      %swap3A_793 = vector.shape_cast %add3A_789 : vector<16xi32> to vector<16xi32>
      tpu.vector_store %arg11[%swap3A_790], %swap3A_793 {strides = array<i32>} : memref<13312xi32, #tpu.memory_space<vmem>>, vector<16xi32>,
      %mul3A_794 = arith.constant 512 : i32
      %mul3A_795 = arith.muli %scan3A_622, %mul3A_794 : i32
      %add3A_796 = arith.constant 224 : i32
      %add3A_797 = arith.addi %mul3A_795, %add3A_796 : i32
      %get3A_798 = arith.index_cast %add3A_797 : i32 to index
      %get3A_799 = tpu.vector_load %arg11[%get3A_798] {strides = array<i32>} : memref<13312xi32, #tpu.memory_space<vmem>>, vector<16xi32>,
      %get3A_800 = vector.shape_cast %get3A_799 : vector<16xi32> to vector<16xi32>
      %add3A_801 = arith.addi %get3A_800, %broadcast_in_dim3A_625 : vector<16xi32>
      %swap3A_802 = arith.index_cast %add3A_797 : i32 to index
      %swap3A_803 = tpu.vector_load %arg11[%swap3A_802] {strides = array<i32>} : memref<13312xi32, #tpu.memory_space<vmem>>, vector<16xi32>,
      %swap3A_804 = vector.shape_cast %swap3A_803 : vector<16xi32> to vector<16xi32>
      %swap3A_805 = vector.shape_cast %add3A_801 : vector<16xi32> to vector<16xi32>
      tpu.vector_store %arg11[%swap3A_802], %swap3A_805 {strides = array<i32>} : memref<13312xi32, #tpu.memory_space<vmem>>, vector<16xi32>,
      %mul3A_806 = arith.constant 512 : i32
      %mul3A_807 = arith.muli %scan3A_622, %mul3A_806 : i32
      %add3A_808 = arith.constant 240 : i32
      %add3A_809 = arith.addi %mul3A_807, %add3A_808 : i32
      %get3A_810 = arith.index_cast %add3A_809 : i32 to index
      %get3A_811 = tpu.vector_load %arg11[%get3A_810] {strides = array<i32>} : memref<13312xi32, #tpu.memory_space<vmem>>, vector<16xi32>,
      %get3A_812 = vector.shape_cast %get3A_811 : vector<16xi32> to vector<16xi32>
      %add3A_813 = arith.addi %get3A_812, %broadcast_in_dim3A_625 : vector<16xi32>
      %swap3A_814 = arith.index_cast %add3A_809 : i32 to index
      %swap3A_815 = tpu.vector_load %arg11[%swap3A_814] {strides = array<i32>} : memref<13312xi32, #tpu.memory_space<vmem>>, vector<16xi32>,
      %swap3A_816 = vector.shape_cast %swap3A_815 : vector<16xi32> to vector<16xi32>
      %swap3A_817 = vector.shape_cast %add3A_813 : vector<16xi32> to vector<16xi32>
      tpu.vector_store %arg11[%swap3A_814], %swap3A_817 {strides = array<i32>} : memref<13312xi32, #tpu.memory_space<vmem>>, vector<16xi32>,
      %mul3A_818 = arith.constant 512 : i32
      %mul3A_819 = arith.muli %scan3A_622, %mul3A_818 : i32
      %add3A_820 = arith.constant 256 : i32
      %add3A_821 = arith.addi %mul3A_819, %add3A_820 : i32
      %get3A_822 = arith.index_cast %add3A_821 : i32 to index
      %get3A_823 = tpu.vector_load %arg11[%get3A_822] {strides = array<i32>} : memref<13312xi32, #tpu.memory_space<vmem>>, vector<16xi32>,
      %get3A_824 = vector.shape_cast %get3A_823 : vector<16xi32> to vector<16xi32>
      %add3A_825 = arith.addi %get3A_824, %broadcast_in_dim3A_625 : vector<16xi32>
      %swap3A_826 = arith.index_cast %add3A_821 : i32 to index
      %swap3A_827 = tpu.vector_load %arg11[%swap3A_826] {strides = array<i32>} : memref<13312xi32, #tpu.memory_space<vmem>>, vector<16xi32>,
      %swap3A_828 = vector.shape_cast %swap3A_827 : vector<16xi32> to vector<16xi32>
      %swap3A_829 = vector.shape_cast %add3A_825 : vector<16xi32> to vector<16xi32>
      tpu.vector_store %arg11[%swap3A_826], %swap3A_829 {strides = array<i32>} : memref<13312xi32, #tpu.memory_space<vmem>>, vector<16xi32>,
      %mul3A_830 = arith.constant 512 : i32
      %mul3A_831 = arith.muli %scan3A_622, %mul3A_830 : i32
      %add3A_832 = arith.constant 272 : i32
      %add3A_833 = arith.addi %mul3A_831, %add3A_832 : i32
      %get3A_834 = arith.index_cast %add3A_833 : i32 to index
      %get3A_835 = tpu.vector_load %arg11[%get3A_834] {strides = array<i32>} : memref<13312xi32, #tpu.memory_space<vmem>>, vector<16xi32>,
      %get3A_836 = vector.shape_cast %get3A_835 : vector<16xi32> to vector<16xi32>
      %add3A_837 = arith.addi %get3A_836, %broadcast_in_dim3A_625 : vector<16xi32>
      %swap3A_838 = arith.index_cast %add3A_833 : i32 to index
      %swap3A_839 = tpu.vector_load %arg11[%swap3A_838] {strides = array<i32>} : memref<13312xi32, #tpu.memory_space<vmem>>, vector<16xi32>,
      %swap3A_840 = vector.shape_cast %swap3A_839 : vector<16xi32> to vector<16xi32>
      %swap3A_841 = vector.shape_cast %add3A_837 : vector<16xi32> to vector<16xi32>
      tpu.vector_store %arg11[%swap3A_838], %swap3A_841 {strides = array<i32>} : memref<13312xi32, #tpu.memory_space<vmem>>, vector<16xi32>,
      %mul3A_842 = arith.constant 512 : i32
      %mul3A_843 = arith.muli %scan3A_622, %mul3A_842 : i32
      %add3A_844 = arith.constant 288 : i32
      %add3A_845 = arith.addi %mul3A_843, %add3A_844 : i32
      %get3A_846 = arith.index_cast %add3A_845 : i32 to index
      %get3A_847 = tpu.vector_load %arg11[%get3A_846] {strides = array<i32>} : memref<13312xi32, #tpu.memory_space<vmem>>, vector<16xi32>,
      %get3A_848 = vector.shape_cast %get3A_847 : vector<16xi32> to vector<16xi32>
      %add3A_849 = arith.addi %get3A_848, %broadcast_in_dim3A_625 : vector<16xi32>
      %swap3A_850 = arith.index_cast %add3A_845 : i32 to index
      %swap3A_851 = tpu.vector_load %arg11[%swap3A_850] {strides = array<i32>} : memref<13312xi32, #tpu.memory_space<vmem>>, vector<16xi32>,
      %swap3A_852 = vector.shape_cast %swap3A_851 : vector<16xi32> to vector<16xi32>
      %swap3A_853 = vector.shape_cast %add3A_849 : vector<16xi32> to vector<16xi32>
      tpu.vector_store %arg11[%swap3A_850], %swap3A_853 {strides = array<i32>} : memref<13312xi32, #tpu.memory_space<vmem>>, vector<16xi32>,
      %mul3A_854 = arith.constant 512 : i32
      %mul3A_855 = arith.muli %scan3A_622, %mul3A_854 : i32
      %add3A_856 = arith.constant 304 : i32
      %add3A_857 = arith.addi %mul3A_855, %add3A_856 : i32
      %get3A_858 = arith.index_cast %add3A_857 : i32 to index
      %get3A_859 = tpu.vector_load %arg11[%get3A_858] {strides = array<i32>} : memref<13312xi32, #tpu.memory_space<vmem>>, vector<16xi32>,
      %get3A_860 = vector.shape_cast %get3A_859 : vector<16xi32> to vector<16xi32>
      %add3A_861 = arith.addi %get3A_860, %broadcast_in_dim3A_625 : vector<16xi32>
      %swap3A_862 = arith.index_cast %add3A_857 : i32 to index
      %swap3A_863 = tpu.vector_load %arg11[%swap3A_862] {strides = array<i32>} : memref<13312xi32, #tpu.memory_space<vmem>>, vector<16xi32>,
      %swap3A_864 = vector.shape_cast %swap3A_863 : vector<16xi32> to vector<16xi32>
      %swap3A_865 = vector.shape_cast %add3A_861 : vector<16xi32> to vector<16xi32>
      tpu.vector_store %arg11[%swap3A_862], %swap3A_865 {strides = array<i32>} : memref<13312xi32, #tpu.memory_space<vmem>>, vector<16xi32>,
      %mul3A_866 = arith.constant 512 : i32
      %mul3A_867 = arith.muli %scan3A_622, %mul3A_866 : i32
      %add3A_868 = arith.constant 320 : i32
      %add3A_869 = arith.addi %mul3A_867, %add3A_868 : i32
      %get3A_870 = arith.index_cast %add3A_869 : i32 to index
      %get3A_871 = tpu.vector_load %arg11[%get3A_870] {strides = array<i32>} : memref<13312xi32, #tpu.memory_space<vmem>>, vector<16xi32>,
      %get3A_872 = vector.shape_cast %get3A_871 : vector<16xi32> to vector<16xi32>
      %add3A_873 = arith.addi %get3A_872, %broadcast_in_dim3A_625 : vector<16xi32>
      %swap3A_874 = arith.index_cast %add3A_869 : i32 to index
      %swap3A_875 = tpu.vector_load %arg11[%swap3A_874] {strides = array<i32>} : memref<13312xi32, #tpu.memory_space<vmem>>, vector<16xi32>,
      %swap3A_876 = vector.shape_cast %swap3A_875 : vector<16xi32> to vector<16xi32>
      %swap3A_877 = vector.shape_cast %add3A_873 : vector<16xi32> to vector<16xi32>
      tpu.vector_store %arg11[%swap3A_874], %swap3A_877 {strides = array<i32>} : memref<13312xi32, #tpu.memory_space<vmem>>, vector<16xi32>,
      %mul3A_878 = arith.constant 512 : i32
      %mul3A_879 = arith.muli %scan3A_622, %mul3A_878 : i32
      %add3A_880 = arith.constant 336 : i32
      %add3A_881 = arith.addi %mul3A_879, %add3A_880 : i32
      %get3A_882 = arith.index_cast %add3A_881 : i32 to index
      %get3A_883 = tpu.vector_load %arg11[%get3A_882] {strides = array<i32>} : memref<13312xi32, #tpu.memory_space<vmem>>, vector<16xi32>,
      %get3A_884 = vector.shape_cast %get3A_883 : vector<16xi32> to vector<16xi32>
      %add3A_885 = arith.addi %get3A_884, %broadcast_in_dim3A_625 : vector<16xi32>
      %swap3A_886 = arith.index_cast %add3A_881 : i32 to index
      %swap3A_887 = tpu.vector_load %arg11[%swap3A_886] {strides = array<i32>} : memref<13312xi32, #tpu.memory_space<vmem>>, vector<16xi32>,
      %swap3A_888 = vector.shape_cast %swap3A_887 : vector<16xi32> to vector<16xi32>
      %swap3A_889 = vector.shape_cast %add3A_885 : vector<16xi32> to vector<16xi32>
      tpu.vector_store %arg11[%swap3A_886], %swap3A_889 {strides = array<i32>} : memref<13312xi32, #tpu.memory_space<vmem>>, vector<16xi32>,
      %mul3A_890 = arith.constant 512 : i32
      %mul3A_891 = arith.muli %scan3A_622, %mul3A_890 : i32
      %add3A_892 = arith.constant 352 : i32
      %add3A_893 = arith.addi %mul3A_891, %add3A_892 : i32
      %get3A_894 = arith.index_cast %add3A_893 : i32 to index
      %get3A_895 = tpu.vector_load %arg11[%get3A_894] {strides = array<i32>} : memref<13312xi32, #tpu.memory_space<vmem>>, vector<16xi32>,
      %get3A_896 = vector.shape_cast %get3A_895 : vector<16xi32> to vector<16xi32>
      %add3A_897 = arith.addi %get3A_896, %broadcast_in_dim3A_625 : vector<16xi32>
      %swap3A_898 = arith.index_cast %add3A_893 : i32 to index
      %swap3A_899 = tpu.vector_load %arg11[%swap3A_898] {strides = array<i32>} : memref<13312xi32, #tpu.memory_space<vmem>>, vector<16xi32>,
      %swap3A_900 = vector.shape_cast %swap3A_899 : vector<16xi32> to vector<16xi32>
      %swap3A_901 = vector.shape_cast %add3A_897 : vector<16xi32> to vector<16xi32>
      tpu.vector_store %arg11[%swap3A_898], %swap3A_901 {strides = array<i32>} : memref<13312xi32, #tpu.memory_space<vmem>>, vector<16xi32>,
      %mul3A_902 = arith.constant 512 : i32
      %mul3A_903 = arith.muli %scan3A_622, %mul3A_902 : i32
      %add3A_904 = arith.constant 368 : i32
      %add3A_905 = arith.addi %mul3A_903, %add3A_904 : i32
      %get3A_906 = arith.index_cast %add3A_905 : i32 to index
      %get3A_907 = tpu.vector_load %arg11[%get3A_906] {strides = array<i32>} : memref<13312xi32, #tpu.memory_space<vmem>>, vector<16xi32>,
      %get3A_908 = vector.shape_cast %get3A_907 : vector<16xi32> to vector<16xi32>
      %add3A_909 = arith.addi %get3A_908, %broadcast_in_dim3A_625 : vector<16xi32>
      %swap3A_910 = arith.index_cast %add3A_905 : i32 to index
      %swap3A_911 = tpu.vector_load %arg11[%swap3A_910] {strides = array<i32>} : memref<13312xi32, #tpu.memory_space<vmem>>, vector<16xi32>,
      %swap3A_912 = vector.shape_cast %swap3A_911 : vector<16xi32> to vector<16xi32>
      %swap3A_913 = vector.shape_cast %add3A_909 : vector<16xi32> to vector<16xi32>
      tpu.vector_store %arg11[%swap3A_910], %swap3A_913 {strides = array<i32>} : memref<13312xi32, #tpu.memory_space<vmem>>, vector<16xi32>,
      %mul3A_914 = arith.constant 512 : i32
      %mul3A_915 = arith.muli %scan3A_622, %mul3A_914 : i32
      %add3A_916 = arith.constant 384 : i32
      %add3A_917 = arith.addi %mul3A_915, %add3A_916 : i32
      %get3A_918 = arith.index_cast %add3A_917 : i32 to index
      %get3A_919 = tpu.vector_load %arg11[%get3A_918] {strides = array<i32>} : memref<13312xi32, #tpu.memory_space<vmem>>, vector<16xi32>,
      %get3A_920 = vector.shape_cast %get3A_919 : vector<16xi32> to vector<16xi32>
      %add3A_921 = arith.addi %get3A_920, %broadcast_in_dim3A_625 : vector<16xi32>
      %swap3A_922 = arith.index_cast %add3A_917 : i32 to index
      %swap3A_923 = tpu.vector_load %arg11[%swap3A_922] {strides = array<i32>} : memref<13312xi32, #tpu.memory_space<vmem>>, vector<16xi32>,
      %swap3A_924 = vector.shape_cast %swap3A_923 : vector<16xi32> to vector<16xi32>
      %swap3A_925 = vector.shape_cast %add3A_921 : vector<16xi32> to vector<16xi32>
      tpu.vector_store %arg11[%swap3A_922], %swap3A_925 {strides = array<i32>} : memref<13312xi32, #tpu.memory_space<vmem>>, vector<16xi32>,
      %mul3A_926 = arith.constant 512 : i32
      %mul3A_927 = arith.muli %scan3A_622, %mul3A_926 : i32
      %add3A_928 = arith.constant 400 : i32
      %add3A_929 = arith.addi %mul3A_927, %add3A_928 : i32
      %get3A_930 = arith.index_cast %add3A_929 : i32 to index
      %get3A_931 = tpu.vector_load %arg11[%get3A_930] {strides = array<i32>} : memref<13312xi32, #tpu.memory_space<vmem>>, vector<16xi32>,
      %get3A_932 = vector.shape_cast %get3A_931 : vector<16xi32> to vector<16xi32>
      %add3A_933 = arith.addi %get3A_932, %broadcast_in_dim3A_625 : vector<16xi32>
      %swap3A_934 = arith.index_cast %add3A_929 : i32 to index
      %swap3A_935 = tpu.vector_load %arg11[%swap3A_934] {strides = array<i32>} : memref<13312xi32, #tpu.memory_space<vmem>>, vector<16xi32>,
      %swap3A_936 = vector.shape_cast %swap3A_935 : vector<16xi32> to vector<16xi32>
      %swap3A_937 = vector.shape_cast %add3A_933 : vector<16xi32> to vector<16xi32>
      tpu.vector_store %arg11[%swap3A_934], %swap3A_937 {strides = array<i32>} : memref<13312xi32, #tpu.memory_space<vmem>>, vector<16xi32>,
      %mul3A_938 = arith.constant 512 : i32
      %mul3A_939 = arith.muli %scan3A_622, %mul3A_938 : i32
      %add3A_940 = arith.constant 416 : i32
      %add3A_941 = arith.addi %mul3A_939, %add3A_940 : i32
      %get3A_942 = arith.index_cast %add3A_941 : i32 to index
      %get3A_943 = tpu.vector_load %arg11[%get3A_942] {strides = array<i32>} : memref<13312xi32, #tpu.memory_space<vmem>>, vector<16xi32>,
      %get3A_944 = vector.shape_cast %get3A_943 : vector<16xi32> to vector<16xi32>
      %add3A_945 = arith.addi %get3A_944, %broadcast_in_dim3A_625 : vector<16xi32>
      %swap3A_946 = arith.index_cast %add3A_941 : i32 to index
      %swap3A_947 = tpu.vector_load %arg11[%swap3A_946] {strides = array<i32>} : memref<13312xi32, #tpu.memory_space<vmem>>, vector<16xi32>,
      %swap3A_948 = vector.shape_cast %swap3A_947 : vector<16xi32> to vector<16xi32>
      %swap3A_949 = vector.shape_cast %add3A_945 : vector<16xi32> to vector<16xi32>
      tpu.vector_store %arg11[%swap3A_946], %swap3A_949 {strides = array<i32>} : memref<13312xi32, #tpu.memory_space<vmem>>, vector<16xi32>,
      %mul3A_950 = arith.constant 512 : i32
      %mul3A_951 = arith.muli %scan3A_622, %mul3A_950 : i32
      %add3A_952 = arith.constant 432 : i32
      %add3A_953 = arith.addi %mul3A_951, %add3A_952 : i32
      %get3A_954 = arith.index_cast %add3A_953 : i32 to index
      %get3A_955 = tpu.vector_load %arg11[%get3A_954] {strides = array<i32>} : memref<13312xi32, #tpu.memory_space<vmem>>, vector<16xi32>,
      %get3A_956 = vector.shape_cast %get3A_955 : vector<16xi32> to vector<16xi32>
      %add3A_957 = arith.addi %get3A_956, %broadcast_in_dim3A_625 : vector<16xi32>
      %swap3A_958 = arith.index_cast %add3A_953 : i32 to index
      %swap3A_959 = tpu.vector_load %arg11[%swap3A_958] {strides = array<i32>} : memref<13312xi32, #tpu.memory_space<vmem>>, vector<16xi32>,
      %swap3A_960 = vector.shape_cast %swap3A_959 : vector<16xi32> to vector<16xi32>
      %swap3A_961 = vector.shape_cast %add3A_957 : vector<16xi32> to vector<16xi32>
      tpu.vector_store %arg11[%swap3A_958], %swap3A_961 {strides = array<i32>} : memref<13312xi32, #tpu.memory_space<vmem>>, vector<16xi32>,
      %mul3A_962 = arith.constant 512 : i32
      %mul3A_963 = arith.muli %scan3A_622, %mul3A_962 : i32
      %add3A_964 = arith.constant 448 : i32
      %add3A_965 = arith.addi %mul3A_963, %add3A_964 : i32
      %get3A_966 = arith.index_cast %add3A_965 : i32 to index
      %get3A_967 = tpu.vector_load %arg11[%get3A_966] {strides = array<i32>} : memref<13312xi32, #tpu.memory_space<vmem>>, vector<16xi32>,
      %get3A_968 = vector.shape_cast %get3A_967 : vector<16xi32> to vector<16xi32>
      %add3A_969 = arith.addi %get3A_968, %broadcast_in_dim3A_625 : vector<16xi32>
      %swap3A_970 = arith.index_cast %add3A_965 : i32 to index
      %swap3A_971 = tpu.vector_load %arg11[%swap3A_970] {strides = array<i32>} : memref<13312xi32, #tpu.memory_space<vmem>>, vector<16xi32>,
      %swap3A_972 = vector.shape_cast %swap3A_971 : vector<16xi32> to vector<16xi32>
      %swap3A_973 = vector.shape_cast %add3A_969 : vector<16xi32> to vector<16xi32>
      tpu.vector_store %arg11[%swap3A_970], %swap3A_973 {strides = array<i32>} : memref<13312xi32, #tpu.memory_space<vmem>>, vector<16xi32>,
      %mul3A_974 = arith.constant 512 : i32
      %mul3A_975 = arith.muli %scan3A_622, %mul3A_974 : i32
      %add3A_976 = arith.constant 464 : i32
      %add3A_977 = arith.addi %mul3A_975, %add3A_976 : i32
      %get3A_978 = arith.index_cast %add3A_977 : i32 to index
      %get3A_979 = tpu.vector_load %arg11[%get3A_978] {strides = array<i32>} : memref<13312xi32, #tpu.memory_space<vmem>>, vector<16xi32>,
      %get3A_980 = vector.shape_cast %get3A_979 : vector<16xi32> to vector<16xi32>
      %add3A_981 = arith.addi %get3A_980, %broadcast_in_dim3A_625 : vector<16xi32>
      %swap3A_982 = arith.index_cast %add3A_977 : i32 to index
      %swap3A_983 = tpu.vector_load %arg11[%swap3A_982] {strides = array<i32>} : memref<13312xi32, #tpu.memory_space<vmem>>, vector<16xi32>,
      %swap3A_984 = vector.shape_cast %swap3A_983 : vector<16xi32> to vector<16xi32>
      %swap3A_985 = vector.shape_cast %add3A_981 : vector<16xi32> to vector<16xi32>
      tpu.vector_store %arg11[%swap3A_982], %swap3A_985 {strides = array<i32>} : memref<13312xi32, #tpu.memory_space<vmem>>, vector<16xi32>,
      %mul3A_986 = arith.constant 512 : i32
      %mul3A_987 = arith.muli %scan3A_622, %mul3A_986 : i32
      %add3A_988 = arith.constant 480 : i32
      %add3A_989 = arith.addi %mul3A_987, %add3A_988 : i32
      %get3A_990 = arith.index_cast %add3A_989 : i32 to index
      %get3A_991 = tpu.vector_load %arg11[%get3A_990] {strides = array<i32>} : memref<13312xi32, #tpu.memory_space<vmem>>, vector<16xi32>,
      %get3A_992 = vector.shape_cast %get3A_991 : vector<16xi32> to vector<16xi32>
      %add3A_993 = arith.addi %get3A_992, %broadcast_in_dim3A_625 : vector<16xi32>
      %swap3A_994 = arith.index_cast %add3A_989 : i32 to index
      %swap3A_995 = tpu.vector_load %arg11[%swap3A_994] {strides = array<i32>} : memref<13312xi32, #tpu.memory_space<vmem>>, vector<16xi32>,
      %swap3A_996 = vector.shape_cast %swap3A_995 : vector<16xi32> to vector<16xi32>
      %swap3A_997 = vector.shape_cast %add3A_993 : vector<16xi32> to vector<16xi32>
      tpu.vector_store %arg11[%swap3A_994], %swap3A_997 {strides = array<i32>} : memref<13312xi32, #tpu.memory_space<vmem>>, vector<16xi32>,
      %mul3A_998 = arith.constant 512 : i32
      %mul3A_999 = arith.muli %scan3A_622, %mul3A_998 : i32
      %add3A_1000 = arith.constant 496 : i32
      %add3A_1001 = arith.addi %mul3A_999, %add3A_1000 : i32
      %get3A_1002 = arith.index_cast %add3A_1001 : i32 to index
      %get3A_1003 = tpu.vector_load %arg11[%get3A_1002] {strides = array<i32>} : memref<13312xi32, #tpu.memory_space<vmem>>, vector<16xi32>,
      %get3A_1004 = vector.shape_cast %get3A_1003 : vector<16xi32> to vector<16xi32>
      %add3A_1005 = arith.addi %get3A_1004, %broadcast_in_dim3A_625 : vector<16xi32>
      %swap3A_1006 = arith.index_cast %add3A_1001 : i32 to index
      %swap3A_1007 = tpu.vector_load %arg11[%swap3A_1006] {strides = array<i32>} : memref<13312xi32, #tpu.memory_space<vmem>>, vector<16xi32>,
      %swap3A_1008 = vector.shape_cast %swap3A_1007 : vector<16xi32> to vector<16xi32>
      %swap3A_1009 = vector.shape_cast %add3A_1005 : vector<16xi32> to vector<16xi32>
      tpu.vector_store %arg11[%swap3A_1006], %swap3A_1009 {strides = array<i32>} : memref<13312xi32, #tpu.memory_space<vmem>>, vector<16xi32>,
    }
    %scan3A_6 = arith.constant 26 : i32
    %dma_start3A_7 = arith.constant 0 : i32
    %dma_start3A_8 = tpu.memref_slice %arg2[%dma_start3A_7] : memref<26000000xf32, #tpu.memory_space<hbm>> -> memref<26000000xf32, #tpu.memory_space<hbm>>
    tpu.enqueue_indirect_dma source(%dma_start3A_8 : memref<26000000xf32, #tpu.memory_space<hbm>>) target(%arg13 : memref<13312xf32, #tpu.memory_space<vmem>>) offsets(%arg11 : memref<13312xi32, #tpu.memory_space<vmem>>) semaphore(%arg21 : memref<!tpu.dma_semaphore, #tpu.memory_space<semaphore_mem>>)
    %dma_wait3A = arith.constant 0 : i32
    %dma_wait3A_9 = tpu.memref_slice %arg3[%dma_wait3A] : memref<425984xi32, #tpu.memory_space<hbm>> -> memref<425984xi32, #tpu.memory_space<hbm>>
    tpu.wait_indirect_dma semaphore(%arg20 : memref<!tpu.dma_semaphore, #tpu.memory_space<semaphore_mem>>) src(%dma_wait3A_9 : memref<425984xi32, #tpu.memory_space<hbm>>) dst(%arg12 : memref<13312xi32, #tpu.memory_space<vmem>>)
    %scan3A_10 = arith.constant 0 : i32
    %scan3A_11 = arith.constant 0 : i32
    %scan3A_12 = arith.constant 26 : i32
    %scan3A_13 = arith.addi %scan3A_11, %scan3A_12 : i32
    %scan3A_14 = arith.constant 1 : i32
    scf.for %scan3A_622 = %scan3A_11 to %scan3A_13 step %scan3A_14  : i32 {
      %mul3A_623 = arith.constant 1000000 : i32
      %mul3A_624 = arith.muli %scan3A_622, %mul3A_623 : i32
      %broadcast_in_dim3A_625 = vector.broadcast %mul3A_624 : i32 to vector<16xi32>
      %mul3A_626 = arith.constant 512 : i32
      %mul3A_627 = arith.muli %scan3A_622, %mul3A_626 : i32
      %add3A_628 = arith.constant 0 : i32
      %add3A_629 = arith.addi %mul3A_627, %add3A_628 : i32
      %get3A_630 = arith.index_cast %add3A_629 : i32 to index
      %get3A_631 = tpu.vector_load %arg12[%get3A_630] {strides = array<i32>} : memref<13312xi32, #tpu.memory_space<vmem>>, vector<16xi32>,
      %get3A_632 = vector.shape_cast %get3A_631 : vector<16xi32> to vector<16xi32>
      %add3A_633 = arith.addi %get3A_632, %broadcast_in_dim3A_625 : vector<16xi32>
      %swap3A_634 = arith.index_cast %add3A_629 : i32 to index
      %swap3A_635 = tpu.vector_load %arg12[%swap3A_634] {strides = array<i32>} : memref<13312xi32, #tpu.memory_space<vmem>>, vector<16xi32>,
      %swap3A_636 = vector.shape_cast %swap3A_635 : vector<16xi32> to vector<16xi32>
      %swap3A_637 = vector.shape_cast %add3A_633 : vector<16xi32> to vector<16xi32>
      tpu.vector_store %arg12[%swap3A_634], %swap3A_637 {strides = array<i32>} : memref<13312xi32, #tpu.memory_space<vmem>>, vector<16xi32>,
      %mul3A_638 = arith.constant 512 : i32
      %mul3A_639 = arith.muli %scan3A_622, %mul3A_638 : i32
      %add3A_640 = arith.constant 16 : i32
      %add3A_641 = arith.addi %mul3A_639, %add3A_640 : i32
      %get3A_642 = arith.index_cast %add3A_641 : i32 to index
      %get3A_643 = tpu.vector_load %arg12[%get3A_642] {strides = array<i32>} : memref<13312xi32, #tpu.memory_space<vmem>>, vector<16xi32>,
      %get3A_644 = vector.shape_cast %get3A_643 : vector<16xi32> to vector<16xi32>
      %add3A_645 = arith.addi %get3A_644, %broadcast_in_dim3A_625 : vector<16xi32>
      %swap3A_646 = arith.index_cast %add3A_641 : i32 to index
      %swap3A_647 = tpu.vector_load %arg12[%swap3A_646] {strides = array<i32>} : memref<13312xi32, #tpu.memory_space<vmem>>, vector<16xi32>,
      %swap3A_648 = vector.shape_cast %swap3A_647 : vector<16xi32> to vector<16xi32>
      %swap3A_649 = vector.shape_cast %add3A_645 : vector<16xi32> to vector<16xi32>
      tpu.vector_store %arg12[%swap3A_646], %swap3A_649 {strides = array<i32>} : memref<13312xi32, #tpu.memory_space<vmem>>, vector<16xi32>,
      %mul3A_650 = arith.constant 512 : i32
      %mul3A_651 = arith.muli %scan3A_622, %mul3A_650 : i32
      %add3A_652 = arith.constant 32 : i32
      %add3A_653 = arith.addi %mul3A_651, %add3A_652 : i32
      %get3A_654 = arith.index_cast %add3A_653 : i32 to index
      %get3A_655 = tpu.vector_load %arg12[%get3A_654] {strides = array<i32>} : memref<13312xi32, #tpu.memory_space<vmem>>, vector<16xi32>,
      %get3A_656 = vector.shape_cast %get3A_655 : vector<16xi32> to vector<16xi32>
      %add3A_657 = arith.addi %get3A_656, %broadcast_in_dim3A_625 : vector<16xi32>
      %swap3A_658 = arith.index_cast %add3A_653 : i32 to index
      %swap3A_659 = tpu.vector_load %arg12[%swap3A_658] {strides = array<i32>} : memref<13312xi32, #tpu.memory_space<vmem>>, vector<16xi32>,
      %swap3A_660 = vector.shape_cast %swap3A_659 : vector<16xi32> to vector<16xi32>
      %swap3A_661 = vector.shape_cast %add3A_657 : vector<16xi32> to vector<16xi32>
      tpu.vector_store %arg12[%swap3A_658], %swap3A_661 {strides = array<i32>} : memref<13312xi32, #tpu.memory_space<vmem>>, vector<16xi32>,
      %mul3A_662 = arith.constant 512 : i32
      %mul3A_663 = arith.muli %scan3A_622, %mul3A_662 : i32
      %add3A_664 = arith.constant 48 : i32
      %add3A_665 = arith.addi %mul3A_663, %add3A_664 : i32
      %get3A_666 = arith.index_cast %add3A_665 : i32 to index
      %get3A_667 = tpu.vector_load %arg12[%get3A_666] {strides = array<i32>} : memref<13312xi32, #tpu.memory_space<vmem>>, vector<16xi32>,
      %get3A_668 = vector.shape_cast %get3A_667 : vector<16xi32> to vector<16xi32>
      %add3A_669 = arith.addi %get3A_668, %broadcast_in_dim3A_625 : vector<16xi32>
      %swap3A_670 = arith.index_cast %add3A_665 : i32 to index
      %swap3A_671 = tpu.vector_load %arg12[%swap3A_670] {strides = array<i32>} : memref<13312xi32, #tpu.memory_space<vmem>>, vector<16xi32>,
      %swap3A_672 = vector.shape_cast %swap3A_671 : vector<16xi32> to vector<16xi32>
      %swap3A_673 = vector.shape_cast %add3A_669 : vector<16xi32> to vector<16xi32>
      tpu.vector_store %arg12[%swap3A_670], %swap3A_673 {strides = array<i32>} : memref<13312xi32, #tpu.memory_space<vmem>>, vector<16xi32>,
      %mul3A_674 = arith.constant 512 : i32
      %mul3A_675 = arith.muli %scan3A_622, %mul3A_674 : i32
      %add3A_676 = arith.constant 64 : i32
      %add3A_677 = arith.addi %mul3A_675, %add3A_676 : i32
      %get3A_678 = arith.index_cast %add3A_677 : i32 to index
      %get3A_679 = tpu.vector_load %arg12[%get3A_678] {strides = array<i32>} : memref<13312xi32, #tpu.memory_space<vmem>>, vector<16xi32>,
      %get3A_680 = vector.shape_cast %get3A_679 : vector<16xi32> to vector<16xi32>
      %add3A_681 = arith.addi %get3A_680, %broadcast_in_dim3A_625 : vector<16xi32>
      %swap3A_682 = arith.index_cast %add3A_677 : i32 to index
      %swap3A_683 = tpu.vector_load %arg12[%swap3A_682] {strides = array<i32>} : memref<13312xi32, #tpu.memory_space<vmem>>, vector<16xi32>,
      %swap3A_684 = vector.shape_cast %swap3A_683 : vector<16xi32> to vector<16xi32>
      %swap3A_685 = vector.shape_cast %add3A_681 : vector<16xi32> to vector<16xi32>
      tpu.vector_store %arg12[%swap3A_682], %swap3A_685 {strides = array<i32>} : memref<13312xi32, #tpu.memory_space<vmem>>, vector<16xi32>,
      %mul3A_686 = arith.constant 512 : i32
      %mul3A_687 = arith.muli %scan3A_622, %mul3A_686 : i32
      %add3A_688 = arith.constant 80 : i32
      %add3A_689 = arith.addi %mul3A_687, %add3A_688 : i32
      %get3A_690 = arith.index_cast %add3A_689 : i32 to index
      %get3A_691 = tpu.vector_load %arg12[%get3A_690] {strides = array<i32>} : memref<13312xi32, #tpu.memory_space<vmem>>, vector<16xi32>,
      %get3A_692 = vector.shape_cast %get3A_691 : vector<16xi32> to vector<16xi32>
      %add3A_693 = arith.addi %get3A_692, %broadcast_in_dim3A_625 : vector<16xi32>
      %swap3A_694 = arith.index_cast %add3A_689 : i32 to index
      %swap3A_695 = tpu.vector_load %arg12[%swap3A_694] {strides = array<i32>} : memref<13312xi32, #tpu.memory_space<vmem>>, vector<16xi32>,
      %swap3A_696 = vector.shape_cast %swap3A_695 : vector<16xi32> to vector<16xi32>
      %swap3A_697 = vector.shape_cast %add3A_693 : vector<16xi32> to vector<16xi32>
      tpu.vector_store %arg12[%swap3A_694], %swap3A_697 {strides = array<i32>} : memref<13312xi32, #tpu.memory_space<vmem>>, vector<16xi32>,
      %mul3A_698 = arith.constant 512 : i32
      %mul3A_699 = arith.muli %scan3A_622, %mul3A_698 : i32
      %add3A_700 = arith.constant 96 : i32
      %add3A_701 = arith.addi %mul3A_699, %add3A_700 : i32
      %get3A_702 = arith.index_cast %add3A_701 : i32 to index
      %get3A_703 = tpu.vector_load %arg12[%get3A_702] {strides = array<i32>} : memref<13312xi32, #tpu.memory_space<vmem>>, vector<16xi32>,
      %get3A_704 = vector.shape_cast %get3A_703 : vector<16xi32> to vector<16xi32>
      %add3A_705 = arith.addi %get3A_704, %broadcast_in_dim3A_625 : vector<16xi32>
      %swap3A_706 = arith.index_cast %add3A_701 : i32 to index
      %swap3A_707 = tpu.vector_load %arg12[%swap3A_706] {strides = array<i32>} : memref<13312xi32, #tpu.memory_space<vmem>>, vector<16xi32>,
      %swap3A_708 = vector.shape_cast %swap3A_707 : vector<16xi32> to vector<16xi32>
      %swap3A_709 = vector.shape_cast %add3A_705 : vector<16xi32> to vector<16xi32>
      tpu.vector_store %arg12[%swap3A_706], %swap3A_709 {strides = array<i32>} : memref<13312xi32, #tpu.memory_space<vmem>>, vector<16xi32>,
      %mul3A_710 = arith.constant 512 : i32
      %mul3A_711 = arith.muli %scan3A_622, %mul3A_710 : i32
      %add3A_712 = arith.constant 112 : i32
      %add3A_713 = arith.addi %mul3A_711, %add3A_712 : i32
      %get3A_714 = arith.index_cast %add3A_713 : i32 to index
      %get3A_715 = tpu.vector_load %arg12[%get3A_714] {strides = array<i32>} : memref<13312xi32, #tpu.memory_space<vmem>>, vector<16xi32>,
      %get3A_716 = vector.shape_cast %get3A_715 : vector<16xi32> to vector<16xi32>
      %add3A_717 = arith.addi %get3A_716, %broadcast_in_dim3A_625 : vector<16xi32>
      %swap3A_718 = arith.index_cast %add3A_713 : i32 to index
      %swap3A_719 = tpu.vector_load %arg12[%swap3A_718] {strides = array<i32>} : memref<13312xi32, #tpu.memory_space<vmem>>, vector<16xi32>,
      %swap3A_720 = vector.shape_cast %swap3A_719 : vector<16xi32> to vector<16xi32>
      %swap3A_721 = vector.shape_cast %add3A_717 : vector<16xi32> to vector<16xi32>
      tpu.vector_store %arg12[%swap3A_718], %swap3A_721 {strides = array<i32>} : memref<13312xi32, #tpu.memory_space<vmem>>, vector<16xi32>,
      %mul3A_722 = arith.constant 512 : i32
      %mul3A_723 = arith.muli %scan3A_622, %mul3A_722 : i32
      %add3A_724 = arith.constant 128 : i32
      %add3A_725 = arith.addi %mul3A_723, %add3A_724 : i32
      %get3A_726 = arith.index_cast %add3A_725 : i32 to index
      %get3A_727 = tpu.vector_load %arg12[%get3A_726] {strides = array<i32>} : memref<13312xi32, #tpu.memory_space<vmem>>, vector<16xi32>,
      %get3A_728 = vector.shape_cast %get3A_727 : vector<16xi32> to vector<16xi32>
      %add3A_729 = arith.addi %get3A_728, %broadcast_in_dim3A_625 : vector<16xi32>
      %swap3A_730 = arith.index_cast %add3A_725 : i32 to index
      %swap3A_731 = tpu.vector_load %arg12[%swap3A_730] {strides = array<i32>} : memref<13312xi32, #tpu.memory_space<vmem>>, vector<16xi32>,
      %swap3A_732 = vector.shape_cast %swap3A_731 : vector<16xi32> to vector<16xi32>
      %swap3A_733 = vector.shape_cast %add3A_729 : vector<16xi32> to vector<16xi32>
      tpu.vector_store %arg12[%swap3A_730], %swap3A_733 {strides = array<i32>} : memref<13312xi32, #tpu.memory_space<vmem>>, vector<16xi32>,
      %mul3A_734 = arith.constant 512 : i32
      %mul3A_735 = arith.muli %scan3A_622, %mul3A_734 : i32
      %add3A_736 = arith.constant 144 : i32
      %add3A_737 = arith.addi %mul3A_735, %add3A_736 : i32
      %get3A_738 = arith.index_cast %add3A_737 : i32 to index
      %get3A_739 = tpu.vector_load %arg12[%get3A_738] {strides = array<i32>} : memref<13312xi32, #tpu.memory_space<vmem>>, vector<16xi32>,
      %get3A_740 = vector.shape_cast %get3A_739 : vector<16xi32> to vector<16xi32>
      %add3A_741 = arith.addi %get3A_740, %broadcast_in_dim3A_625 : vector<16xi32>
      %swap3A_742 = arith.index_cast %add3A_737 : i32 to index
      %swap3A_743 = tpu.vector_load %arg12[%swap3A_742] {strides = array<i32>} : memref<13312xi32, #tpu.memory_space<vmem>>, vector<16xi32>,
      %swap3A_744 = vector.shape_cast %swap3A_743 : vector<16xi32> to vector<16xi32>
      %swap3A_745 = vector.shape_cast %add3A_741 : vector<16xi32> to vector<16xi32>
      tpu.vector_store %arg12[%swap3A_742], %swap3A_745 {strides = array<i32>} : memref<13312xi32, #tpu.memory_space<vmem>>, vector<16xi32>,
      %mul3A_746 = arith.constant 512 : i32
      %mul3A_747 = arith.muli %scan3A_622, %mul3A_746 : i32
      %add3A_748 = arith.constant 160 : i32
      %add3A_749 = arith.addi %mul3A_747, %add3A_748 : i32
      %get3A_750 = arith.index_cast %add3A_749 : i32 to index
      %get3A_751 = tpu.vector_load %arg12[%get3A_750] {strides = array<i32>} : memref<13312xi32, #tpu.memory_space<vmem>>, vector<16xi32>,
      %get3A_752 = vector.shape_cast %get3A_751 : vector<16xi32> to vector<16xi32>
      %add3A_753 = arith.addi %get3A_752, %broadcast_in_dim3A_625 : vector<16xi32>
      %swap3A_754 = arith.index_cast %add3A_749 : i32 to index
      %swap3A_755 = tpu.vector_load %arg12[%swap3A_754] {strides = array<i32>} : memref<13312xi32, #tpu.memory_space<vmem>>, vector<16xi32>,
      %swap3A_756 = vector.shape_cast %swap3A_755 : vector<16xi32> to vector<16xi32>
      %swap3A_757 = vector.shape_cast %add3A_753 : vector<16xi32> to vector<16xi32>
      tpu.vector_store %arg12[%swap3A_754], %swap3A_757 {strides = array<i32>} : memref<13312xi32, #tpu.memory_space<vmem>>, vector<16xi32>,
      %mul3A_758 = arith.constant 512 : i32
      %mul3A_759 = arith.muli %scan3A_622, %mul3A_758 : i32
      %add3A_760 = arith.constant 176 : i32
      %add3A_761 = arith.addi %mul3A_759, %add3A_760 : i32
      %get3A_762 = arith.index_cast %add3A_761 : i32 to index
      %get3A_763 = tpu.vector_load %arg12[%get3A_762] {strides = array<i32>} : memref<13312xi32, #tpu.memory_space<vmem>>, vector<16xi32>,
      %get3A_764 = vector.shape_cast %get3A_763 : vector<16xi32> to vector<16xi32>
      %add3A_765 = arith.addi %get3A_764, %broadcast_in_dim3A_625 : vector<16xi32>
      %swap3A_766 = arith.index_cast %add3A_761 : i32 to index
      %swap3A_767 = tpu.vector_load %arg12[%swap3A_766] {strides = array<i32>} : memref<13312xi32, #tpu.memory_space<vmem>>, vector<16xi32>,
      %swap3A_768 = vector.shape_cast %swap3A_767 : vector<16xi32> to vector<16xi32>
      %swap3A_769 = vector.shape_cast %add3A_765 : vector<16xi32> to vector<16xi32>
      tpu.vector_store %arg12[%swap3A_766], %swap3A_769 {strides = array<i32>} : memref<13312xi32, #tpu.memory_space<vmem>>, vector<16xi32>,
      %mul3A_770 = arith.constant 512 : i32
      %mul3A_771 = arith.muli %scan3A_622, %mul3A_770 : i32
      %add3A_772 = arith.constant 192 : i32
      %add3A_773 = arith.addi %mul3A_771, %add3A_772 : i32
      %get3A_774 = arith.index_cast %add3A_773 : i32 to index
      %get3A_775 = tpu.vector_load %arg12[%get3A_774] {strides = array<i32>} : memref<13312xi32, #tpu.memory_space<vmem>>, vector<16xi32>,
      %get3A_776 = vector.shape_cast %get3A_775 : vector<16xi32> to vector<16xi32>
      %add3A_777 = arith.addi %get3A_776, %broadcast_in_dim3A_625 : vector<16xi32>
      %swap3A_778 = arith.index_cast %add3A_773 : i32 to index
      %swap3A_779 = tpu.vector_load %arg12[%swap3A_778] {strides = array<i32>} : memref<13312xi32, #tpu.memory_space<vmem>>, vector<16xi32>,
      %swap3A_780 = vector.shape_cast %swap3A_779 : vector<16xi32> to vector<16xi32>
      %swap3A_781 = vector.shape_cast %add3A_777 : vector<16xi32> to vector<16xi32>
      tpu.vector_store %arg12[%swap3A_778], %swap3A_781 {strides = array<i32>} : memref<13312xi32, #tpu.memory_space<vmem>>, vector<16xi32>,
      %mul3A_782 = arith.constant 512 : i32
      %mul3A_783 = arith.muli %scan3A_622, %mul3A_782 : i32
      %add3A_784 = arith.constant 208 : i32
      %add3A_785 = arith.addi %mul3A_783, %add3A_784 : i32
      %get3A_786 = arith.index_cast %add3A_785 : i32 to index
      %get3A_787 = tpu.vector_load %arg12[%get3A_786] {strides = array<i32>} : memref<13312xi32, #tpu.memory_space<vmem>>, vector<16xi32>,
      %get3A_788 = vector.shape_cast %get3A_787 : vector<16xi32> to vector<16xi32>
      %add3A_789 = arith.addi %get3A_788, %broadcast_in_dim3A_625 : vector<16xi32>
      %swap3A_790 = arith.index_cast %add3A_785 : i32 to index
      %swap3A_791 = tpu.vector_load %arg12[%swap3A_790] {strides = array<i32>} : memref<13312xi32, #tpu.memory_space<vmem>>, vector<16xi32>,
      %swap3A_792 = vector.shape_cast %swap3A_791 : vector<16xi32> to vector<16xi32>
      %swap3A_793 = vector.shape_cast %add3A_789 : vector<16xi32> to vector<16xi32>
      tpu.vector_store %arg12[%swap3A_790], %swap3A_793 {strides = array<i32>} : memref<13312xi32, #tpu.memory_space<vmem>>, vector<16xi32>,
      %mul3A_794 = arith.constant 512 : i32
      %mul3A_795 = arith.muli %scan3A_622, %mul3A_794 : i32
      %add3A_796 = arith.constant 224 : i32
      %add3A_797 = arith.addi %mul3A_795, %add3A_796 : i32
      %get3A_798 = arith.index_cast %add3A_797 : i32 to index
      %get3A_799 = tpu.vector_load %arg12[%get3A_798] {strides = array<i32>} : memref<13312xi32, #tpu.memory_space<vmem>>, vector<16xi32>,
      %get3A_800 = vector.shape_cast %get3A_799 : vector<16xi32> to vector<16xi32>
      %add3A_801 = arith.addi %get3A_800, %broadcast_in_dim3A_625 : vector<16xi32>
      %swap3A_802 = arith.index_cast %add3A_797 : i32 to index
      %swap3A_803 = tpu.vector_load %arg12[%swap3A_802] {strides = array<i32>} : memref<13312xi32, #tpu.memory_space<vmem>>, vector<16xi32>,
      %swap3A_804 = vector.shape_cast %swap3A_803 : vector<16xi32> to vector<16xi32>
      %swap3A_805 = vector.shape_cast %add3A_801 : vector<16xi32> to vector<16xi32>
      tpu.vector_store %arg12[%swap3A_802], %swap3A_805 {strides = array<i32>} : memref<13312xi32, #tpu.memory_space<vmem>>, vector<16xi32>,
      %mul3A_806 = arith.constant 512 : i32
      %mul3A_807 = arith.muli %scan3A_622, %mul3A_806 : i32
      %add3A_808 = arith.constant 240 : i32
      %add3A_809 = arith.addi %mul3A_807, %add3A_808 : i32
      %get3A_810 = arith.index_cast %add3A_809 : i32 to index
      %get3A_811 = tpu.vector_load %arg12[%get3A_810] {strides = array<i32>} : memref<13312xi32, #tpu.memory_space<vmem>>, vector<16xi32>,
      %get3A_812 = vector.shape_cast %get3A_811 : vector<16xi32> to vector<16xi32>
      %add3A_813 = arith.addi %get3A_812, %broadcast_in_dim3A_625 : vector<16xi32>
      %swap3A_814 = arith.index_cast %add3A_809 : i32 to index
      %swap3A_815 = tpu.vector_load %arg12[%swap3A_814] {strides = array<i32>} : memref<13312xi32, #tpu.memory_space<vmem>>, vector<16xi32>,
      %swap3A_816 = vector.shape_cast %swap3A_815 : vector<16xi32> to vector<16xi32>
      %swap3A_817 = vector.shape_cast %add3A_813 : vector<16xi32> to vector<16xi32>
      tpu.vector_store %arg12[%swap3A_814], %swap3A_817 {strides = array<i32>} : memref<13312xi32, #tpu.memory_space<vmem>>, vector<16xi32>,
      %mul3A_818 = arith.constant 512 : i32
      %mul3A_819 = arith.muli %scan3A_622, %mul3A_818 : i32
      %add3A_820 = arith.constant 256 : i32
      %add3A_821 = arith.addi %mul3A_819, %add3A_820 : i32
      %get3A_822 = arith.index_cast %add3A_821 : i32 to index
      %get3A_823 = tpu.vector_load %arg12[%get3A_822] {strides = array<i32>} : memref<13312xi32, #tpu.memory_space<vmem>>, vector<16xi32>,
      %get3A_824 = vector.shape_cast %get3A_823 : vector<16xi32> to vector<16xi32>
      %add3A_825 = arith.addi %get3A_824, %broadcast_in_dim3A_625 : vector<16xi32>
      %swap3A_826 = arith.index_cast %add3A_821 : i32 to index
      %swap3A_827 = tpu.vector_load %arg12[%swap3A_826] {strides = array<i32>} : memref<13312xi32, #tpu.memory_space<vmem>>, vector<16xi32>,
      %swap3A_828 = vector.shape_cast %swap3A_827 : vector<16xi32> to vector<16xi32>
      %swap3A_829 = vector.shape_cast %add3A_825 : vector<16xi32> to vector<16xi32>
      tpu.vector_store %arg12[%swap3A_826], %swap3A_829 {strides = array<i32>} : memref<13312xi32, #tpu.memory_space<vmem>>, vector<16xi32>,
      %mul3A_830 = arith.constant 512 : i32
      %mul3A_831 = arith.muli %scan3A_622, %mul3A_830 : i32
      %add3A_832 = arith.constant 272 : i32
      %add3A_833 = arith.addi %mul3A_831, %add3A_832 : i32
      %get3A_834 = arith.index_cast %add3A_833 : i32 to index
      %get3A_835 = tpu.vector_load %arg12[%get3A_834] {strides = array<i32>} : memref<13312xi32, #tpu.memory_space<vmem>>, vector<16xi32>,
      %get3A_836 = vector.shape_cast %get3A_835 : vector<16xi32> to vector<16xi32>
      %add3A_837 = arith.addi %get3A_836, %broadcast_in_dim3A_625 : vector<16xi32>
      %swap3A_838 = arith.index_cast %add3A_833 : i32 to index
      %swap3A_839 = tpu.vector_load %arg12[%swap3A_838] {strides = array<i32>} : memref<13312xi32, #tpu.memory_space<vmem>>, vector<16xi32>,
      %swap3A_840 = vector.shape_cast %swap3A_839 : vector<16xi32> to vector<16xi32>
      %swap3A_841 = vector.shape_cast %add3A_837 : vector<16xi32> to vector<16xi32>
      tpu.vector_store %arg12[%swap3A_838], %swap3A_841 {strides = array<i32>} : memref<13312xi32, #tpu.memory_space<vmem>>, vector<16xi32>,
      %mul3A_842 = arith.constant 512 : i32
      %mul3A_843 = arith.muli %scan3A_622, %mul3A_842 : i32
      %add3A_844 = arith.constant 288 : i32
      %add3A_845 = arith.addi %mul3A_843, %add3A_844 : i32
      %get3A_846 = arith.index_cast %add3A_845 : i32 to index
      %get3A_847 = tpu.vector_load %arg12[%get3A_846] {strides = array<i32>} : memref<13312xi32, #tpu.memory_space<vmem>>, vector<16xi32>,
      %get3A_848 = vector.shape_cast %get3A_847 : vector<16xi32> to vector<16xi32>
      %add3A_849 = arith.addi %get3A_848, %broadcast_in_dim3A_625 : vector<16xi32>
      %swap3A_850 = arith.index_cast %add3A_845 : i32 to index
      %swap3A_851 = tpu.vector_load %arg12[%swap3A_850] {strides = array<i32>} : memref<13312xi32, #tpu.memory_space<vmem>>, vector<16xi32>,
      %swap3A_852 = vector.shape_cast %swap3A_851 : vector<16xi32> to vector<16xi32>
      %swap3A_853 = vector.shape_cast %add3A_849 : vector<16xi32> to vector<16xi32>
      tpu.vector_store %arg12[%swap3A_850], %swap3A_853 {strides = array<i32>} : memref<13312xi32, #tpu.memory_space<vmem>>, vector<16xi32>,
      %mul3A_854 = arith.constant 512 : i32
      %mul3A_855 = arith.muli %scan3A_622, %mul3A_854 : i32
      %add3A_856 = arith.constant 304 : i32
      %add3A_857 = arith.addi %mul3A_855, %add3A_856 : i32
      %get3A_858 = arith.index_cast %add3A_857 : i32 to index
      %get3A_859 = tpu.vector_load %arg12[%get3A_858] {strides = array<i32>} : memref<13312xi32, #tpu.memory_space<vmem>>, vector<16xi32>,
      %get3A_860 = vector.shape_cast %get3A_859 : vector<16xi32> to vector<16xi32>
      %add3A_861 = arith.addi %get3A_860, %broadcast_in_dim3A_625 : vector<16xi32>
      %swap3A_862 = arith.index_cast %add3A_857 : i32 to index
      %swap3A_863 = tpu.vector_load %arg12[%swap3A_862] {strides = array<i32>} : memref<13312xi32, #tpu.memory_space<vmem>>, vector<16xi32>,
      %swap3A_864 = vector.shape_cast %swap3A_863 : vector<16xi32> to vector<16xi32>
      %swap3A_865 = vector.shape_cast %add3A_861 : vector<16xi32> to vector<16xi32>
      tpu.vector_store %arg12[%swap3A_862], %swap3A_865 {strides = array<i32>} : memref<13312xi32, #tpu.memory_space<vmem>>, vector<16xi32>,
      %mul3A_866 = arith.constant 512 : i32
      %mul3A_867 = arith.muli %scan3A_622, %mul3A_866 : i32
      %add3A_868 = arith.constant 320 : i32
      %add3A_869 = arith.addi %mul3A_867, %add3A_868 : i32
      %get3A_870 = arith.index_cast %add3A_869 : i32 to index
      %get3A_871 = tpu.vector_load %arg12[%get3A_870] {strides = array<i32>} : memref<13312xi32, #tpu.memory_space<vmem>>, vector<16xi32>,
      %get3A_872 = vector.shape_cast %get3A_871 : vector<16xi32> to vector<16xi32>
      %add3A_873 = arith.addi %get3A_872, %broadcast_in_dim3A_625 : vector<16xi32>
      %swap3A_874 = arith.index_cast %add3A_869 : i32 to index
      %swap3A_875 = tpu.vector_load %arg12[%swap3A_874] {strides = array<i32>} : memref<13312xi32, #tpu.memory_space<vmem>>, vector<16xi32>,
      %swap3A_876 = vector.shape_cast %swap3A_875 : vector<16xi32> to vector<16xi32>
      %swap3A_877 = vector.shape_cast %add3A_873 : vector<16xi32> to vector<16xi32>
      tpu.vector_store %arg12[%swap3A_874], %swap3A_877 {strides = array<i32>} : memref<13312xi32, #tpu.memory_space<vmem>>, vector<16xi32>,
      %mul3A_878 = arith.constant 512 : i32
      %mul3A_879 = arith.muli %scan3A_622, %mul3A_878 : i32
      %add3A_880 = arith.constant 336 : i32
      %add3A_881 = arith.addi %mul3A_879, %add3A_880 : i32
      %get3A_882 = arith.index_cast %add3A_881 : i32 to index
      %get3A_883 = tpu.vector_load %arg12[%get3A_882] {strides = array<i32>} : memref<13312xi32, #tpu.memory_space<vmem>>, vector<16xi32>,
      %get3A_884 = vector.shape_cast %get3A_883 : vector<16xi32> to vector<16xi32>
      %add3A_885 = arith.addi %get3A_884, %broadcast_in_dim3A_625 : vector<16xi32>
      %swap3A_886 = arith.index_cast %add3A_881 : i32 to index
      %swap3A_887 = tpu.vector_load %arg12[%swap3A_886] {strides = array<i32>} : memref<13312xi32, #tpu.memory_space<vmem>>, vector<16xi32>,
      %swap3A_888 = vector.shape_cast %swap3A_887 : vector<16xi32> to vector<16xi32>
      %swap3A_889 = vector.shape_cast %add3A_885 : vector<16xi32> to vector<16xi32>
      tpu.vector_store %arg12[%swap3A_886], %swap3A_889 {strides = array<i32>} : memref<13312xi32, #tpu.memory_space<vmem>>, vector<16xi32>,
      %mul3A_890 = arith.constant 512 : i32
      %mul3A_891 = arith.muli %scan3A_622, %mul3A_890 : i32
      %add3A_892 = arith.constant 352 : i32
      %add3A_893 = arith.addi %mul3A_891, %add3A_892 : i32
      %get3A_894 = arith.index_cast %add3A_893 : i32 to index
      %get3A_895 = tpu.vector_load %arg12[%get3A_894] {strides = array<i32>} : memref<13312xi32, #tpu.memory_space<vmem>>, vector<16xi32>,
      %get3A_896 = vector.shape_cast %get3A_895 : vector<16xi32> to vector<16xi32>
      %add3A_897 = arith.addi %get3A_896, %broadcast_in_dim3A_625 : vector<16xi32>
      %swap3A_898 = arith.index_cast %add3A_893 : i32 to index
      %swap3A_899 = tpu.vector_load %arg12[%swap3A_898] {strides = array<i32>} : memref<13312xi32, #tpu.memory_space<vmem>>, vector<16xi32>,
      %swap3A_900 = vector.shape_cast %swap3A_899 : vector<16xi32> to vector<16xi32>
      %swap3A_901 = vector.shape_cast %add3A_897 : vector<16xi32> to vector<16xi32>
      tpu.vector_store %arg12[%swap3A_898], %swap3A_901 {strides = array<i32>} : memref<13312xi32, #tpu.memory_space<vmem>>, vector<16xi32>,
      %mul3A_902 = arith.constant 512 : i32
      %mul3A_903 = arith.muli %scan3A_622, %mul3A_902 : i32
      %add3A_904 = arith.constant 368 : i32
      %add3A_905 = arith.addi %mul3A_903, %add3A_904 : i32
      %get3A_906 = arith.index_cast %add3A_905 : i32 to index
      %get3A_907 = tpu.vector_load %arg12[%get3A_906] {strides = array<i32>} : memref<13312xi32, #tpu.memory_space<vmem>>, vector<16xi32>,
      %get3A_908 = vector.shape_cast %get3A_907 : vector<16xi32> to vector<16xi32>
      %add3A_909 = arith.addi %get3A_908, %broadcast_in_dim3A_625 : vector<16xi32>
      %swap3A_910 = arith.index_cast %add3A_905 : i32 to index
      %swap3A_911 = tpu.vector_load %arg12[%swap3A_910] {strides = array<i32>} : memref<13312xi32, #tpu.memory_space<vmem>>, vector<16xi32>,
      %swap3A_912 = vector.shape_cast %swap3A_911 : vector<16xi32> to vector<16xi32>
      %swap3A_913 = vector.shape_cast %add3A_909 : vector<16xi32> to vector<16xi32>
      tpu.vector_store %arg12[%swap3A_910], %swap3A_913 {strides = array<i32>} : memref<13312xi32, #tpu.memory_space<vmem>>, vector<16xi32>,
      %mul3A_914 = arith.constant 512 : i32
      %mul3A_915 = arith.muli %scan3A_622, %mul3A_914 : i32
      %add3A_916 = arith.constant 384 : i32
      %add3A_917 = arith.addi %mul3A_915, %add3A_916 : i32
      %get3A_918 = arith.index_cast %add3A_917 : i32 to index
      %get3A_919 = tpu.vector_load %arg12[%get3A_918] {strides = array<i32>} : memref<13312xi32, #tpu.memory_space<vmem>>, vector<16xi32>,
      %get3A_920 = vector.shape_cast %get3A_919 : vector<16xi32> to vector<16xi32>
      %add3A_921 = arith.addi %get3A_920, %broadcast_in_dim3A_625 : vector<16xi32>
      %swap3A_922 = arith.index_cast %add3A_917 : i32 to index
      %swap3A_923 = tpu.vector_load %arg12[%swap3A_922] {strides = array<i32>} : memref<13312xi32, #tpu.memory_space<vmem>>, vector<16xi32>,
      %swap3A_924 = vector.shape_cast %swap3A_923 : vector<16xi32> to vector<16xi32>
      %swap3A_925 = vector.shape_cast %add3A_921 : vector<16xi32> to vector<16xi32>
      tpu.vector_store %arg12[%swap3A_922], %swap3A_925 {strides = array<i32>} : memref<13312xi32, #tpu.memory_space<vmem>>, vector<16xi32>,
      %mul3A_926 = arith.constant 512 : i32
      %mul3A_927 = arith.muli %scan3A_622, %mul3A_926 : i32
      %add3A_928 = arith.constant 400 : i32
      %add3A_929 = arith.addi %mul3A_927, %add3A_928 : i32
      %get3A_930 = arith.index_cast %add3A_929 : i32 to index
      %get3A_931 = tpu.vector_load %arg12[%get3A_930] {strides = array<i32>} : memref<13312xi32, #tpu.memory_space<vmem>>, vector<16xi32>,
      %get3A_932 = vector.shape_cast %get3A_931 : vector<16xi32> to vector<16xi32>
      %add3A_933 = arith.addi %get3A_932, %broadcast_in_dim3A_625 : vector<16xi32>
      %swap3A_934 = arith.index_cast %add3A_929 : i32 to index
      %swap3A_935 = tpu.vector_load %arg12[%swap3A_934] {strides = array<i32>} : memref<13312xi32, #tpu.memory_space<vmem>>, vector<16xi32>,
      %swap3A_936 = vector.shape_cast %swap3A_935 : vector<16xi32> to vector<16xi32>
      %swap3A_937 = vector.shape_cast %add3A_933 : vector<16xi32> to vector<16xi32>
      tpu.vector_store %arg12[%swap3A_934], %swap3A_937 {strides = array<i32>} : memref<13312xi32, #tpu.memory_space<vmem>>, vector<16xi32>,
      %mul3A_938 = arith.constant 512 : i32
      %mul3A_939 = arith.muli %scan3A_622, %mul3A_938 : i32
      %add3A_940 = arith.constant 416 : i32
      %add3A_941 = arith.addi %mul3A_939, %add3A_940 : i32
      %get3A_942 = arith.index_cast %add3A_941 : i32 to index
      %get3A_943 = tpu.vector_load %arg12[%get3A_942] {strides = array<i32>} : memref<13312xi32, #tpu.memory_space<vmem>>, vector<16xi32>,
      %get3A_944 = vector.shape_cast %get3A_943 : vector<16xi32> to vector<16xi32>
      %add3A_945 = arith.addi %get3A_944, %broadcast_in_dim3A_625 : vector<16xi32>
      %swap3A_946 = arith.index_cast %add3A_941 : i32 to index
      %swap3A_947 = tpu.vector_load %arg12[%swap3A_946] {strides = array<i32>} : memref<13312xi32, #tpu.memory_space<vmem>>, vector<16xi32>,
      %swap3A_948 = vector.shape_cast %swap3A_947 : vector<16xi32> to vector<16xi32>
      %swap3A_949 = vector.shape_cast %add3A_945 : vector<16xi32> to vector<16xi32>
      tpu.vector_store %arg12[%swap3A_946], %swap3A_949 {strides = array<i32>} : memref<13312xi32, #tpu.memory_space<vmem>>, vector<16xi32>,
      %mul3A_950 = arith.constant 512 : i32
      %mul3A_951 = arith.muli %scan3A_622, %mul3A_950 : i32
      %add3A_952 = arith.constant 432 : i32
      %add3A_953 = arith.addi %mul3A_951, %add3A_952 : i32
      %get3A_954 = arith.index_cast %add3A_953 : i32 to index
      %get3A_955 = tpu.vector_load %arg12[%get3A_954] {strides = array<i32>} : memref<13312xi32, #tpu.memory_space<vmem>>, vector<16xi32>,
      %get3A_956 = vector.shape_cast %get3A_955 : vector<16xi32> to vector<16xi32>
      %add3A_957 = arith.addi %get3A_956, %broadcast_in_dim3A_625 : vector<16xi32>
      %swap3A_958 = arith.index_cast %add3A_953 : i32 to index
      %swap3A_959 = tpu.vector_load %arg12[%swap3A_958] {strides = array<i32>} : memref<13312xi32, #tpu.memory_space<vmem>>, vector<16xi32>,
      %swap3A_960 = vector.shape_cast %swap3A_959 : vector<16xi32> to vector<16xi32>
      %swap3A_961 = vector.shape_cast %add3A_957 : vector<16xi32> to vector<16xi32>
      tpu.vector_store %arg12[%swap3A_958], %swap3A_961 {strides = array<i32>} : memref<13312xi32, #tpu.memory_space<vmem>>, vector<16xi32>,
      %mul3A_962 = arith.constant 512 : i32
      %mul3A_963 = arith.muli %scan3A_622, %mul3A_962 : i32
      %add3A_964 = arith.constant 448 : i32
      %add3A_965 = arith.addi %mul3A_963, %add3A_964 : i32
      %get3A_966 = arith.index_cast %add3A_965 : i32 to index
      %get3A_967 = tpu.vector_load %arg12[%get3A_966] {strides = array<i32>} : memref<13312xi32, #tpu.memory_space<vmem>>, vector<16xi32>,
      %get3A_968 = vector.shape_cast %get3A_967 : vector<16xi32> to vector<16xi32>
      %add3A_969 = arith.addi %get3A_968, %broadcast_in_dim3A_625 : vector<16xi32>
      %swap3A_970 = arith.index_cast %add3A_965 : i32 to index
      %swap3A_971 = tpu.vector_load %arg12[%swap3A_970] {strides = array<i32>} : memref<13312xi32, #tpu.memory_space<vmem>>, vector<16xi32>,
      %swap3A_972 = vector.shape_cast %swap3A_971 : vector<16xi32> to vector<16xi32>
      %swap3A_973 = vector.shape_cast %add3A_969 : vector<16xi32> to vector<16xi32>
      tpu.vector_store %arg12[%swap3A_970], %swap3A_973 {strides = array<i32>} : memref<13312xi32, #tpu.memory_space<vmem>>, vector<16xi32>,
      %mul3A_974 = arith.constant 512 : i32
      %mul3A_975 = arith.muli %scan3A_622, %mul3A_974 : i32
      %add3A_976 = arith.constant 464 : i32
      %add3A_977 = arith.addi %mul3A_975, %add3A_976 : i32
      %get3A_978 = arith.index_cast %add3A_977 : i32 to index
      %get3A_979 = tpu.vector_load %arg12[%get3A_978] {strides = array<i32>} : memref<13312xi32, #tpu.memory_space<vmem>>, vector<16xi32>,
      %get3A_980 = vector.shape_cast %get3A_979 : vector<16xi32> to vector<16xi32>
      %add3A_981 = arith.addi %get3A_980, %broadcast_in_dim3A_625 : vector<16xi32>
      %swap3A_982 = arith.index_cast %add3A_977 : i32 to index
      %swap3A_983 = tpu.vector_load %arg12[%swap3A_982] {strides = array<i32>} : memref<13312xi32, #tpu.memory_space<vmem>>, vector<16xi32>,
      %swap3A_984 = vector.shape_cast %swap3A_983 : vector<16xi32> to vector<16xi32>
      %swap3A_985 = vector.shape_cast %add3A_981 : vector<16xi32> to vector<16xi32>
      tpu.vector_store %arg12[%swap3A_982], %swap3A_985 {strides = array<i32>} : memref<13312xi32, #tpu.memory_space<vmem>>, vector<16xi32>,
      %mul3A_986 = arith.constant 512 : i32
      %mul3A_987 = arith.muli %scan3A_622, %mul3A_986 : i32
      %add3A_988 = arith.constant 480 : i32
      %add3A_989 = arith.addi %mul3A_987, %add3A_988 : i32
      %get3A_990 = arith.index_cast %add3A_989 : i32 to index
      %get3A_991 = tpu.vector_load %arg12[%get3A_990] {strides = array<i32>} : memref<13312xi32, #tpu.memory_space<vmem>>, vector<16xi32>,
      %get3A_992 = vector.shape_cast %get3A_991 : vector<16xi32> to vector<16xi32>
      %add3A_993 = arith.addi %get3A_992, %broadcast_in_dim3A_625 : vector<16xi32>
      %swap3A_994 = arith.index_cast %add3A_989 : i32 to index
      %swap3A_995 = tpu.vector_load %arg12[%swap3A_994] {strides = array<i32>} : memref<13312xi32, #tpu.memory_space<vmem>>, vector<16xi32>,
      %swap3A_996 = vector.shape_cast %swap3A_995 : vector<16xi32> to vector<16xi32>
      %swap3A_997 = vector.shape_cast %add3A_993 : vector<16xi32> to vector<16xi32>
      tpu.vector_store %arg12[%swap3A_994], %swap3A_997 {strides = array<i32>} : memref<13312xi32, #tpu.memory_space<vmem>>, vector<16xi32>,
      %mul3A_998 = arith.constant 512 : i32
      %mul3A_999 = arith.muli %scan3A_622, %mul3A_998 : i32
      %add3A_1000 = arith.constant 496 : i32
      %add3A_1001 = arith.addi %mul3A_999, %add3A_1000 : i32
      %get3A_1002 = arith.index_cast %add3A_1001 : i32 to index
      %get3A_1003 = tpu.vector_load %arg12[%get3A_1002] {strides = array<i32>} : memref<13312xi32, #tpu.memory_space<vmem>>, vector<16xi32>,
      %get3A_1004 = vector.shape_cast %get3A_1003 : vector<16xi32> to vector<16xi32>
      %add3A_1005 = arith.addi %get3A_1004, %broadcast_in_dim3A_625 : vector<16xi32>
      %swap3A_1006 = arith.index_cast %add3A_1001 : i32 to index
      %swap3A_1007 = tpu.vector_load %arg12[%swap3A_1006] {strides = array<i32>} : memref<13312xi32, #tpu.memory_space<vmem>>, vector<16xi32>,
      %swap3A_1008 = vector.shape_cast %swap3A_1007 : vector<16xi32> to vector<16xi32>
      %swap3A_1009 = vector.shape_cast %add3A_1005 : vector<16xi32> to vector<16xi32>
      tpu.vector_store %arg12[%swap3A_1006], %swap3A_1009 {strides = array<i32>} : memref<13312xi32, #tpu.memory_space<vmem>>, vector<16xi32>,
    }
    %scan3A_15 = arith.constant 26 : i32
    %dma_start3A_16 = arith.constant 0 : i32
    %dma_start3A_17 = tpu.memref_slice %arg2[%dma_start3A_16] : memref<26000000xf32, #tpu.memory_space<hbm>> -> memref<26000000xf32, #tpu.memory_space<hbm>>
    tpu.enqueue_indirect_dma source(%dma_start3A_17 : memref<26000000xf32, #tpu.memory_space<hbm>>) target(%arg14 : memref<13312xf32, #tpu.memory_space<vmem>>) offsets(%arg12 : memref<13312xi32, #tpu.memory_space<vmem>>) semaphore(%arg22 : memref<!tpu.dma_semaphore, #tpu.memory_space<semaphore_mem>>)
    %broadcast_in_dim3A = arith.constant 0.000000e+00 : f32
    %broadcast_in_dim3A_18 = vector.broadcast %broadcast_in_dim3A : f32 to vector<16xf32>
    %swap3A = arith.constant 0 : i32
    %swap3A_19 = arith.index_cast %swap3A : i32 to index
    %swap3A_20 = arith.constant 0 : index
    %swap3A_21 = tpu.vector_load %arg15[%swap3A_19, %swap3A_20] {strides = array<i32>} : memref<4x128xf32, #tpu.memory_space<vmem>>, vector<1x16xf32>,
    %swap3A_22 = vector.shape_cast %swap3A_21 : vector<1x16xf32> to vector<16xf32>
    %swap3A_23 = vector.shape_cast %broadcast_in_dim3A_18 : vector<16xf32> to vector<1x16xf32>
    tpu.vector_store %arg15[%swap3A_19, %swap3A_20], %swap3A_23 {strides = array<i32>} : memref<4x128xf32, #tpu.memory_space<vmem>>, vector<1x16xf32>,
    %swap3A_24 = arith.constant 0 : i32
    %swap3A_25 = arith.index_cast %swap3A_24 : i32 to index
    %swap3A_26 = arith.constant 16 : index
    %swap3A_27 = tpu.vector_load %arg15[%swap3A_25, %swap3A_26] {strides = array<i32>} : memref<4x128xf32, #tpu.memory_space<vmem>>, vector<1x16xf32>,
    %swap3A_28 = vector.shape_cast %swap3A_27 : vector<1x16xf32> to vector<16xf32>
    %swap3A_29 = vector.shape_cast %broadcast_in_dim3A_18 : vector<16xf32> to vector<1x16xf32>
    tpu.vector_store %arg15[%swap3A_25, %swap3A_26], %swap3A_29 {strides = array<i32>} : memref<4x128xf32, #tpu.memory_space<vmem>>, vector<1x16xf32>,
    %swap3A_30 = arith.constant 0 : i32
    %swap3A_31 = arith.index_cast %swap3A_30 : i32 to index
    %swap3A_32 = arith.constant 32 : index
    %swap3A_33 = tpu.vector_load %arg15[%swap3A_31, %swap3A_32] {strides = array<i32>} : memref<4x128xf32, #tpu.memory_space<vmem>>, vector<1x16xf32>,
    %swap3A_34 = vector.shape_cast %swap3A_33 : vector<1x16xf32> to vector<16xf32>
    %swap3A_35 = vector.shape_cast %broadcast_in_dim3A_18 : vector<16xf32> to vector<1x16xf32>
    tpu.vector_store %arg15[%swap3A_31, %swap3A_32], %swap3A_35 {strides = array<i32>} : memref<4x128xf32, #tpu.memory_space<vmem>>, vector<1x16xf32>,
    %swap3A_36 = arith.constant 0 : i32
    %swap3A_37 = arith.index_cast %swap3A_36 : i32 to index
    %swap3A_38 = arith.constant 48 : index
    %swap3A_39 = tpu.vector_load %arg15[%swap3A_37, %swap3A_38] {strides = array<i32>} : memref<4x128xf32, #tpu.memory_space<vmem>>, vector<1x16xf32>,
    %swap3A_40 = vector.shape_cast %swap3A_39 : vector<1x16xf32> to vector<16xf32>
    %swap3A_41 = vector.shape_cast %broadcast_in_dim3A_18 : vector<16xf32> to vector<1x16xf32>
    tpu.vector_store %arg15[%swap3A_37, %swap3A_38], %swap3A_41 {strides = array<i32>} : memref<4x128xf32, #tpu.memory_space<vmem>>, vector<1x16xf32>,
    %swap3A_42 = arith.constant 0 : i32
    %swap3A_43 = arith.index_cast %swap3A_42 : i32 to index
    %swap3A_44 = arith.constant 64 : index
    %swap3A_45 = tpu.vector_load %arg15[%swap3A_43, %swap3A_44] {strides = array<i32>} : memref<4x128xf32, #tpu.memory_space<vmem>>, vector<1x16xf32>,
    %swap3A_46 = vector.shape_cast %swap3A_45 : vector<1x16xf32> to vector<16xf32>
    %swap3A_47 = vector.shape_cast %broadcast_in_dim3A_18 : vector<16xf32> to vector<1x16xf32>
    tpu.vector_store %arg15[%swap3A_43, %swap3A_44], %swap3A_47 {strides = array<i32>} : memref<4x128xf32, #tpu.memory_space<vmem>>, vector<1x16xf32>,
    %swap3A_48 = arith.constant 0 : i32
    %swap3A_49 = arith.index_cast %swap3A_48 : i32 to index
    %swap3A_50 = arith.constant 80 : index
    %swap3A_51 = tpu.vector_load %arg15[%swap3A_49, %swap3A_50] {strides = array<i32>} : memref<4x128xf32, #tpu.memory_space<vmem>>, vector<1x16xf32>,
    %swap3A_52 = vector.shape_cast %swap3A_51 : vector<1x16xf32> to vector<16xf32>
    %swap3A_53 = vector.shape_cast %broadcast_in_dim3A_18 : vector<16xf32> to vector<1x16xf32>
    tpu.vector_store %arg15[%swap3A_49, %swap3A_50], %swap3A_53 {strides = array<i32>} : memref<4x128xf32, #tpu.memory_space<vmem>>, vector<1x16xf32>,
    %swap3A_54 = arith.constant 0 : i32
    %swap3A_55 = arith.index_cast %swap3A_54 : i32 to index
    %swap3A_56 = arith.constant 96 : index
    %swap3A_57 = tpu.vector_load %arg15[%swap3A_55, %swap3A_56] {strides = array<i32>} : memref<4x128xf32, #tpu.memory_space<vmem>>, vector<1x16xf32>,
    %swap3A_58 = vector.shape_cast %swap3A_57 : vector<1x16xf32> to vector<16xf32>
    %swap3A_59 = vector.shape_cast %broadcast_in_dim3A_18 : vector<16xf32> to vector<1x16xf32>
    tpu.vector_store %arg15[%swap3A_55, %swap3A_56], %swap3A_59 {strides = array<i32>} : memref<4x128xf32, #tpu.memory_space<vmem>>, vector<1x16xf32>,
    %swap3A_60 = arith.constant 0 : i32
    %swap3A_61 = arith.index_cast %swap3A_60 : i32 to index
    %swap3A_62 = arith.constant 112 : index
    %swap3A_63 = tpu.vector_load %arg15[%swap3A_61, %swap3A_62] {strides = array<i32>} : memref<4x128xf32, #tpu.memory_space<vmem>>, vector<1x16xf32>,
    %swap3A_64 = vector.shape_cast %swap3A_63 : vector<1x16xf32> to vector<16xf32>
    %swap3A_65 = vector.shape_cast %broadcast_in_dim3A_18 : vector<16xf32> to vector<1x16xf32>
    tpu.vector_store %arg15[%swap3A_61, %swap3A_62], %swap3A_65 {strides = array<i32>} : memref<4x128xf32, #tpu.memory_space<vmem>>, vector<1x16xf32>,
    %swap3A_66 = arith.constant 1 : i32
    %swap3A_67 = arith.index_cast %swap3A_66 : i32 to index
    %swap3A_68 = arith.constant 0 : index
    %swap3A_69 = tpu.vector_load %arg15[%swap3A_67, %swap3A_68] {strides = array<i32>} : memref<4x128xf32, #tpu.memory_space<vmem>>, vector<1x16xf32>,
    %swap3A_70 = vector.shape_cast %swap3A_69 : vector<1x16xf32> to vector<16xf32>
    %swap3A_71 = vector.shape_cast %broadcast_in_dim3A_18 : vector<16xf32> to vector<1x16xf32>
    tpu.vector_store %arg15[%swap3A_67, %swap3A_68], %swap3A_71 {strides = array<i32>} : memref<4x128xf32, #tpu.memory_space<vmem>>, vector<1x16xf32>,
    %swap3A_72 = arith.constant 1 : i32
    %swap3A_73 = arith.index_cast %swap3A_72 : i32 to index
    %swap3A_74 = arith.constant 16 : index
    %swap3A_75 = tpu.vector_load %arg15[%swap3A_73, %swap3A_74] {strides = array<i32>} : memref<4x128xf32, #tpu.memory_space<vmem>>, vector<1x16xf32>,
    %swap3A_76 = vector.shape_cast %swap3A_75 : vector<1x16xf32> to vector<16xf32>
    %swap3A_77 = vector.shape_cast %broadcast_in_dim3A_18 : vector<16xf32> to vector<1x16xf32>
    tpu.vector_store %arg15[%swap3A_73, %swap3A_74], %swap3A_77 {strides = array<i32>} : memref<4x128xf32, #tpu.memory_space<vmem>>, vector<1x16xf32>,
    %swap3A_78 = arith.constant 1 : i32
    %swap3A_79 = arith.index_cast %swap3A_78 : i32 to index
    %swap3A_80 = arith.constant 32 : index
    %swap3A_81 = tpu.vector_load %arg15[%swap3A_79, %swap3A_80] {strides = array<i32>} : memref<4x128xf32, #tpu.memory_space<vmem>>, vector<1x16xf32>,
    %swap3A_82 = vector.shape_cast %swap3A_81 : vector<1x16xf32> to vector<16xf32>
    %swap3A_83 = vector.shape_cast %broadcast_in_dim3A_18 : vector<16xf32> to vector<1x16xf32>
    tpu.vector_store %arg15[%swap3A_79, %swap3A_80], %swap3A_83 {strides = array<i32>} : memref<4x128xf32, #tpu.memory_space<vmem>>, vector<1x16xf32>,
    %swap3A_84 = arith.constant 1 : i32
    %swap3A_85 = arith.index_cast %swap3A_84 : i32 to index
    %swap3A_86 = arith.constant 48 : index
    %swap3A_87 = tpu.vector_load %arg15[%swap3A_85, %swap3A_86] {strides = array<i32>} : memref<4x128xf32, #tpu.memory_space<vmem>>, vector<1x16xf32>,
    %swap3A_88 = vector.shape_cast %swap3A_87 : vector<1x16xf32> to vector<16xf32>
    %swap3A_89 = vector.shape_cast %broadcast_in_dim3A_18 : vector<16xf32> to vector<1x16xf32>
    tpu.vector_store %arg15[%swap3A_85, %swap3A_86], %swap3A_89 {strides = array<i32>} : memref<4x128xf32, #tpu.memory_space<vmem>>, vector<1x16xf32>,
    %swap3A_90 = arith.constant 1 : i32
    %swap3A_91 = arith.index_cast %swap3A_90 : i32 to index
    %swap3A_92 = arith.constant 64 : index
    %swap3A_93 = tpu.vector_load %arg15[%swap3A_91, %swap3A_92] {strides = array<i32>} : memref<4x128xf32, #tpu.memory_space<vmem>>, vector<1x16xf32>,
    %swap3A_94 = vector.shape_cast %swap3A_93 : vector<1x16xf32> to vector<16xf32>
    %swap3A_95 = vector.shape_cast %broadcast_in_dim3A_18 : vector<16xf32> to vector<1x16xf32>
    tpu.vector_store %arg15[%swap3A_91, %swap3A_92], %swap3A_95 {strides = array<i32>} : memref<4x128xf32, #tpu.memory_space<vmem>>, vector<1x16xf32>,
    %swap3A_96 = arith.constant 1 : i32
    %swap3A_97 = arith.index_cast %swap3A_96 : i32 to index
    %swap3A_98 = arith.constant 80 : index
    %swap3A_99 = tpu.vector_load %arg15[%swap3A_97, %swap3A_98] {strides = array<i32>} : memref<4x128xf32, #tpu.memory_space<vmem>>, vector<1x16xf32>,
    %swap3A_100 = vector.shape_cast %swap3A_99 : vector<1x16xf32> to vector<16xf32>
    %swap3A_101 = vector.shape_cast %broadcast_in_dim3A_18 : vector<16xf32> to vector<1x16xf32>
    tpu.vector_store %arg15[%swap3A_97, %swap3A_98], %swap3A_101 {strides = array<i32>} : memref<4x128xf32, #tpu.memory_space<vmem>>, vector<1x16xf32>,
    %swap3A_102 = arith.constant 1 : i32
    %swap3A_103 = arith.index_cast %swap3A_102 : i32 to index
    %swap3A_104 = arith.constant 96 : index
    %swap3A_105 = tpu.vector_load %arg15[%swap3A_103, %swap3A_104] {strides = array<i32>} : memref<4x128xf32, #tpu.memory_space<vmem>>, vector<1x16xf32>,
    %swap3A_106 = vector.shape_cast %swap3A_105 : vector<1x16xf32> to vector<16xf32>
    %swap3A_107 = vector.shape_cast %broadcast_in_dim3A_18 : vector<16xf32> to vector<1x16xf32>
    tpu.vector_store %arg15[%swap3A_103, %swap3A_104], %swap3A_107 {strides = array<i32>} : memref<4x128xf32, #tpu.memory_space<vmem>>, vector<1x16xf32>,
    %swap3A_108 = arith.constant 1 : i32
    %swap3A_109 = arith.index_cast %swap3A_108 : i32 to index
    %swap3A_110 = arith.constant 112 : index
    %swap3A_111 = tpu.vector_load %arg15[%swap3A_109, %swap3A_110] {strides = array<i32>} : memref<4x128xf32, #tpu.memory_space<vmem>>, vector<1x16xf32>,
    %swap3A_112 = vector.shape_cast %swap3A_111 : vector<1x16xf32> to vector<16xf32>
    %swap3A_113 = vector.shape_cast %broadcast_in_dim3A_18 : vector<16xf32> to vector<1x16xf32>
    tpu.vector_store %arg15[%swap3A_109, %swap3A_110], %swap3A_113 {strides = array<i32>} : memref<4x128xf32, #tpu.memory_space<vmem>>, vector<1x16xf32>,
    %swap3A_114 = arith.constant 2 : i32
    %swap3A_115 = arith.index_cast %swap3A_114 : i32 to index
    %swap3A_116 = arith.constant 0 : index
    %swap3A_117 = tpu.vector_load %arg15[%swap3A_115, %swap3A_116] {strides = array<i32>} : memref<4x128xf32, #tpu.memory_space<vmem>>, vector<1x16xf32>,
    %swap3A_118 = vector.shape_cast %swap3A_117 : vector<1x16xf32> to vector<16xf32>
    %swap3A_119 = vector.shape_cast %broadcast_in_dim3A_18 : vector<16xf32> to vector<1x16xf32>
    tpu.vector_store %arg15[%swap3A_115, %swap3A_116], %swap3A_119 {strides = array<i32>} : memref<4x128xf32, #tpu.memory_space<vmem>>, vector<1x16xf32>,
    %swap3A_120 = arith.constant 2 : i32
    %swap3A_121 = arith.index_cast %swap3A_120 : i32 to index
    %swap3A_122 = arith.constant 16 : index
    %swap3A_123 = tpu.vector_load %arg15[%swap3A_121, %swap3A_122] {strides = array<i32>} : memref<4x128xf32, #tpu.memory_space<vmem>>, vector<1x16xf32>,
    %swap3A_124 = vector.shape_cast %swap3A_123 : vector<1x16xf32> to vector<16xf32>
    %swap3A_125 = vector.shape_cast %broadcast_in_dim3A_18 : vector<16xf32> to vector<1x16xf32>
    tpu.vector_store %arg15[%swap3A_121, %swap3A_122], %swap3A_125 {strides = array<i32>} : memref<4x128xf32, #tpu.memory_space<vmem>>, vector<1x16xf32>,
    %swap3A_126 = arith.constant 2 : i32
    %swap3A_127 = arith.index_cast %swap3A_126 : i32 to index
    %swap3A_128 = arith.constant 32 : index
    %swap3A_129 = tpu.vector_load %arg15[%swap3A_127, %swap3A_128] {strides = array<i32>} : memref<4x128xf32, #tpu.memory_space<vmem>>, vector<1x16xf32>,
    %swap3A_130 = vector.shape_cast %swap3A_129 : vector<1x16xf32> to vector<16xf32>
    %swap3A_131 = vector.shape_cast %broadcast_in_dim3A_18 : vector<16xf32> to vector<1x16xf32>
    tpu.vector_store %arg15[%swap3A_127, %swap3A_128], %swap3A_131 {strides = array<i32>} : memref<4x128xf32, #tpu.memory_space<vmem>>, vector<1x16xf32>,
    %swap3A_132 = arith.constant 2 : i32
    %swap3A_133 = arith.index_cast %swap3A_132 : i32 to index
    %swap3A_134 = arith.constant 48 : index
    %swap3A_135 = tpu.vector_load %arg15[%swap3A_133, %swap3A_134] {strides = array<i32>} : memref<4x128xf32, #tpu.memory_space<vmem>>, vector<1x16xf32>,
    %swap3A_136 = vector.shape_cast %swap3A_135 : vector<1x16xf32> to vector<16xf32>
    %swap3A_137 = vector.shape_cast %broadcast_in_dim3A_18 : vector<16xf32> to vector<1x16xf32>
    tpu.vector_store %arg15[%swap3A_133, %swap3A_134], %swap3A_137 {strides = array<i32>} : memref<4x128xf32, #tpu.memory_space<vmem>>, vector<1x16xf32>,
    %swap3A_138 = arith.constant 2 : i32
    %swap3A_139 = arith.index_cast %swap3A_138 : i32 to index
    %swap3A_140 = arith.constant 64 : index
    %swap3A_141 = tpu.vector_load %arg15[%swap3A_139, %swap3A_140] {strides = array<i32>} : memref<4x128xf32, #tpu.memory_space<vmem>>, vector<1x16xf32>,
    %swap3A_142 = vector.shape_cast %swap3A_141 : vector<1x16xf32> to vector<16xf32>
    %swap3A_143 = vector.shape_cast %broadcast_in_dim3A_18 : vector<16xf32> to vector<1x16xf32>
    tpu.vector_store %arg15[%swap3A_139, %swap3A_140], %swap3A_143 {strides = array<i32>} : memref<4x128xf32, #tpu.memory_space<vmem>>, vector<1x16xf32>,
    %swap3A_144 = arith.constant 2 : i32
    %swap3A_145 = arith.index_cast %swap3A_144 : i32 to index
    %swap3A_146 = arith.constant 80 : index
    %swap3A_147 = tpu.vector_load %arg15[%swap3A_145, %swap3A_146] {strides = array<i32>} : memref<4x128xf32, #tpu.memory_space<vmem>>, vector<1x16xf32>,
    %swap3A_148 = vector.shape_cast %swap3A_147 : vector<1x16xf32> to vector<16xf32>
    %swap3A_149 = vector.shape_cast %broadcast_in_dim3A_18 : vector<16xf32> to vector<1x16xf32>
    tpu.vector_store %arg15[%swap3A_145, %swap3A_146], %swap3A_149 {strides = array<i32>} : memref<4x128xf32, #tpu.memory_space<vmem>>, vector<1x16xf32>,
    %swap3A_150 = arith.constant 2 : i32
    %swap3A_151 = arith.index_cast %swap3A_150 : i32 to index
    %swap3A_152 = arith.constant 96 : index
    %swap3A_153 = tpu.vector_load %arg15[%swap3A_151, %swap3A_152] {strides = array<i32>} : memref<4x128xf32, #tpu.memory_space<vmem>>, vector<1x16xf32>,
    %swap3A_154 = vector.shape_cast %swap3A_153 : vector<1x16xf32> to vector<16xf32>
    %swap3A_155 = vector.shape_cast %broadcast_in_dim3A_18 : vector<16xf32> to vector<1x16xf32>
    tpu.vector_store %arg15[%swap3A_151, %swap3A_152], %swap3A_155 {strides = array<i32>} : memref<4x128xf32, #tpu.memory_space<vmem>>, vector<1x16xf32>,
    %swap3A_156 = arith.constant 2 : i32
    %swap3A_157 = arith.index_cast %swap3A_156 : i32 to index
    %swap3A_158 = arith.constant 112 : index
    %swap3A_159 = tpu.vector_load %arg15[%swap3A_157, %swap3A_158] {strides = array<i32>} : memref<4x128xf32, #tpu.memory_space<vmem>>, vector<1x16xf32>,
    %swap3A_160 = vector.shape_cast %swap3A_159 : vector<1x16xf32> to vector<16xf32>
    %swap3A_161 = vector.shape_cast %broadcast_in_dim3A_18 : vector<16xf32> to vector<1x16xf32>
    tpu.vector_store %arg15[%swap3A_157, %swap3A_158], %swap3A_161 {strides = array<i32>} : memref<4x128xf32, #tpu.memory_space<vmem>>, vector<1x16xf32>,
    %swap3A_162 = arith.constant 3 : i32
    %swap3A_163 = arith.index_cast %swap3A_162 : i32 to index
    %swap3A_164 = arith.constant 0 : index
    %swap3A_165 = tpu.vector_load %arg15[%swap3A_163, %swap3A_164] {strides = array<i32>} : memref<4x128xf32, #tpu.memory_space<vmem>>, vector<1x16xf32>,
    %swap3A_166 = vector.shape_cast %swap3A_165 : vector<1x16xf32> to vector<16xf32>
    %swap3A_167 = vector.shape_cast %broadcast_in_dim3A_18 : vector<16xf32> to vector<1x16xf32>
    tpu.vector_store %arg15[%swap3A_163, %swap3A_164], %swap3A_167 {strides = array<i32>} : memref<4x128xf32, #tpu.memory_space<vmem>>, vector<1x16xf32>,
    %swap3A_168 = arith.constant 3 : i32
    %swap3A_169 = arith.index_cast %swap3A_168 : i32 to index
    %swap3A_170 = arith.constant 16 : index
    %swap3A_171 = tpu.vector_load %arg15[%swap3A_169, %swap3A_170] {strides = array<i32>} : memref<4x128xf32, #tpu.memory_space<vmem>>, vector<1x16xf32>,
    %swap3A_172 = vector.shape_cast %swap3A_171 : vector<1x16xf32> to vector<16xf32>
    %swap3A_173 = vector.shape_cast %broadcast_in_dim3A_18 : vector<16xf32> to vector<1x16xf32>
    tpu.vector_store %arg15[%swap3A_169, %swap3A_170], %swap3A_173 {strides = array<i32>} : memref<4x128xf32, #tpu.memory_space<vmem>>, vector<1x16xf32>,
    %swap3A_174 = arith.constant 3 : i32
    %swap3A_175 = arith.index_cast %swap3A_174 : i32 to index
    %swap3A_176 = arith.constant 32 : index
    %swap3A_177 = tpu.vector_load %arg15[%swap3A_175, %swap3A_176] {strides = array<i32>} : memref<4x128xf32, #tpu.memory_space<vmem>>, vector<1x16xf32>,
    %swap3A_178 = vector.shape_cast %swap3A_177 : vector<1x16xf32> to vector<16xf32>
    %swap3A_179 = vector.shape_cast %broadcast_in_dim3A_18 : vector<16xf32> to vector<1x16xf32>
    tpu.vector_store %arg15[%swap3A_175, %swap3A_176], %swap3A_179 {strides = array<i32>} : memref<4x128xf32, #tpu.memory_space<vmem>>, vector<1x16xf32>,
    %swap3A_180 = arith.constant 3 : i32
    %swap3A_181 = arith.index_cast %swap3A_180 : i32 to index
    %swap3A_182 = arith.constant 48 : index
    %swap3A_183 = tpu.vector_load %arg15[%swap3A_181, %swap3A_182] {strides = array<i32>} : memref<4x128xf32, #tpu.memory_space<vmem>>, vector<1x16xf32>,
    %swap3A_184 = vector.shape_cast %swap3A_183 : vector<1x16xf32> to vector<16xf32>
    %swap3A_185 = vector.shape_cast %broadcast_in_dim3A_18 : vector<16xf32> to vector<1x16xf32>
    tpu.vector_store %arg15[%swap3A_181, %swap3A_182], %swap3A_185 {strides = array<i32>} : memref<4x128xf32, #tpu.memory_space<vmem>>, vector<1x16xf32>,
    %swap3A_186 = arith.constant 3 : i32
    %swap3A_187 = arith.index_cast %swap3A_186 : i32 to index
    %swap3A_188 = arith.constant 64 : index
    %swap3A_189 = tpu.vector_load %arg15[%swap3A_187, %swap3A_188] {strides = array<i32>} : memref<4x128xf32, #tpu.memory_space<vmem>>, vector<1x16xf32>,
    %swap3A_190 = vector.shape_cast %swap3A_189 : vector<1x16xf32> to vector<16xf32>
    %swap3A_191 = vector.shape_cast %broadcast_in_dim3A_18 : vector<16xf32> to vector<1x16xf32>
    tpu.vector_store %arg15[%swap3A_187, %swap3A_188], %swap3A_191 {strides = array<i32>} : memref<4x128xf32, #tpu.memory_space<vmem>>, vector<1x16xf32>,
    %swap3A_192 = arith.constant 3 : i32
    %swap3A_193 = arith.index_cast %swap3A_192 : i32 to index
    %swap3A_194 = arith.constant 80 : index
    %swap3A_195 = tpu.vector_load %arg15[%swap3A_193, %swap3A_194] {strides = array<i32>} : memref<4x128xf32, #tpu.memory_space<vmem>>, vector<1x16xf32>,
    %swap3A_196 = vector.shape_cast %swap3A_195 : vector<1x16xf32> to vector<16xf32>
    %swap3A_197 = vector.shape_cast %broadcast_in_dim3A_18 : vector<16xf32> to vector<1x16xf32>
    tpu.vector_store %arg15[%swap3A_193, %swap3A_194], %swap3A_197 {strides = array<i32>} : memref<4x128xf32, #tpu.memory_space<vmem>>, vector<1x16xf32>,
    %swap3A_198 = arith.constant 3 : i32
    %swap3A_199 = arith.index_cast %swap3A_198 : i32 to index
    %swap3A_200 = arith.constant 96 : index
    %swap3A_201 = tpu.vector_load %arg15[%swap3A_199, %swap3A_200] {strides = array<i32>} : memref<4x128xf32, #tpu.memory_space<vmem>>, vector<1x16xf32>,
    %swap3A_202 = vector.shape_cast %swap3A_201 : vector<1x16xf32> to vector<16xf32>
    %swap3A_203 = vector.shape_cast %broadcast_in_dim3A_18 : vector<16xf32> to vector<1x16xf32>
    tpu.vector_store %arg15[%swap3A_199, %swap3A_200], %swap3A_203 {strides = array<i32>} : memref<4x128xf32, #tpu.memory_space<vmem>>, vector<1x16xf32>,
    %swap3A_204 = arith.constant 3 : i32
    %swap3A_205 = arith.index_cast %swap3A_204 : i32 to index
    %swap3A_206 = arith.constant 112 : index
    %swap3A_207 = tpu.vector_load %arg15[%swap3A_205, %swap3A_206] {strides = array<i32>} : memref<4x128xf32, #tpu.memory_space<vmem>>, vector<1x16xf32>,
    %swap3A_208 = vector.shape_cast %swap3A_207 : vector<1x16xf32> to vector<16xf32>
    %swap3A_209 = vector.shape_cast %broadcast_in_dim3A_18 : vector<16xf32> to vector<1x16xf32>
    tpu.vector_store %arg15[%swap3A_205, %swap3A_206], %swap3A_209 {strides = array<i32>} : memref<4x128xf32, #tpu.memory_space<vmem>>, vector<1x16xf32>,
    %get3A = arith.constant 0 : index
    %get3A_210 = tpu.vector_load %arg16[%get3A] {strides = array<i32>} : memref<32xf32, #tpu.memory_space<vmem>>, vector<16xf32>,
    %get3A_211 = vector.shape_cast %get3A_210 : vector<16xf32> to vector<16xf32>
    %get3A_212 = arith.constant 16 : index
    %get3A_213 = tpu.vector_load %arg16[%get3A_212] {strides = array<i32>} : memref<32xf32, #tpu.memory_space<vmem>>, vector<16xf32>,
    %get3A_214 = vector.shape_cast %get3A_213 : vector<16xf32> to vector<16xf32>
    %get3A_215 = arith.constant 0 : index
    %get3A_216 = tpu.vector_load %arg17[%get3A_215] {strides = array<i32>} : memref<32xf32, #tpu.memory_space<vmem>>, vector<16xf32>,
    %get3A_217 = vector.shape_cast %get3A_216 : vector<16xf32> to vector<16xf32>
    %get3A_218 = arith.constant 16 : index
    %get3A_219 = tpu.vector_load %arg17[%get3A_218] {strides = array<i32>} : memref<32xf32, #tpu.memory_space<vmem>>, vector<16xf32>,
    %get3A_220 = vector.shape_cast %get3A_219 : vector<16xf32> to vector<16xf32>
    %mul3A_221 = arith.constant -5.000000e+00 : f32
    %mul3A_222 = vector.broadcast %mul3A_221 : f32 to vector<16xf32>
    %mul3A_223 = arith.mulf %get3A_211, %mul3A_222 : vector<16xf32>
    %exp3A = math.exp %mul3A_223 : vector<16xf32>
    %add3A_224 = arith.constant 1.000000e+00 : f32
    %add3A_225 = vector.broadcast %add3A_224 : f32 to vector<16xf32>
    %add3A_226 = arith.addf %add3A_225, %exp3A : vector<16xf32>
    %div3A = arith.constant 1.000000e+00 : f32
    %div3A_227 = vector.broadcast %div3A : f32 to vector<16xf32>
    %div3A_228 = arith.divf %div3A_227, %add3A_226 : vector<16xf32>
    %mul3A_229 = arith.constant -5.000000e+00 : f32
    %mul3A_230 = vector.broadcast %mul3A_229 : f32 to vector<16xf32>
    %mul3A_231 = arith.mulf %get3A_214, %mul3A_230 : vector<16xf32>
    %exp3A_232 = math.exp %mul3A_231 : vector<16xf32>
    %add3A_233 = arith.constant 1.000000e+00 : f32
    %add3A_234 = vector.broadcast %add3A_233 : f32 to vector<16xf32>
    %add3A_235 = arith.addf %add3A_234, %exp3A_232 : vector<16xf32>
    %div3A_236 = arith.constant 1.000000e+00 : f32
    %div3A_237 = vector.broadcast %div3A_236 : f32 to vector<16xf32>
    %div3A_238 = arith.divf %div3A_237, %add3A_235 : vector<16xf32>
    %mul3A_239 = arith.mulf %div3A_228, %get3A_217 : vector<16xf32>
    %sub3A = arith.constant 1.000000e+00 : f32
    %sub3A_240 = vector.broadcast %sub3A : f32 to vector<16xf32>
    %sub3A_241 = arith.subf %sub3A_240, %div3A_228 : vector<16xf32>
    %mul3A_242 = arith.mulf %sub3A_241, %get3A_217 : vector<16xf32>
    %mul3A_243 = arith.mulf %div3A_238, %get3A_220 : vector<16xf32>
    %sub3A_244 = arith.constant 1.000000e+00 : f32
    %sub3A_245 = vector.broadcast %sub3A_244 : f32 to vector<16xf32>
    %sub3A_246 = arith.subf %sub3A_245, %div3A_238 : vector<16xf32>
    %mul3A_247 = arith.mulf %sub3A_246, %get3A_220 : vector<16xf32>
    %slice3A = vector.extract_strided_slice %mul3A_239 {offsets = [0], sizes = [1], strides = [1]} : vector<16xf32> to vector<1xf32>
    %squeeze3A = vector.extract %slice3A[0] : f32 from vector<1xf32>
    %broadcast_in_dim3A_248 = vector.broadcast %squeeze3A : f32 to vector<16xf32>
    %swap3A_249 = arith.constant 0 : index
    %swap3A_250 = tpu.vector_load %arg18[%swap3A_249] {strides = array<i32>} : memref<416xf32, #tpu.memory_space<vmem>>, vector<16xf32>,
    %swap3A_251 = vector.shape_cast %swap3A_250 : vector<16xf32> to vector<16xf32>
    %swap3A_252 = vector.shape_cast %broadcast_in_dim3A_248 : vector<16xf32> to vector<16xf32>
    tpu.vector_store %arg18[%swap3A_249], %swap3A_252 {strides = array<i32>} : memref<416xf32, #tpu.memory_space<vmem>>, vector<16xf32>,
    %slice3A_253 = vector.extract_strided_slice %mul3A_242 {offsets = [0], sizes = [1], strides = [1]} : vector<16xf32> to vector<1xf32>
    %squeeze3A_254 = vector.extract %slice3A_253[0] : f32 from vector<1xf32>
    %broadcast_in_dim3A_255 = vector.broadcast %squeeze3A_254 : f32 to vector<16xf32>
    %swap3A_256 = arith.constant 0 : index
    %swap3A_257 = tpu.vector_load %arg19[%swap3A_256] {strides = array<i32>} : memref<416xf32, #tpu.memory_space<vmem>>, vector<16xf32>,
    %swap3A_258 = vector.shape_cast %swap3A_257 : vector<16xf32> to vector<16xf32>
    %swap3A_259 = vector.shape_cast %broadcast_in_dim3A_255 : vector<16xf32> to vector<16xf32>
    tpu.vector_store %arg19[%swap3A_256], %swap3A_259 {strides = array<i32>} : memref<416xf32, #tpu.memory_space<vmem>>, vector<16xf32>,
    %slice3A_260 = vector.extract_strided_slice %mul3A_239 {offsets = [1], sizes = [1], strides = [1]} : vector<16xf32> to vector<1xf32>
    %squeeze3A_261 = vector.extract %slice3A_260[0] : f32 from vector<1xf32>
    %broadcast_in_dim3A_262 = vector.broadcast %squeeze3A_261 : f32 to vector<16xf32>
    %swap3A_263 = arith.constant 16 : index
    %swap3A_264 = tpu.vector_load %arg18[%swap3A_263] {strides = array<i32>} : memref<416xf32, #tpu.memory_space<vmem>>, vector<16xf32>,
    %swap3A_265 = vector.shape_cast %swap3A_264 : vector<16xf32> to vector<16xf32>
    %swap3A_266 = vector.shape_cast %broadcast_in_dim3A_262 : vector<16xf32> to vector<16xf32>
    tpu.vector_store %arg18[%swap3A_263], %swap3A_266 {strides = array<i32>} : memref<416xf32, #tpu.memory_space<vmem>>, vector<16xf32>,
    %slice3A_267 = vector.extract_strided_slice %mul3A_242 {offsets = [1], sizes = [1], strides = [1]} : vector<16xf32> to vector<1xf32>
    %squeeze3A_268 = vector.extract %slice3A_267[0] : f32 from vector<1xf32>
    %broadcast_in_dim3A_269 = vector.broadcast %squeeze3A_268 : f32 to vector<16xf32>
    %swap3A_270 = arith.constant 16 : index
    %swap3A_271 = tpu.vector_load %arg19[%swap3A_270] {strides = array<i32>} : memref<416xf32, #tpu.memory_space<vmem>>, vector<16xf32>,
    %swap3A_272 = vector.shape_cast %swap3A_271 : vector<16xf32> to vector<16xf32>
    %swap3A_273 = vector.shape_cast %broadcast_in_dim3A_269 : vector<16xf32> to vector<16xf32>
    tpu.vector_store %arg19[%swap3A_270], %swap3A_273 {strides = array<i32>} : memref<416xf32, #tpu.memory_space<vmem>>, vector<16xf32>,
    %slice3A_274 = vector.extract_strided_slice %mul3A_239 {offsets = [2], sizes = [1], strides = [1]} : vector<16xf32> to vector<1xf32>
    %squeeze3A_275 = vector.extract %slice3A_274[0] : f32 from vector<1xf32>
    %broadcast_in_dim3A_276 = vector.broadcast %squeeze3A_275 : f32 to vector<16xf32>
    %swap3A_277 = arith.constant 32 : index
    %swap3A_278 = tpu.vector_load %arg18[%swap3A_277] {strides = array<i32>} : memref<416xf32, #tpu.memory_space<vmem>>, vector<16xf32>,
    %swap3A_279 = vector.shape_cast %swap3A_278 : vector<16xf32> to vector<16xf32>
    %swap3A_280 = vector.shape_cast %broadcast_in_dim3A_276 : vector<16xf32> to vector<16xf32>
    tpu.vector_store %arg18[%swap3A_277], %swap3A_280 {strides = array<i32>} : memref<416xf32, #tpu.memory_space<vmem>>, vector<16xf32>,
    %slice3A_281 = vector.extract_strided_slice %mul3A_242 {offsets = [2], sizes = [1], strides = [1]} : vector<16xf32> to vector<1xf32>
    %squeeze3A_282 = vector.extract %slice3A_281[0] : f32 from vector<1xf32>
    %broadcast_in_dim3A_283 = vector.broadcast %squeeze3A_282 : f32 to vector<16xf32>
    %swap3A_284 = arith.constant 32 : index
    %swap3A_285 = tpu.vector_load %arg19[%swap3A_284] {strides = array<i32>} : memref<416xf32, #tpu.memory_space<vmem>>, vector<16xf32>,
    %swap3A_286 = vector.shape_cast %swap3A_285 : vector<16xf32> to vector<16xf32>
    %swap3A_287 = vector.shape_cast %broadcast_in_dim3A_283 : vector<16xf32> to vector<16xf32>
    tpu.vector_store %arg19[%swap3A_284], %swap3A_287 {strides = array<i32>} : memref<416xf32, #tpu.memory_space<vmem>>, vector<16xf32>,
    %slice3A_288 = vector.extract_strided_slice %mul3A_239 {offsets = [3], sizes = [1], strides = [1]} : vector<16xf32> to vector<1xf32>
    %squeeze3A_289 = vector.extract %slice3A_288[0] : f32 from vector<1xf32>
    %broadcast_in_dim3A_290 = vector.broadcast %squeeze3A_289 : f32 to vector<16xf32>
    %swap3A_291 = arith.constant 48 : index
    %swap3A_292 = tpu.vector_load %arg18[%swap3A_291] {strides = array<i32>} : memref<416xf32, #tpu.memory_space<vmem>>, vector<16xf32>,
    %swap3A_293 = vector.shape_cast %swap3A_292 : vector<16xf32> to vector<16xf32>
    %swap3A_294 = vector.shape_cast %broadcast_in_dim3A_290 : vector<16xf32> to vector<16xf32>
    tpu.vector_store %arg18[%swap3A_291], %swap3A_294 {strides = array<i32>} : memref<416xf32, #tpu.memory_space<vmem>>, vector<16xf32>,
    %slice3A_295 = vector.extract_strided_slice %mul3A_242 {offsets = [3], sizes = [1], strides = [1]} : vector<16xf32> to vector<1xf32>
    %squeeze3A_296 = vector.extract %slice3A_295[0] : f32 from vector<1xf32>
    %broadcast_in_dim3A_297 = vector.broadcast %squeeze3A_296 : f32 to vector<16xf32>
    %swap3A_298 = arith.constant 48 : index
    %swap3A_299 = tpu.vector_load %arg19[%swap3A_298] {strides = array<i32>} : memref<416xf32, #tpu.memory_space<vmem>>, vector<16xf32>,
    %swap3A_300 = vector.shape_cast %swap3A_299 : vector<16xf32> to vector<16xf32>
    %swap3A_301 = vector.shape_cast %broadcast_in_dim3A_297 : vector<16xf32> to vector<16xf32>
    tpu.vector_store %arg19[%swap3A_298], %swap3A_301 {strides = array<i32>} : memref<416xf32, #tpu.memory_space<vmem>>, vector<16xf32>,
    %slice3A_302 = vector.extract_strided_slice %mul3A_239 {offsets = [4], sizes = [1], strides = [1]} : vector<16xf32> to vector<1xf32>
    %squeeze3A_303 = vector.extract %slice3A_302[0] : f32 from vector<1xf32>
    %broadcast_in_dim3A_304 = vector.broadcast %squeeze3A_303 : f32 to vector<16xf32>
    %swap3A_305 = arith.constant 64 : index
    %swap3A_306 = tpu.vector_load %arg18[%swap3A_305] {strides = array<i32>} : memref<416xf32, #tpu.memory_space<vmem>>, vector<16xf32>,
    %swap3A_307 = vector.shape_cast %swap3A_306 : vector<16xf32> to vector<16xf32>
    %swap3A_308 = vector.shape_cast %broadcast_in_dim3A_304 : vector<16xf32> to vector<16xf32>
    tpu.vector_store %arg18[%swap3A_305], %swap3A_308 {strides = array<i32>} : memref<416xf32, #tpu.memory_space<vmem>>, vector<16xf32>,
    %slice3A_309 = vector.extract_strided_slice %mul3A_242 {offsets = [4], sizes = [1], strides = [1]} : vector<16xf32> to vector<1xf32>
    %squeeze3A_310 = vector.extract %slice3A_309[0] : f32 from vector<1xf32>
    %broadcast_in_dim3A_311 = vector.broadcast %squeeze3A_310 : f32 to vector<16xf32>
    %swap3A_312 = arith.constant 64 : index
    %swap3A_313 = tpu.vector_load %arg19[%swap3A_312] {strides = array<i32>} : memref<416xf32, #tpu.memory_space<vmem>>, vector<16xf32>,
    %swap3A_314 = vector.shape_cast %swap3A_313 : vector<16xf32> to vector<16xf32>
    %swap3A_315 = vector.shape_cast %broadcast_in_dim3A_311 : vector<16xf32> to vector<16xf32>
    tpu.vector_store %arg19[%swap3A_312], %swap3A_315 {strides = array<i32>} : memref<416xf32, #tpu.memory_space<vmem>>, vector<16xf32>,
    %slice3A_316 = vector.extract_strided_slice %mul3A_239 {offsets = [5], sizes = [1], strides = [1]} : vector<16xf32> to vector<1xf32>
    %squeeze3A_317 = vector.extract %slice3A_316[0] : f32 from vector<1xf32>
    %broadcast_in_dim3A_318 = vector.broadcast %squeeze3A_317 : f32 to vector<16xf32>
    %swap3A_319 = arith.constant 80 : index
    %swap3A_320 = tpu.vector_load %arg18[%swap3A_319] {strides = array<i32>} : memref<416xf32, #tpu.memory_space<vmem>>, vector<16xf32>,
    %swap3A_321 = vector.shape_cast %swap3A_320 : vector<16xf32> to vector<16xf32>
    %swap3A_322 = vector.shape_cast %broadcast_in_dim3A_318 : vector<16xf32> to vector<16xf32>
    tpu.vector_store %arg18[%swap3A_319], %swap3A_322 {strides = array<i32>} : memref<416xf32, #tpu.memory_space<vmem>>, vector<16xf32>,
    %slice3A_323 = vector.extract_strided_slice %mul3A_242 {offsets = [5], sizes = [1], strides = [1]} : vector<16xf32> to vector<1xf32>
    %squeeze3A_324 = vector.extract %slice3A_323[0] : f32 from vector<1xf32>
    %broadcast_in_dim3A_325 = vector.broadcast %squeeze3A_324 : f32 to vector<16xf32>
    %swap3A_326 = arith.constant 80 : index
    %swap3A_327 = tpu.vector_load %arg19[%swap3A_326] {strides = array<i32>} : memref<416xf32, #tpu.memory_space<vmem>>, vector<16xf32>,
    %swap3A_328 = vector.shape_cast %swap3A_327 : vector<16xf32> to vector<16xf32>
    %swap3A_329 = vector.shape_cast %broadcast_in_dim3A_325 : vector<16xf32> to vector<16xf32>
    tpu.vector_store %arg19[%swap3A_326], %swap3A_329 {strides = array<i32>} : memref<416xf32, #tpu.memory_space<vmem>>, vector<16xf32>,
    %slice3A_330 = vector.extract_strided_slice %mul3A_239 {offsets = [6], sizes = [1], strides = [1]} : vector<16xf32> to vector<1xf32>
    %squeeze3A_331 = vector.extract %slice3A_330[0] : f32 from vector<1xf32>
    %broadcast_in_dim3A_332 = vector.broadcast %squeeze3A_331 : f32 to vector<16xf32>
    %swap3A_333 = arith.constant 96 : index
    %swap3A_334 = tpu.vector_load %arg18[%swap3A_333] {strides = array<i32>} : memref<416xf32, #tpu.memory_space<vmem>>, vector<16xf32>,
    %swap3A_335 = vector.shape_cast %swap3A_334 : vector<16xf32> to vector<16xf32>
    %swap3A_336 = vector.shape_cast %broadcast_in_dim3A_332 : vector<16xf32> to vector<16xf32>
    tpu.vector_store %arg18[%swap3A_333], %swap3A_336 {strides = array<i32>} : memref<416xf32, #tpu.memory_space<vmem>>, vector<16xf32>,
    %slice3A_337 = vector.extract_strided_slice %mul3A_242 {offsets = [6], sizes = [1], strides = [1]} : vector<16xf32> to vector<1xf32>
    %squeeze3A_338 = vector.extract %slice3A_337[0] : f32 from vector<1xf32>
    %broadcast_in_dim3A_339 = vector.broadcast %squeeze3A_338 : f32 to vector<16xf32>
    %swap3A_340 = arith.constant 96 : index
    %swap3A_341 = tpu.vector_load %arg19[%swap3A_340] {strides = array<i32>} : memref<416xf32, #tpu.memory_space<vmem>>, vector<16xf32>,
    %swap3A_342 = vector.shape_cast %swap3A_341 : vector<16xf32> to vector<16xf32>
    %swap3A_343 = vector.shape_cast %broadcast_in_dim3A_339 : vector<16xf32> to vector<16xf32>
    tpu.vector_store %arg19[%swap3A_340], %swap3A_343 {strides = array<i32>} : memref<416xf32, #tpu.memory_space<vmem>>, vector<16xf32>,
    %slice3A_344 = vector.extract_strided_slice %mul3A_239 {offsets = [7], sizes = [1], strides = [1]} : vector<16xf32> to vector<1xf32>
    %squeeze3A_345 = vector.extract %slice3A_344[0] : f32 from vector<1xf32>
    %broadcast_in_dim3A_346 = vector.broadcast %squeeze3A_345 : f32 to vector<16xf32>
    %swap3A_347 = arith.constant 112 : index
    %swap3A_348 = tpu.vector_load %arg18[%swap3A_347] {strides = array<i32>} : memref<416xf32, #tpu.memory_space<vmem>>, vector<16xf32>,
    %swap3A_349 = vector.shape_cast %swap3A_348 : vector<16xf32> to vector<16xf32>
    %swap3A_350 = vector.shape_cast %broadcast_in_dim3A_346 : vector<16xf32> to vector<16xf32>
    tpu.vector_store %arg18[%swap3A_347], %swap3A_350 {strides = array<i32>} : memref<416xf32, #tpu.memory_space<vmem>>, vector<16xf32>,
    %slice3A_351 = vector.extract_strided_slice %mul3A_242 {offsets = [7], sizes = [1], strides = [1]} : vector<16xf32> to vector<1xf32>
    %squeeze3A_352 = vector.extract %slice3A_351[0] : f32 from vector<1xf32>
    %broadcast_in_dim3A_353 = vector.broadcast %squeeze3A_352 : f32 to vector<16xf32>
    %swap3A_354 = arith.constant 112 : index
    %swap3A_355 = tpu.vector_load %arg19[%swap3A_354] {strides = array<i32>} : memref<416xf32, #tpu.memory_space<vmem>>, vector<16xf32>,
    %swap3A_356 = vector.shape_cast %swap3A_355 : vector<16xf32> to vector<16xf32>
    %swap3A_357 = vector.shape_cast %broadcast_in_dim3A_353 : vector<16xf32> to vector<16xf32>
    tpu.vector_store %arg19[%swap3A_354], %swap3A_357 {strides = array<i32>} : memref<416xf32, #tpu.memory_space<vmem>>, vector<16xf32>,
    %slice3A_358 = vector.extract_strided_slice %mul3A_239 {offsets = [8], sizes = [1], strides = [1]} : vector<16xf32> to vector<1xf32>
    %squeeze3A_359 = vector.extract %slice3A_358[0] : f32 from vector<1xf32>
    %broadcast_in_dim3A_360 = vector.broadcast %squeeze3A_359 : f32 to vector<16xf32>
    %swap3A_361 = arith.constant 128 : index
    %swap3A_362 = tpu.vector_load %arg18[%swap3A_361] {strides = array<i32>} : memref<416xf32, #tpu.memory_space<vmem>>, vector<16xf32>,
    %swap3A_363 = vector.shape_cast %swap3A_362 : vector<16xf32> to vector<16xf32>
    %swap3A_364 = vector.shape_cast %broadcast_in_dim3A_360 : vector<16xf32> to vector<16xf32>
    tpu.vector_store %arg18[%swap3A_361], %swap3A_364 {strides = array<i32>} : memref<416xf32, #tpu.memory_space<vmem>>, vector<16xf32>,
    %slice3A_365 = vector.extract_strided_slice %mul3A_242 {offsets = [8], sizes = [1], strides = [1]} : vector<16xf32> to vector<1xf32>
    %squeeze3A_366 = vector.extract %slice3A_365[0] : f32 from vector<1xf32>
    %broadcast_in_dim3A_367 = vector.broadcast %squeeze3A_366 : f32 to vector<16xf32>
    %swap3A_368 = arith.constant 128 : index
    %swap3A_369 = tpu.vector_load %arg19[%swap3A_368] {strides = array<i32>} : memref<416xf32, #tpu.memory_space<vmem>>, vector<16xf32>,
    %swap3A_370 = vector.shape_cast %swap3A_369 : vector<16xf32> to vector<16xf32>
    %swap3A_371 = vector.shape_cast %broadcast_in_dim3A_367 : vector<16xf32> to vector<16xf32>
    tpu.vector_store %arg19[%swap3A_368], %swap3A_371 {strides = array<i32>} : memref<416xf32, #tpu.memory_space<vmem>>, vector<16xf32>,
    %slice3A_372 = vector.extract_strided_slice %mul3A_239 {offsets = [9], sizes = [1], strides = [1]} : vector<16xf32> to vector<1xf32>
    %squeeze3A_373 = vector.extract %slice3A_372[0] : f32 from vector<1xf32>
    %broadcast_in_dim3A_374 = vector.broadcast %squeeze3A_373 : f32 to vector<16xf32>
    %swap3A_375 = arith.constant 144 : index
    %swap3A_376 = tpu.vector_load %arg18[%swap3A_375] {strides = array<i32>} : memref<416xf32, #tpu.memory_space<vmem>>, vector<16xf32>,
    %swap3A_377 = vector.shape_cast %swap3A_376 : vector<16xf32> to vector<16xf32>
    %swap3A_378 = vector.shape_cast %broadcast_in_dim3A_374 : vector<16xf32> to vector<16xf32>
    tpu.vector_store %arg18[%swap3A_375], %swap3A_378 {strides = array<i32>} : memref<416xf32, #tpu.memory_space<vmem>>, vector<16xf32>,
    %slice3A_379 = vector.extract_strided_slice %mul3A_242 {offsets = [9], sizes = [1], strides = [1]} : vector<16xf32> to vector<1xf32>
    %squeeze3A_380 = vector.extract %slice3A_379[0] : f32 from vector<1xf32>
    %broadcast_in_dim3A_381 = vector.broadcast %squeeze3A_380 : f32 to vector<16xf32>
    %swap3A_382 = arith.constant 144 : index
    %swap3A_383 = tpu.vector_load %arg19[%swap3A_382] {strides = array<i32>} : memref<416xf32, #tpu.memory_space<vmem>>, vector<16xf32>,
    %swap3A_384 = vector.shape_cast %swap3A_383 : vector<16xf32> to vector<16xf32>
    %swap3A_385 = vector.shape_cast %broadcast_in_dim3A_381 : vector<16xf32> to vector<16xf32>
    tpu.vector_store %arg19[%swap3A_382], %swap3A_385 {strides = array<i32>} : memref<416xf32, #tpu.memory_space<vmem>>, vector<16xf32>,
    %slice3A_386 = vector.extract_strided_slice %mul3A_239 {offsets = [10], sizes = [1], strides = [1]} : vector<16xf32> to vector<1xf32>
    %squeeze3A_387 = vector.extract %slice3A_386[0] : f32 from vector<1xf32>
    %broadcast_in_dim3A_388 = vector.broadcast %squeeze3A_387 : f32 to vector<16xf32>
    %swap3A_389 = arith.constant 160 : index
    %swap3A_390 = tpu.vector_load %arg18[%swap3A_389] {strides = array<i32>} : memref<416xf32, #tpu.memory_space<vmem>>, vector<16xf32>,
    %swap3A_391 = vector.shape_cast %swap3A_390 : vector<16xf32> to vector<16xf32>
    %swap3A_392 = vector.shape_cast %broadcast_in_dim3A_388 : vector<16xf32> to vector<16xf32>
    tpu.vector_store %arg18[%swap3A_389], %swap3A_392 {strides = array<i32>} : memref<416xf32, #tpu.memory_space<vmem>>, vector<16xf32>,
    %slice3A_393 = vector.extract_strided_slice %mul3A_242 {offsets = [10], sizes = [1], strides = [1]} : vector<16xf32> to vector<1xf32>
    %squeeze3A_394 = vector.extract %slice3A_393[0] : f32 from vector<1xf32>
    %broadcast_in_dim3A_395 = vector.broadcast %squeeze3A_394 : f32 to vector<16xf32>
    %swap3A_396 = arith.constant 160 : index
    %swap3A_397 = tpu.vector_load %arg19[%swap3A_396] {strides = array<i32>} : memref<416xf32, #tpu.memory_space<vmem>>, vector<16xf32>,
    %swap3A_398 = vector.shape_cast %swap3A_397 : vector<16xf32> to vector<16xf32>
    %swap3A_399 = vector.shape_cast %broadcast_in_dim3A_395 : vector<16xf32> to vector<16xf32>
    tpu.vector_store %arg19[%swap3A_396], %swap3A_399 {strides = array<i32>} : memref<416xf32, #tpu.memory_space<vmem>>, vector<16xf32>,
    %slice3A_400 = vector.extract_strided_slice %mul3A_239 {offsets = [11], sizes = [1], strides = [1]} : vector<16xf32> to vector<1xf32>
    %squeeze3A_401 = vector.extract %slice3A_400[0] : f32 from vector<1xf32>
    %broadcast_in_dim3A_402 = vector.broadcast %squeeze3A_401 : f32 to vector<16xf32>
    %swap3A_403 = arith.constant 176 : index
    %swap3A_404 = tpu.vector_load %arg18[%swap3A_403] {strides = array<i32>} : memref<416xf32, #tpu.memory_space<vmem>>, vector<16xf32>,
    %swap3A_405 = vector.shape_cast %swap3A_404 : vector<16xf32> to vector<16xf32>
    %swap3A_406 = vector.shape_cast %broadcast_in_dim3A_402 : vector<16xf32> to vector<16xf32>
    tpu.vector_store %arg18[%swap3A_403], %swap3A_406 {strides = array<i32>} : memref<416xf32, #tpu.memory_space<vmem>>, vector<16xf32>,
    %slice3A_407 = vector.extract_strided_slice %mul3A_242 {offsets = [11], sizes = [1], strides = [1]} : vector<16xf32> to vector<1xf32>
    %squeeze3A_408 = vector.extract %slice3A_407[0] : f32 from vector<1xf32>
    %broadcast_in_dim3A_409 = vector.broadcast %squeeze3A_408 : f32 to vector<16xf32>
    %swap3A_410 = arith.constant 176 : index
    %swap3A_411 = tpu.vector_load %arg19[%swap3A_410] {strides = array<i32>} : memref<416xf32, #tpu.memory_space<vmem>>, vector<16xf32>,
    %swap3A_412 = vector.shape_cast %swap3A_411 : vector<16xf32> to vector<16xf32>
    %swap3A_413 = vector.shape_cast %broadcast_in_dim3A_409 : vector<16xf32> to vector<16xf32>
    tpu.vector_store %arg19[%swap3A_410], %swap3A_413 {strides = array<i32>} : memref<416xf32, #tpu.memory_space<vmem>>, vector<16xf32>,
    %slice3A_414 = vector.extract_strided_slice %mul3A_239 {offsets = [12], sizes = [1], strides = [1]} : vector<16xf32> to vector<1xf32>
    %squeeze3A_415 = vector.extract %slice3A_414[0] : f32 from vector<1xf32>
    %broadcast_in_dim3A_416 = vector.broadcast %squeeze3A_415 : f32 to vector<16xf32>
    %swap3A_417 = arith.constant 192 : index
    %swap3A_418 = tpu.vector_load %arg18[%swap3A_417] {strides = array<i32>} : memref<416xf32, #tpu.memory_space<vmem>>, vector<16xf32>,
    %swap3A_419 = vector.shape_cast %swap3A_418 : vector<16xf32> to vector<16xf32>
    %swap3A_420 = vector.shape_cast %broadcast_in_dim3A_416 : vector<16xf32> to vector<16xf32>
    tpu.vector_store %arg18[%swap3A_417], %swap3A_420 {strides = array<i32>} : memref<416xf32, #tpu.memory_space<vmem>>, vector<16xf32>,
    %slice3A_421 = vector.extract_strided_slice %mul3A_242 {offsets = [12], sizes = [1], strides = [1]} : vector<16xf32> to vector<1xf32>
    %squeeze3A_422 = vector.extract %slice3A_421[0] : f32 from vector<1xf32>
    %broadcast_in_dim3A_423 = vector.broadcast %squeeze3A_422 : f32 to vector<16xf32>
    %swap3A_424 = arith.constant 192 : index
    %swap3A_425 = tpu.vector_load %arg19[%swap3A_424] {strides = array<i32>} : memref<416xf32, #tpu.memory_space<vmem>>, vector<16xf32>,
    %swap3A_426 = vector.shape_cast %swap3A_425 : vector<16xf32> to vector<16xf32>
    %swap3A_427 = vector.shape_cast %broadcast_in_dim3A_423 : vector<16xf32> to vector<16xf32>
    tpu.vector_store %arg19[%swap3A_424], %swap3A_427 {strides = array<i32>} : memref<416xf32, #tpu.memory_space<vmem>>, vector<16xf32>,
    %slice3A_428 = vector.extract_strided_slice %mul3A_239 {offsets = [13], sizes = [1], strides = [1]} : vector<16xf32> to vector<1xf32>
    %squeeze3A_429 = vector.extract %slice3A_428[0] : f32 from vector<1xf32>
    %broadcast_in_dim3A_430 = vector.broadcast %squeeze3A_429 : f32 to vector<16xf32>
    %swap3A_431 = arith.constant 208 : index
    %swap3A_432 = tpu.vector_load %arg18[%swap3A_431] {strides = array<i32>} : memref<416xf32, #tpu.memory_space<vmem>>, vector<16xf32>,
    %swap3A_433 = vector.shape_cast %swap3A_432 : vector<16xf32> to vector<16xf32>
    %swap3A_434 = vector.shape_cast %broadcast_in_dim3A_430 : vector<16xf32> to vector<16xf32>
    tpu.vector_store %arg18[%swap3A_431], %swap3A_434 {strides = array<i32>} : memref<416xf32, #tpu.memory_space<vmem>>, vector<16xf32>,
    %slice3A_435 = vector.extract_strided_slice %mul3A_242 {offsets = [13], sizes = [1], strides = [1]} : vector<16xf32> to vector<1xf32>
    %squeeze3A_436 = vector.extract %slice3A_435[0] : f32 from vector<1xf32>
    %broadcast_in_dim3A_437 = vector.broadcast %squeeze3A_436 : f32 to vector<16xf32>
    %swap3A_438 = arith.constant 208 : index
    %swap3A_439 = tpu.vector_load %arg19[%swap3A_438] {strides = array<i32>} : memref<416xf32, #tpu.memory_space<vmem>>, vector<16xf32>,
    %swap3A_440 = vector.shape_cast %swap3A_439 : vector<16xf32> to vector<16xf32>
    %swap3A_441 = vector.shape_cast %broadcast_in_dim3A_437 : vector<16xf32> to vector<16xf32>
    tpu.vector_store %arg19[%swap3A_438], %swap3A_441 {strides = array<i32>} : memref<416xf32, #tpu.memory_space<vmem>>, vector<16xf32>,
    %slice3A_442 = vector.extract_strided_slice %mul3A_239 {offsets = [14], sizes = [1], strides = [1]} : vector<16xf32> to vector<1xf32>
    %squeeze3A_443 = vector.extract %slice3A_442[0] : f32 from vector<1xf32>
    %broadcast_in_dim3A_444 = vector.broadcast %squeeze3A_443 : f32 to vector<16xf32>
    %swap3A_445 = arith.constant 224 : index
    %swap3A_446 = tpu.vector_load %arg18[%swap3A_445] {strides = array<i32>} : memref<416xf32, #tpu.memory_space<vmem>>, vector<16xf32>,
    %swap3A_447 = vector.shape_cast %swap3A_446 : vector<16xf32> to vector<16xf32>
    %swap3A_448 = vector.shape_cast %broadcast_in_dim3A_444 : vector<16xf32> to vector<16xf32>
    tpu.vector_store %arg18[%swap3A_445], %swap3A_448 {strides = array<i32>} : memref<416xf32, #tpu.memory_space<vmem>>, vector<16xf32>,
    %slice3A_449 = vector.extract_strided_slice %mul3A_242 {offsets = [14], sizes = [1], strides = [1]} : vector<16xf32> to vector<1xf32>
    %squeeze3A_450 = vector.extract %slice3A_449[0] : f32 from vector<1xf32>
    %broadcast_in_dim3A_451 = vector.broadcast %squeeze3A_450 : f32 to vector<16xf32>
    %swap3A_452 = arith.constant 224 : index
    %swap3A_453 = tpu.vector_load %arg19[%swap3A_452] {strides = array<i32>} : memref<416xf32, #tpu.memory_space<vmem>>, vector<16xf32>,
    %swap3A_454 = vector.shape_cast %swap3A_453 : vector<16xf32> to vector<16xf32>
    %swap3A_455 = vector.shape_cast %broadcast_in_dim3A_451 : vector<16xf32> to vector<16xf32>
    tpu.vector_store %arg19[%swap3A_452], %swap3A_455 {strides = array<i32>} : memref<416xf32, #tpu.memory_space<vmem>>, vector<16xf32>,
    %slice3A_456 = vector.extract_strided_slice %mul3A_239 {offsets = [15], sizes = [1], strides = [1]} : vector<16xf32> to vector<1xf32>
    %squeeze3A_457 = vector.extract %slice3A_456[0] : f32 from vector<1xf32>
    %broadcast_in_dim3A_458 = vector.broadcast %squeeze3A_457 : f32 to vector<16xf32>
    %swap3A_459 = arith.constant 240 : index
    %swap3A_460 = tpu.vector_load %arg18[%swap3A_459] {strides = array<i32>} : memref<416xf32, #tpu.memory_space<vmem>>, vector<16xf32>,
    %swap3A_461 = vector.shape_cast %swap3A_460 : vector<16xf32> to vector<16xf32>
    %swap3A_462 = vector.shape_cast %broadcast_in_dim3A_458 : vector<16xf32> to vector<16xf32>
    tpu.vector_store %arg18[%swap3A_459], %swap3A_462 {strides = array<i32>} : memref<416xf32, #tpu.memory_space<vmem>>, vector<16xf32>,
    %slice3A_463 = vector.extract_strided_slice %mul3A_242 {offsets = [15], sizes = [1], strides = [1]} : vector<16xf32> to vector<1xf32>
    %squeeze3A_464 = vector.extract %slice3A_463[0] : f32 from vector<1xf32>
    %broadcast_in_dim3A_465 = vector.broadcast %squeeze3A_464 : f32 to vector<16xf32>
    %swap3A_466 = arith.constant 240 : index
    %swap3A_467 = tpu.vector_load %arg19[%swap3A_466] {strides = array<i32>} : memref<416xf32, #tpu.memory_space<vmem>>, vector<16xf32>,
    %swap3A_468 = vector.shape_cast %swap3A_467 : vector<16xf32> to vector<16xf32>
    %swap3A_469 = vector.shape_cast %broadcast_in_dim3A_465 : vector<16xf32> to vector<16xf32>
    tpu.vector_store %arg19[%swap3A_466], %swap3A_469 {strides = array<i32>} : memref<416xf32, #tpu.memory_space<vmem>>, vector<16xf32>,
    %slice3A_470 = vector.extract_strided_slice %mul3A_243 {offsets = [0], sizes = [1], strides = [1]} : vector<16xf32> to vector<1xf32>
    %squeeze3A_471 = vector.extract %slice3A_470[0] : f32 from vector<1xf32>
    %broadcast_in_dim3A_472 = vector.broadcast %squeeze3A_471 : f32 to vector<16xf32>
    %swap3A_473 = arith.constant 256 : index
    %swap3A_474 = tpu.vector_load %arg18[%swap3A_473] {strides = array<i32>} : memref<416xf32, #tpu.memory_space<vmem>>, vector<16xf32>,
    %swap3A_475 = vector.shape_cast %swap3A_474 : vector<16xf32> to vector<16xf32>
    %swap3A_476 = vector.shape_cast %broadcast_in_dim3A_472 : vector<16xf32> to vector<16xf32>
    tpu.vector_store %arg18[%swap3A_473], %swap3A_476 {strides = array<i32>} : memref<416xf32, #tpu.memory_space<vmem>>, vector<16xf32>,
    %slice3A_477 = vector.extract_strided_slice %mul3A_247 {offsets = [0], sizes = [1], strides = [1]} : vector<16xf32> to vector<1xf32>
    %squeeze3A_478 = vector.extract %slice3A_477[0] : f32 from vector<1xf32>
    %broadcast_in_dim3A_479 = vector.broadcast %squeeze3A_478 : f32 to vector<16xf32>
    %swap3A_480 = arith.constant 256 : index
    %swap3A_481 = tpu.vector_load %arg19[%swap3A_480] {strides = array<i32>} : memref<416xf32, #tpu.memory_space<vmem>>, vector<16xf32>,
    %swap3A_482 = vector.shape_cast %swap3A_481 : vector<16xf32> to vector<16xf32>
    %swap3A_483 = vector.shape_cast %broadcast_in_dim3A_479 : vector<16xf32> to vector<16xf32>
    tpu.vector_store %arg19[%swap3A_480], %swap3A_483 {strides = array<i32>} : memref<416xf32, #tpu.memory_space<vmem>>, vector<16xf32>,
    %slice3A_484 = vector.extract_strided_slice %mul3A_243 {offsets = [1], sizes = [1], strides = [1]} : vector<16xf32> to vector<1xf32>
    %squeeze3A_485 = vector.extract %slice3A_484[0] : f32 from vector<1xf32>
    %broadcast_in_dim3A_486 = vector.broadcast %squeeze3A_485 : f32 to vector<16xf32>
    %swap3A_487 = arith.constant 272 : index
    %swap3A_488 = tpu.vector_load %arg18[%swap3A_487] {strides = array<i32>} : memref<416xf32, #tpu.memory_space<vmem>>, vector<16xf32>,
    %swap3A_489 = vector.shape_cast %swap3A_488 : vector<16xf32> to vector<16xf32>
    %swap3A_490 = vector.shape_cast %broadcast_in_dim3A_486 : vector<16xf32> to vector<16xf32>
    tpu.vector_store %arg18[%swap3A_487], %swap3A_490 {strides = array<i32>} : memref<416xf32, #tpu.memory_space<vmem>>, vector<16xf32>,
    %slice3A_491 = vector.extract_strided_slice %mul3A_247 {offsets = [1], sizes = [1], strides = [1]} : vector<16xf32> to vector<1xf32>
    %squeeze3A_492 = vector.extract %slice3A_491[0] : f32 from vector<1xf32>
    %broadcast_in_dim3A_493 = vector.broadcast %squeeze3A_492 : f32 to vector<16xf32>
    %swap3A_494 = arith.constant 272 : index
    %swap3A_495 = tpu.vector_load %arg19[%swap3A_494] {strides = array<i32>} : memref<416xf32, #tpu.memory_space<vmem>>, vector<16xf32>,
    %swap3A_496 = vector.shape_cast %swap3A_495 : vector<16xf32> to vector<16xf32>
    %swap3A_497 = vector.shape_cast %broadcast_in_dim3A_493 : vector<16xf32> to vector<16xf32>
    tpu.vector_store %arg19[%swap3A_494], %swap3A_497 {strides = array<i32>} : memref<416xf32, #tpu.memory_space<vmem>>, vector<16xf32>,
    %slice3A_498 = vector.extract_strided_slice %mul3A_243 {offsets = [2], sizes = [1], strides = [1]} : vector<16xf32> to vector<1xf32>
    %squeeze3A_499 = vector.extract %slice3A_498[0] : f32 from vector<1xf32>
    %broadcast_in_dim3A_500 = vector.broadcast %squeeze3A_499 : f32 to vector<16xf32>
    %swap3A_501 = arith.constant 288 : index
    %swap3A_502 = tpu.vector_load %arg18[%swap3A_501] {strides = array<i32>} : memref<416xf32, #tpu.memory_space<vmem>>, vector<16xf32>,
    %swap3A_503 = vector.shape_cast %swap3A_502 : vector<16xf32> to vector<16xf32>
    %swap3A_504 = vector.shape_cast %broadcast_in_dim3A_500 : vector<16xf32> to vector<16xf32>
    tpu.vector_store %arg18[%swap3A_501], %swap3A_504 {strides = array<i32>} : memref<416xf32, #tpu.memory_space<vmem>>, vector<16xf32>,
    %slice3A_505 = vector.extract_strided_slice %mul3A_247 {offsets = [2], sizes = [1], strides = [1]} : vector<16xf32> to vector<1xf32>
    %squeeze3A_506 = vector.extract %slice3A_505[0] : f32 from vector<1xf32>
    %broadcast_in_dim3A_507 = vector.broadcast %squeeze3A_506 : f32 to vector<16xf32>
    %swap3A_508 = arith.constant 288 : index
    %swap3A_509 = tpu.vector_load %arg19[%swap3A_508] {strides = array<i32>} : memref<416xf32, #tpu.memory_space<vmem>>, vector<16xf32>,
    %swap3A_510 = vector.shape_cast %swap3A_509 : vector<16xf32> to vector<16xf32>
    %swap3A_511 = vector.shape_cast %broadcast_in_dim3A_507 : vector<16xf32> to vector<16xf32>
    tpu.vector_store %arg19[%swap3A_508], %swap3A_511 {strides = array<i32>} : memref<416xf32, #tpu.memory_space<vmem>>, vector<16xf32>,
    %slice3A_512 = vector.extract_strided_slice %mul3A_243 {offsets = [3], sizes = [1], strides = [1]} : vector<16xf32> to vector<1xf32>
    %squeeze3A_513 = vector.extract %slice3A_512[0] : f32 from vector<1xf32>
    %broadcast_in_dim3A_514 = vector.broadcast %squeeze3A_513 : f32 to vector<16xf32>
    %swap3A_515 = arith.constant 304 : index
    %swap3A_516 = tpu.vector_load %arg18[%swap3A_515] {strides = array<i32>} : memref<416xf32, #tpu.memory_space<vmem>>, vector<16xf32>,
    %swap3A_517 = vector.shape_cast %swap3A_516 : vector<16xf32> to vector<16xf32>
    %swap3A_518 = vector.shape_cast %broadcast_in_dim3A_514 : vector<16xf32> to vector<16xf32>
    tpu.vector_store %arg18[%swap3A_515], %swap3A_518 {strides = array<i32>} : memref<416xf32, #tpu.memory_space<vmem>>, vector<16xf32>,
    %slice3A_519 = vector.extract_strided_slice %mul3A_247 {offsets = [3], sizes = [1], strides = [1]} : vector<16xf32> to vector<1xf32>
    %squeeze3A_520 = vector.extract %slice3A_519[0] : f32 from vector<1xf32>
    %broadcast_in_dim3A_521 = vector.broadcast %squeeze3A_520 : f32 to vector<16xf32>
    %swap3A_522 = arith.constant 304 : index
    %swap3A_523 = tpu.vector_load %arg19[%swap3A_522] {strides = array<i32>} : memref<416xf32, #tpu.memory_space<vmem>>, vector<16xf32>,
    %swap3A_524 = vector.shape_cast %swap3A_523 : vector<16xf32> to vector<16xf32>
    %swap3A_525 = vector.shape_cast %broadcast_in_dim3A_521 : vector<16xf32> to vector<16xf32>
    tpu.vector_store %arg19[%swap3A_522], %swap3A_525 {strides = array<i32>} : memref<416xf32, #tpu.memory_space<vmem>>, vector<16xf32>,
    %slice3A_526 = vector.extract_strided_slice %mul3A_243 {offsets = [4], sizes = [1], strides = [1]} : vector<16xf32> to vector<1xf32>
    %squeeze3A_527 = vector.extract %slice3A_526[0] : f32 from vector<1xf32>
    %broadcast_in_dim3A_528 = vector.broadcast %squeeze3A_527 : f32 to vector<16xf32>
    %swap3A_529 = arith.constant 320 : index
    %swap3A_530 = tpu.vector_load %arg18[%swap3A_529] {strides = array<i32>} : memref<416xf32, #tpu.memory_space<vmem>>, vector<16xf32>,
    %swap3A_531 = vector.shape_cast %swap3A_530 : vector<16xf32> to vector<16xf32>
    %swap3A_532 = vector.shape_cast %broadcast_in_dim3A_528 : vector<16xf32> to vector<16xf32>
    tpu.vector_store %arg18[%swap3A_529], %swap3A_532 {strides = array<i32>} : memref<416xf32, #tpu.memory_space<vmem>>, vector<16xf32>,
    %slice3A_533 = vector.extract_strided_slice %mul3A_247 {offsets = [4], sizes = [1], strides = [1]} : vector<16xf32> to vector<1xf32>
    %squeeze3A_534 = vector.extract %slice3A_533[0] : f32 from vector<1xf32>
    %broadcast_in_dim3A_535 = vector.broadcast %squeeze3A_534 : f32 to vector<16xf32>
    %swap3A_536 = arith.constant 320 : index
    %swap3A_537 = tpu.vector_load %arg19[%swap3A_536] {strides = array<i32>} : memref<416xf32, #tpu.memory_space<vmem>>, vector<16xf32>,
    %swap3A_538 = vector.shape_cast %swap3A_537 : vector<16xf32> to vector<16xf32>
    %swap3A_539 = vector.shape_cast %broadcast_in_dim3A_535 : vector<16xf32> to vector<16xf32>
    tpu.vector_store %arg19[%swap3A_536], %swap3A_539 {strides = array<i32>} : memref<416xf32, #tpu.memory_space<vmem>>, vector<16xf32>,
    %slice3A_540 = vector.extract_strided_slice %mul3A_243 {offsets = [5], sizes = [1], strides = [1]} : vector<16xf32> to vector<1xf32>
    %squeeze3A_541 = vector.extract %slice3A_540[0] : f32 from vector<1xf32>
    %broadcast_in_dim3A_542 = vector.broadcast %squeeze3A_541 : f32 to vector<16xf32>
    %swap3A_543 = arith.constant 336 : index
    %swap3A_544 = tpu.vector_load %arg18[%swap3A_543] {strides = array<i32>} : memref<416xf32, #tpu.memory_space<vmem>>, vector<16xf32>,
    %swap3A_545 = vector.shape_cast %swap3A_544 : vector<16xf32> to vector<16xf32>
    %swap3A_546 = vector.shape_cast %broadcast_in_dim3A_542 : vector<16xf32> to vector<16xf32>
    tpu.vector_store %arg18[%swap3A_543], %swap3A_546 {strides = array<i32>} : memref<416xf32, #tpu.memory_space<vmem>>, vector<16xf32>,
    %slice3A_547 = vector.extract_strided_slice %mul3A_247 {offsets = [5], sizes = [1], strides = [1]} : vector<16xf32> to vector<1xf32>
    %squeeze3A_548 = vector.extract %slice3A_547[0] : f32 from vector<1xf32>
    %broadcast_in_dim3A_549 = vector.broadcast %squeeze3A_548 : f32 to vector<16xf32>
    %swap3A_550 = arith.constant 336 : index
    %swap3A_551 = tpu.vector_load %arg19[%swap3A_550] {strides = array<i32>} : memref<416xf32, #tpu.memory_space<vmem>>, vector<16xf32>,
    %swap3A_552 = vector.shape_cast %swap3A_551 : vector<16xf32> to vector<16xf32>
    %swap3A_553 = vector.shape_cast %broadcast_in_dim3A_549 : vector<16xf32> to vector<16xf32>
    tpu.vector_store %arg19[%swap3A_550], %swap3A_553 {strides = array<i32>} : memref<416xf32, #tpu.memory_space<vmem>>, vector<16xf32>,
    %slice3A_554 = vector.extract_strided_slice %mul3A_243 {offsets = [6], sizes = [1], strides = [1]} : vector<16xf32> to vector<1xf32>
    %squeeze3A_555 = vector.extract %slice3A_554[0] : f32 from vector<1xf32>
    %broadcast_in_dim3A_556 = vector.broadcast %squeeze3A_555 : f32 to vector<16xf32>
    %swap3A_557 = arith.constant 352 : index
    %swap3A_558 = tpu.vector_load %arg18[%swap3A_557] {strides = array<i32>} : memref<416xf32, #tpu.memory_space<vmem>>, vector<16xf32>,
    %swap3A_559 = vector.shape_cast %swap3A_558 : vector<16xf32> to vector<16xf32>
    %swap3A_560 = vector.shape_cast %broadcast_in_dim3A_556 : vector<16xf32> to vector<16xf32>
    tpu.vector_store %arg18[%swap3A_557], %swap3A_560 {strides = array<i32>} : memref<416xf32, #tpu.memory_space<vmem>>, vector<16xf32>,
    %slice3A_561 = vector.extract_strided_slice %mul3A_247 {offsets = [6], sizes = [1], strides = [1]} : vector<16xf32> to vector<1xf32>
    %squeeze3A_562 = vector.extract %slice3A_561[0] : f32 from vector<1xf32>
    %broadcast_in_dim3A_563 = vector.broadcast %squeeze3A_562 : f32 to vector<16xf32>
    %swap3A_564 = arith.constant 352 : index
    %swap3A_565 = tpu.vector_load %arg19[%swap3A_564] {strides = array<i32>} : memref<416xf32, #tpu.memory_space<vmem>>, vector<16xf32>,
    %swap3A_566 = vector.shape_cast %swap3A_565 : vector<16xf32> to vector<16xf32>
    %swap3A_567 = vector.shape_cast %broadcast_in_dim3A_563 : vector<16xf32> to vector<16xf32>
    tpu.vector_store %arg19[%swap3A_564], %swap3A_567 {strides = array<i32>} : memref<416xf32, #tpu.memory_space<vmem>>, vector<16xf32>,
    %slice3A_568 = vector.extract_strided_slice %mul3A_243 {offsets = [7], sizes = [1], strides = [1]} : vector<16xf32> to vector<1xf32>
    %squeeze3A_569 = vector.extract %slice3A_568[0] : f32 from vector<1xf32>
    %broadcast_in_dim3A_570 = vector.broadcast %squeeze3A_569 : f32 to vector<16xf32>
    %swap3A_571 = arith.constant 368 : index
    %swap3A_572 = tpu.vector_load %arg18[%swap3A_571] {strides = array<i32>} : memref<416xf32, #tpu.memory_space<vmem>>, vector<16xf32>,
    %swap3A_573 = vector.shape_cast %swap3A_572 : vector<16xf32> to vector<16xf32>
    %swap3A_574 = vector.shape_cast %broadcast_in_dim3A_570 : vector<16xf32> to vector<16xf32>
    tpu.vector_store %arg18[%swap3A_571], %swap3A_574 {strides = array<i32>} : memref<416xf32, #tpu.memory_space<vmem>>, vector<16xf32>,
    %slice3A_575 = vector.extract_strided_slice %mul3A_247 {offsets = [7], sizes = [1], strides = [1]} : vector<16xf32> to vector<1xf32>
    %squeeze3A_576 = vector.extract %slice3A_575[0] : f32 from vector<1xf32>
    %broadcast_in_dim3A_577 = vector.broadcast %squeeze3A_576 : f32 to vector<16xf32>
    %swap3A_578 = arith.constant 368 : index
    %swap3A_579 = tpu.vector_load %arg19[%swap3A_578] {strides = array<i32>} : memref<416xf32, #tpu.memory_space<vmem>>, vector<16xf32>,
    %swap3A_580 = vector.shape_cast %swap3A_579 : vector<16xf32> to vector<16xf32>
    %swap3A_581 = vector.shape_cast %broadcast_in_dim3A_577 : vector<16xf32> to vector<16xf32>
    tpu.vector_store %arg19[%swap3A_578], %swap3A_581 {strides = array<i32>} : memref<416xf32, #tpu.memory_space<vmem>>, vector<16xf32>,
    %slice3A_582 = vector.extract_strided_slice %mul3A_243 {offsets = [8], sizes = [1], strides = [1]} : vector<16xf32> to vector<1xf32>
    %squeeze3A_583 = vector.extract %slice3A_582[0] : f32 from vector<1xf32>
    %broadcast_in_dim3A_584 = vector.broadcast %squeeze3A_583 : f32 to vector<16xf32>
    %swap3A_585 = arith.constant 384 : index
    %swap3A_586 = tpu.vector_load %arg18[%swap3A_585] {strides = array<i32>} : memref<416xf32, #tpu.memory_space<vmem>>, vector<16xf32>,
    %swap3A_587 = vector.shape_cast %swap3A_586 : vector<16xf32> to vector<16xf32>
    %swap3A_588 = vector.shape_cast %broadcast_in_dim3A_584 : vector<16xf32> to vector<16xf32>
    tpu.vector_store %arg18[%swap3A_585], %swap3A_588 {strides = array<i32>} : memref<416xf32, #tpu.memory_space<vmem>>, vector<16xf32>,
    %slice3A_589 = vector.extract_strided_slice %mul3A_247 {offsets = [8], sizes = [1], strides = [1]} : vector<16xf32> to vector<1xf32>
    %squeeze3A_590 = vector.extract %slice3A_589[0] : f32 from vector<1xf32>
    %broadcast_in_dim3A_591 = vector.broadcast %squeeze3A_590 : f32 to vector<16xf32>
    %swap3A_592 = arith.constant 384 : index
    %swap3A_593 = tpu.vector_load %arg19[%swap3A_592] {strides = array<i32>} : memref<416xf32, #tpu.memory_space<vmem>>, vector<16xf32>,
    %swap3A_594 = vector.shape_cast %swap3A_593 : vector<16xf32> to vector<16xf32>
    %swap3A_595 = vector.shape_cast %broadcast_in_dim3A_591 : vector<16xf32> to vector<16xf32>
    tpu.vector_store %arg19[%swap3A_592], %swap3A_595 {strides = array<i32>} : memref<416xf32, #tpu.memory_space<vmem>>, vector<16xf32>,
    %slice3A_596 = vector.extract_strided_slice %mul3A_243 {offsets = [9], sizes = [1], strides = [1]} : vector<16xf32> to vector<1xf32>
    %squeeze3A_597 = vector.extract %slice3A_596[0] : f32 from vector<1xf32>
    %broadcast_in_dim3A_598 = vector.broadcast %squeeze3A_597 : f32 to vector<16xf32>
    %swap3A_599 = arith.constant 400 : index
    %swap3A_600 = tpu.vector_load %arg18[%swap3A_599] {strides = array<i32>} : memref<416xf32, #tpu.memory_space<vmem>>, vector<16xf32>,
    %swap3A_601 = vector.shape_cast %swap3A_600 : vector<16xf32> to vector<16xf32>
    %swap3A_602 = vector.shape_cast %broadcast_in_dim3A_598 : vector<16xf32> to vector<16xf32>
    tpu.vector_store %arg18[%swap3A_599], %swap3A_602 {strides = array<i32>} : memref<416xf32, #tpu.memory_space<vmem>>, vector<16xf32>,
    %slice3A_603 = vector.extract_strided_slice %mul3A_247 {offsets = [9], sizes = [1], strides = [1]} : vector<16xf32> to vector<1xf32>
    %squeeze3A_604 = vector.extract %slice3A_603[0] : f32 from vector<1xf32>
    %broadcast_in_dim3A_605 = vector.broadcast %squeeze3A_604 : f32 to vector<16xf32>
    %swap3A_606 = arith.constant 400 : index
    %swap3A_607 = tpu.vector_load %arg19[%swap3A_606] {strides = array<i32>} : memref<416xf32, #tpu.memory_space<vmem>>, vector<16xf32>,
    %swap3A_608 = vector.shape_cast %swap3A_607 : vector<16xf32> to vector<16xf32>
    %swap3A_609 = vector.shape_cast %broadcast_in_dim3A_605 : vector<16xf32> to vector<16xf32>
    tpu.vector_store %arg19[%swap3A_606], %swap3A_609 {strides = array<i32>} : memref<416xf32, #tpu.memory_space<vmem>>, vector<16xf32>,
    %dma_wait3A_610 = arith.constant 0 : i32
    %dma_wait3A_611 = tpu.memref_slice %arg2[%dma_wait3A_610] : memref<26000000xf32, #tpu.memory_space<hbm>> -> memref<26000000xf32, #tpu.memory_space<hbm>>
    tpu.wait_indirect_dma semaphore(%arg21 : memref<!tpu.dma_semaphore, #tpu.memory_space<semaphore_mem>>) src(%dma_wait3A_611 : memref<26000000xf32, #tpu.memory_space<hbm>>) dst(%arg13 : memref<13312xf32, #tpu.memory_space<vmem>>)
    %dma_wait3A_612 = arith.constant 0 : i32
    %dma_wait3A_613 = tpu.memref_slice %arg2[%dma_wait3A_612] : memref<26000000xf32, #tpu.memory_space<hbm>> -> memref<26000000xf32, #tpu.memory_space<hbm>>
    tpu.wait_indirect_dma semaphore(%arg22 : memref<!tpu.dma_semaphore, #tpu.memory_space<semaphore_mem>>) src(%dma_wait3A_613 : memref<26000000xf32, #tpu.memory_space<hbm>>) dst(%arg14 : memref<13312xf32, #tpu.memory_space<vmem>>)
    %scan3A_614 = arith.constant 0 : i32
    %scan3A_615 = arith.constant 0 : i32
    %scan3A_616 = arith.constant 26 : i32
    %scan3A_617 = arith.addi %scan3A_615, %scan3A_616 : i32
    %scan3A_618 = arith.constant 1 : i32
    scf.for %scan3A_622 = %scan3A_615 to %scan3A_617 step %scan3A_618  : i32 {
      %mul3A_623 = arith.constant 16 : i32
      %mul3A_624 = arith.muli %scan3A_622, %mul3A_623 : i32
      %get3A_625 = arith.index_cast %mul3A_624 : i32 to index
      %get3A_626 = tpu.vector_load %arg18[%get3A_625] {strides = array<i32>} : memref<416xf32, #tpu.memory_space<vmem>>, vector<16xf32>,
      %get3A_627 = vector.shape_cast %get3A_626 : vector<16xf32> to vector<16xf32>
      %mul3A_628 = arith.constant 16 : i32
      %mul3A_629 = arith.muli %scan3A_622, %mul3A_628 : i32
      %get3A_630 = arith.index_cast %mul3A_629 : i32 to index
      %get3A_631 = tpu.vector_load %arg19[%get3A_630] {strides = array<i32>} : memref<416xf32, #tpu.memory_space<vmem>>, vector<16xf32>,
      %get3A_632 = vector.shape_cast %get3A_631 : vector<16xf32> to vector<16xf32>
      %mul3A_633 = arith.constant 512 : i32
      %mul3A_634 = arith.muli %scan3A_622, %mul3A_633 : i32
      %add3A_635 = arith.constant 0 : i32
      %add3A_636 = arith.addi %mul3A_634, %add3A_635 : i32
      %add3A_637 = arith.constant 0 : i32
      %add3A_638 = arith.addi %add3A_636, %add3A_637 : i32
      %get3A_639 = arith.constant 0 : i32
      %get3A_640 = arith.index_cast %get3A_639 : i32 to index
      %get3A_641 = arith.constant 0 : index
      %get3A_642 = tpu.vector_load %arg15[%get3A_640, %get3A_641] {strides = array<i32>} : memref<4x128xf32, #tpu.memory_space<vmem>>, vector<1x16xf32>,
      %get3A_643 = vector.shape_cast %get3A_642 : vector<1x16xf32> to vector<16xf32>
      %get3A_644 = arith.index_cast %add3A_638 : i32 to index
      %get3A_645 = tpu.vector_load %arg13[%get3A_644] {strides = array<i32>} : memref<13312xf32, #tpu.memory_space<vmem>>, vector<16xf32>,
      %get3A_646 = vector.shape_cast %get3A_645 : vector<16xf32> to vector<16xf32>
      %mul3A_647 = arith.mulf %get3A_627, %get3A_646 : vector<16xf32>
      %add3A_648 = arith.addf %get3A_643, %mul3A_647 : vector<16xf32>
      %get3A_649 = arith.index_cast %add3A_638 : i32 to index
      %get3A_650 = tpu.vector_load %arg14[%get3A_649] {strides = array<i32>} : memref<13312xf32, #tpu.memory_space<vmem>>, vector<16xf32>,
      %get3A_651 = vector.shape_cast %get3A_650 : vector<16xf32> to vector<16xf32>
      %mul3A_652 = arith.mulf %get3A_632, %get3A_651 : vector<16xf32>
      %add3A_653 = arith.addf %add3A_648, %mul3A_652 : vector<16xf32>
      %swap3A_654 = arith.constant 0 : i32
      %swap3A_655 = arith.index_cast %swap3A_654 : i32 to index
      %swap3A_656 = arith.constant 0 : index
      %swap3A_657 = tpu.vector_load %arg15[%swap3A_655, %swap3A_656] {strides = array<i32>} : memref<4x128xf32, #tpu.memory_space<vmem>>, vector<1x16xf32>,
      %swap3A_658 = vector.shape_cast %swap3A_657 : vector<1x16xf32> to vector<16xf32>
      %swap3A_659 = vector.shape_cast %add3A_653 : vector<16xf32> to vector<1x16xf32>
      tpu.vector_store %arg15[%swap3A_655, %swap3A_656], %swap3A_659 {strides = array<i32>} : memref<4x128xf32, #tpu.memory_space<vmem>>, vector<1x16xf32>,
      %mul3A_660 = arith.constant 512 : i32
      %mul3A_661 = arith.muli %scan3A_622, %mul3A_660 : i32
      %add3A_662 = arith.constant 0 : i32
      %add3A_663 = arith.addi %mul3A_661, %add3A_662 : i32
      %add3A_664 = arith.constant 16 : i32
      %add3A_665 = arith.addi %add3A_663, %add3A_664 : i32
      %get3A_666 = arith.constant 0 : i32
      %get3A_667 = arith.index_cast %get3A_666 : i32 to index
      %get3A_668 = arith.constant 16 : index
      %get3A_669 = tpu.vector_load %arg15[%get3A_667, %get3A_668] {strides = array<i32>} : memref<4x128xf32, #tpu.memory_space<vmem>>, vector<1x16xf32>,
      %get3A_670 = vector.shape_cast %get3A_669 : vector<1x16xf32> to vector<16xf32>
      %get3A_671 = arith.index_cast %add3A_665 : i32 to index
      %get3A_672 = tpu.vector_load %arg13[%get3A_671] {strides = array<i32>} : memref<13312xf32, #tpu.memory_space<vmem>>, vector<16xf32>,
      %get3A_673 = vector.shape_cast %get3A_672 : vector<16xf32> to vector<16xf32>
      %mul3A_674 = arith.mulf %get3A_627, %get3A_673 : vector<16xf32>
      %add3A_675 = arith.addf %get3A_670, %mul3A_674 : vector<16xf32>
      %get3A_676 = arith.index_cast %add3A_665 : i32 to index
      %get3A_677 = tpu.vector_load %arg14[%get3A_676] {strides = array<i32>} : memref<13312xf32, #tpu.memory_space<vmem>>, vector<16xf32>,
      %get3A_678 = vector.shape_cast %get3A_677 : vector<16xf32> to vector<16xf32>
      %mul3A_679 = arith.mulf %get3A_632, %get3A_678 : vector<16xf32>
      %add3A_680 = arith.addf %add3A_675, %mul3A_679 : vector<16xf32>
      %swap3A_681 = arith.constant 0 : i32
      %swap3A_682 = arith.index_cast %swap3A_681 : i32 to index
      %swap3A_683 = arith.constant 16 : index
      %swap3A_684 = tpu.vector_load %arg15[%swap3A_682, %swap3A_683] {strides = array<i32>} : memref<4x128xf32, #tpu.memory_space<vmem>>, vector<1x16xf32>,
      %swap3A_685 = vector.shape_cast %swap3A_684 : vector<1x16xf32> to vector<16xf32>
      %swap3A_686 = vector.shape_cast %add3A_680 : vector<16xf32> to vector<1x16xf32>
      tpu.vector_store %arg15[%swap3A_682, %swap3A_683], %swap3A_686 {strides = array<i32>} : memref<4x128xf32, #tpu.memory_space<vmem>>, vector<1x16xf32>,
      %mul3A_687 = arith.constant 512 : i32
      %mul3A_688 = arith.muli %scan3A_622, %mul3A_687 : i32
      %add3A_689 = arith.constant 0 : i32
      %add3A_690 = arith.addi %mul3A_688, %add3A_689 : i32
      %add3A_691 = arith.constant 32 : i32
      %add3A_692 = arith.addi %add3A_690, %add3A_691 : i32
      %get3A_693 = arith.constant 0 : i32
      %get3A_694 = arith.index_cast %get3A_693 : i32 to index
      %get3A_695 = arith.constant 32 : index
      %get3A_696 = tpu.vector_load %arg15[%get3A_694, %get3A_695] {strides = array<i32>} : memref<4x128xf32, #tpu.memory_space<vmem>>, vector<1x16xf32>,
      %get3A_697 = vector.shape_cast %get3A_696 : vector<1x16xf32> to vector<16xf32>
      %get3A_698 = arith.index_cast %add3A_692 : i32 to index
      %get3A_699 = tpu.vector_load %arg13[%get3A_698] {strides = array<i32>} : memref<13312xf32, #tpu.memory_space<vmem>>, vector<16xf32>,
      %get3A_700 = vector.shape_cast %get3A_699 : vector<16xf32> to vector<16xf32>
      %mul3A_701 = arith.mulf %get3A_627, %get3A_700 : vector<16xf32>
      %add3A_702 = arith.addf %get3A_697, %mul3A_701 : vector<16xf32>
      %get3A_703 = arith.index_cast %add3A_692 : i32 to index
      %get3A_704 = tpu.vector_load %arg14[%get3A_703] {strides = array<i32>} : memref<13312xf32, #tpu.memory_space<vmem>>, vector<16xf32>,
      %get3A_705 = vector.shape_cast %get3A_704 : vector<16xf32> to vector<16xf32>
      %mul3A_706 = arith.mulf %get3A_632, %get3A_705 : vector<16xf32>
      %add3A_707 = arith.addf %add3A_702, %mul3A_706 : vector<16xf32>
      %swap3A_708 = arith.constant 0 : i32
      %swap3A_709 = arith.index_cast %swap3A_708 : i32 to index
      %swap3A_710 = arith.constant 32 : index
      %swap3A_711 = tpu.vector_load %arg15[%swap3A_709, %swap3A_710] {strides = array<i32>} : memref<4x128xf32, #tpu.memory_space<vmem>>, vector<1x16xf32>,
      %swap3A_712 = vector.shape_cast %swap3A_711 : vector<1x16xf32> to vector<16xf32>
      %swap3A_713 = vector.shape_cast %add3A_707 : vector<16xf32> to vector<1x16xf32>
      tpu.vector_store %arg15[%swap3A_709, %swap3A_710], %swap3A_713 {strides = array<i32>} : memref<4x128xf32, #tpu.memory_space<vmem>>, vector<1x16xf32>,
      %mul3A_714 = arith.constant 512 : i32
      %mul3A_715 = arith.muli %scan3A_622, %mul3A_714 : i32
      %add3A_716 = arith.constant 0 : i32
      %add3A_717 = arith.addi %mul3A_715, %add3A_716 : i32
      %add3A_718 = arith.constant 48 : i32
      %add3A_719 = arith.addi %add3A_717, %add3A_718 : i32
      %get3A_720 = arith.constant 0 : i32
      %get3A_721 = arith.index_cast %get3A_720 : i32 to index
      %get3A_722 = arith.constant 48 : index
      %get3A_723 = tpu.vector_load %arg15[%get3A_721, %get3A_722] {strides = array<i32>} : memref<4x128xf32, #tpu.memory_space<vmem>>, vector<1x16xf32>,
      %get3A_724 = vector.shape_cast %get3A_723 : vector<1x16xf32> to vector<16xf32>
      %get3A_725 = arith.index_cast %add3A_719 : i32 to index
      %get3A_726 = tpu.vector_load %arg13[%get3A_725] {strides = array<i32>} : memref<13312xf32, #tpu.memory_space<vmem>>, vector<16xf32>,
      %get3A_727 = vector.shape_cast %get3A_726 : vector<16xf32> to vector<16xf32>
      %mul3A_728 = arith.mulf %get3A_627, %get3A_727 : vector<16xf32>
      %add3A_729 = arith.addf %get3A_724, %mul3A_728 : vector<16xf32>
      %get3A_730 = arith.index_cast %add3A_719 : i32 to index
      %get3A_731 = tpu.vector_load %arg14[%get3A_730] {strides = array<i32>} : memref<13312xf32, #tpu.memory_space<vmem>>, vector<16xf32>,
      %get3A_732 = vector.shape_cast %get3A_731 : vector<16xf32> to vector<16xf32>
      %mul3A_733 = arith.mulf %get3A_632, %get3A_732 : vector<16xf32>
      %add3A_734 = arith.addf %add3A_729, %mul3A_733 : vector<16xf32>
      %swap3A_735 = arith.constant 0 : i32
      %swap3A_736 = arith.index_cast %swap3A_735 : i32 to index
      %swap3A_737 = arith.constant 48 : index
      %swap3A_738 = tpu.vector_load %arg15[%swap3A_736, %swap3A_737] {strides = array<i32>} : memref<4x128xf32, #tpu.memory_space<vmem>>, vector<1x16xf32>,
      %swap3A_739 = vector.shape_cast %swap3A_738 : vector<1x16xf32> to vector<16xf32>
      %swap3A_740 = vector.shape_cast %add3A_734 : vector<16xf32> to vector<1x16xf32>
      tpu.vector_store %arg15[%swap3A_736, %swap3A_737], %swap3A_740 {strides = array<i32>} : memref<4x128xf32, #tpu.memory_space<vmem>>, vector<1x16xf32>,
      %mul3A_741 = arith.constant 512 : i32
      %mul3A_742 = arith.muli %scan3A_622, %mul3A_741 : i32
      %add3A_743 = arith.constant 0 : i32
      %add3A_744 = arith.addi %mul3A_742, %add3A_743 : i32
      %add3A_745 = arith.constant 64 : i32
      %add3A_746 = arith.addi %add3A_744, %add3A_745 : i32
      %get3A_747 = arith.constant 0 : i32
      %get3A_748 = arith.index_cast %get3A_747 : i32 to index
      %get3A_749 = arith.constant 64 : index
      %get3A_750 = tpu.vector_load %arg15[%get3A_748, %get3A_749] {strides = array<i32>} : memref<4x128xf32, #tpu.memory_space<vmem>>, vector<1x16xf32>,
      %get3A_751 = vector.shape_cast %get3A_750 : vector<1x16xf32> to vector<16xf32>
      %get3A_752 = arith.index_cast %add3A_746 : i32 to index
      %get3A_753 = tpu.vector_load %arg13[%get3A_752] {strides = array<i32>} : memref<13312xf32, #tpu.memory_space<vmem>>, vector<16xf32>,
      %get3A_754 = vector.shape_cast %get3A_753 : vector<16xf32> to vector<16xf32>
      %mul3A_755 = arith.mulf %get3A_627, %get3A_754 : vector<16xf32>
      %add3A_756 = arith.addf %get3A_751, %mul3A_755 : vector<16xf32>
      %get3A_757 = arith.index_cast %add3A_746 : i32 to index
      %get3A_758 = tpu.vector_load %arg14[%get3A_757] {strides = array<i32>} : memref<13312xf32, #tpu.memory_space<vmem>>, vector<16xf32>,
      %get3A_759 = vector.shape_cast %get3A_758 : vector<16xf32> to vector<16xf32>
      %mul3A_760 = arith.mulf %get3A_632, %get3A_759 : vector<16xf32>
      %add3A_761 = arith.addf %add3A_756, %mul3A_760 : vector<16xf32>
      %swap3A_762 = arith.constant 0 : i32
      %swap3A_763 = arith.index_cast %swap3A_762 : i32 to index
      %swap3A_764 = arith.constant 64 : index
      %swap3A_765 = tpu.vector_load %arg15[%swap3A_763, %swap3A_764] {strides = array<i32>} : memref<4x128xf32, #tpu.memory_space<vmem>>, vector<1x16xf32>,
      %swap3A_766 = vector.shape_cast %swap3A_765 : vector<1x16xf32> to vector<16xf32>
      %swap3A_767 = vector.shape_cast %add3A_761 : vector<16xf32> to vector<1x16xf32>
      tpu.vector_store %arg15[%swap3A_763, %swap3A_764], %swap3A_767 {strides = array<i32>} : memref<4x128xf32, #tpu.memory_space<vmem>>, vector<1x16xf32>,
      %mul3A_768 = arith.constant 512 : i32
      %mul3A_769 = arith.muli %scan3A_622, %mul3A_768 : i32
      %add3A_770 = arith.constant 0 : i32
      %add3A_771 = arith.addi %mul3A_769, %add3A_770 : i32
      %add3A_772 = arith.constant 80 : i32
      %add3A_773 = arith.addi %add3A_771, %add3A_772 : i32
      %get3A_774 = arith.constant 0 : i32
      %get3A_775 = arith.index_cast %get3A_774 : i32 to index
      %get3A_776 = arith.constant 80 : index
      %get3A_777 = tpu.vector_load %arg15[%get3A_775, %get3A_776] {strides = array<i32>} : memref<4x128xf32, #tpu.memory_space<vmem>>, vector<1x16xf32>,
      %get3A_778 = vector.shape_cast %get3A_777 : vector<1x16xf32> to vector<16xf32>
      %get3A_779 = arith.index_cast %add3A_773 : i32 to index
      %get3A_780 = tpu.vector_load %arg13[%get3A_779] {strides = array<i32>} : memref<13312xf32, #tpu.memory_space<vmem>>, vector<16xf32>,
      %get3A_781 = vector.shape_cast %get3A_780 : vector<16xf32> to vector<16xf32>
      %mul3A_782 = arith.mulf %get3A_627, %get3A_781 : vector<16xf32>
      %add3A_783 = arith.addf %get3A_778, %mul3A_782 : vector<16xf32>
      %get3A_784 = arith.index_cast %add3A_773 : i32 to index
      %get3A_785 = tpu.vector_load %arg14[%get3A_784] {strides = array<i32>} : memref<13312xf32, #tpu.memory_space<vmem>>, vector<16xf32>,
      %get3A_786 = vector.shape_cast %get3A_785 : vector<16xf32> to vector<16xf32>
      %mul3A_787 = arith.mulf %get3A_632, %get3A_786 : vector<16xf32>
      %add3A_788 = arith.addf %add3A_783, %mul3A_787 : vector<16xf32>
      %swap3A_789 = arith.constant 0 : i32
      %swap3A_790 = arith.index_cast %swap3A_789 : i32 to index
      %swap3A_791 = arith.constant 80 : index
      %swap3A_792 = tpu.vector_load %arg15[%swap3A_790, %swap3A_791] {strides = array<i32>} : memref<4x128xf32, #tpu.memory_space<vmem>>, vector<1x16xf32>,
      %swap3A_793 = vector.shape_cast %swap3A_792 : vector<1x16xf32> to vector<16xf32>
      %swap3A_794 = vector.shape_cast %add3A_788 : vector<16xf32> to vector<1x16xf32>
      tpu.vector_store %arg15[%swap3A_790, %swap3A_791], %swap3A_794 {strides = array<i32>} : memref<4x128xf32, #tpu.memory_space<vmem>>, vector<1x16xf32>,
      %mul3A_795 = arith.constant 512 : i32
      %mul3A_796 = arith.muli %scan3A_622, %mul3A_795 : i32
      %add3A_797 = arith.constant 0 : i32
      %add3A_798 = arith.addi %mul3A_796, %add3A_797 : i32
      %add3A_799 = arith.constant 96 : i32
      %add3A_800 = arith.addi %add3A_798, %add3A_799 : i32
      %get3A_801 = arith.constant 0 : i32
      %get3A_802 = arith.index_cast %get3A_801 : i32 to index
      %get3A_803 = arith.constant 96 : index
      %get3A_804 = tpu.vector_load %arg15[%get3A_802, %get3A_803] {strides = array<i32>} : memref<4x128xf32, #tpu.memory_space<vmem>>, vector<1x16xf32>,
      %get3A_805 = vector.shape_cast %get3A_804 : vector<1x16xf32> to vector<16xf32>
      %get3A_806 = arith.index_cast %add3A_800 : i32 to index
      %get3A_807 = tpu.vector_load %arg13[%get3A_806] {strides = array<i32>} : memref<13312xf32, #tpu.memory_space<vmem>>, vector<16xf32>,
      %get3A_808 = vector.shape_cast %get3A_807 : vector<16xf32> to vector<16xf32>
      %mul3A_809 = arith.mulf %get3A_627, %get3A_808 : vector<16xf32>
      %add3A_810 = arith.addf %get3A_805, %mul3A_809 : vector<16xf32>
      %get3A_811 = arith.index_cast %add3A_800 : i32 to index
      %get3A_812 = tpu.vector_load %arg14[%get3A_811] {strides = array<i32>} : memref<13312xf32, #tpu.memory_space<vmem>>, vector<16xf32>,
      %get3A_813 = vector.shape_cast %get3A_812 : vector<16xf32> to vector<16xf32>
      %mul3A_814 = arith.mulf %get3A_632, %get3A_813 : vector<16xf32>
      %add3A_815 = arith.addf %add3A_810, %mul3A_814 : vector<16xf32>
      %swap3A_816 = arith.constant 0 : i32
      %swap3A_817 = arith.index_cast %swap3A_816 : i32 to index
      %swap3A_818 = arith.constant 96 : index
      %swap3A_819 = tpu.vector_load %arg15[%swap3A_817, %swap3A_818] {strides = array<i32>} : memref<4x128xf32, #tpu.memory_space<vmem>>, vector<1x16xf32>,
      %swap3A_820 = vector.shape_cast %swap3A_819 : vector<1x16xf32> to vector<16xf32>
      %swap3A_821 = vector.shape_cast %add3A_815 : vector<16xf32> to vector<1x16xf32>
      tpu.vector_store %arg15[%swap3A_817, %swap3A_818], %swap3A_821 {strides = array<i32>} : memref<4x128xf32, #tpu.memory_space<vmem>>, vector<1x16xf32>,
      %mul3A_822 = arith.constant 512 : i32
      %mul3A_823 = arith.muli %scan3A_622, %mul3A_822 : i32
      %add3A_824 = arith.constant 0 : i32
      %add3A_825 = arith.addi %mul3A_823, %add3A_824 : i32
      %add3A_826 = arith.constant 112 : i32
      %add3A_827 = arith.addi %add3A_825, %add3A_826 : i32
      %get3A_828 = arith.constant 0 : i32
      %get3A_829 = arith.index_cast %get3A_828 : i32 to index
      %get3A_830 = arith.constant 112 : index
      %get3A_831 = tpu.vector_load %arg15[%get3A_829, %get3A_830] {strides = array<i32>} : memref<4x128xf32, #tpu.memory_space<vmem>>, vector<1x16xf32>,
      %get3A_832 = vector.shape_cast %get3A_831 : vector<1x16xf32> to vector<16xf32>
      %get3A_833 = arith.index_cast %add3A_827 : i32 to index
      %get3A_834 = tpu.vector_load %arg13[%get3A_833] {strides = array<i32>} : memref<13312xf32, #tpu.memory_space<vmem>>, vector<16xf32>,
      %get3A_835 = vector.shape_cast %get3A_834 : vector<16xf32> to vector<16xf32>
      %mul3A_836 = arith.mulf %get3A_627, %get3A_835 : vector<16xf32>
      %add3A_837 = arith.addf %get3A_832, %mul3A_836 : vector<16xf32>
      %get3A_838 = arith.index_cast %add3A_827 : i32 to index
      %get3A_839 = tpu.vector_load %arg14[%get3A_838] {strides = array<i32>} : memref<13312xf32, #tpu.memory_space<vmem>>, vector<16xf32>,
      %get3A_840 = vector.shape_cast %get3A_839 : vector<16xf32> to vector<16xf32>
      %mul3A_841 = arith.mulf %get3A_632, %get3A_840 : vector<16xf32>
      %add3A_842 = arith.addf %add3A_837, %mul3A_841 : vector<16xf32>
      %swap3A_843 = arith.constant 0 : i32
      %swap3A_844 = arith.index_cast %swap3A_843 : i32 to index
      %swap3A_845 = arith.constant 112 : index
      %swap3A_846 = tpu.vector_load %arg15[%swap3A_844, %swap3A_845] {strides = array<i32>} : memref<4x128xf32, #tpu.memory_space<vmem>>, vector<1x16xf32>,
      %swap3A_847 = vector.shape_cast %swap3A_846 : vector<1x16xf32> to vector<16xf32>
      %swap3A_848 = vector.shape_cast %add3A_842 : vector<16xf32> to vector<1x16xf32>
      tpu.vector_store %arg15[%swap3A_844, %swap3A_845], %swap3A_848 {strides = array<i32>} : memref<4x128xf32, #tpu.memory_space<vmem>>, vector<1x16xf32>,
      %mul3A_849 = arith.constant 512 : i32
      %mul3A_850 = arith.muli %scan3A_622, %mul3A_849 : i32
      %add3A_851 = arith.constant 128 : i32
      %add3A_852 = arith.addi %mul3A_850, %add3A_851 : i32
      %add3A_853 = arith.constant 0 : i32
      %add3A_854 = arith.addi %add3A_852, %add3A_853 : i32
      %get3A_855 = arith.constant 1 : i32
      %get3A_856 = arith.index_cast %get3A_855 : i32 to index
      %get3A_857 = arith.constant 0 : index
      %get3A_858 = tpu.vector_load %arg15[%get3A_856, %get3A_857] {strides = array<i32>} : memref<4x128xf32, #tpu.memory_space<vmem>>, vector<1x16xf32>,
      %get3A_859 = vector.shape_cast %get3A_858 : vector<1x16xf32> to vector<16xf32>
      %get3A_860 = arith.index_cast %add3A_854 : i32 to index
      %get3A_861 = tpu.vector_load %arg13[%get3A_860] {strides = array<i32>} : memref<13312xf32, #tpu.memory_space<vmem>>, vector<16xf32>,
      %get3A_862 = vector.shape_cast %get3A_861 : vector<16xf32> to vector<16xf32>
      %mul3A_863 = arith.mulf %get3A_627, %get3A_862 : vector<16xf32>
      %add3A_864 = arith.addf %get3A_859, %mul3A_863 : vector<16xf32>
      %get3A_865 = arith.index_cast %add3A_854 : i32 to index
      %get3A_866 = tpu.vector_load %arg14[%get3A_865] {strides = array<i32>} : memref<13312xf32, #tpu.memory_space<vmem>>, vector<16xf32>,
      %get3A_867 = vector.shape_cast %get3A_866 : vector<16xf32> to vector<16xf32>
      %mul3A_868 = arith.mulf %get3A_632, %get3A_867 : vector<16xf32>
      %add3A_869 = arith.addf %add3A_864, %mul3A_868 : vector<16xf32>
      %swap3A_870 = arith.constant 1 : i32
      %swap3A_871 = arith.index_cast %swap3A_870 : i32 to index
      %swap3A_872 = arith.constant 0 : index
      %swap3A_873 = tpu.vector_load %arg15[%swap3A_871, %swap3A_872] {strides = array<i32>} : memref<4x128xf32, #tpu.memory_space<vmem>>, vector<1x16xf32>,
      %swap3A_874 = vector.shape_cast %swap3A_873 : vector<1x16xf32> to vector<16xf32>
      %swap3A_875 = vector.shape_cast %add3A_869 : vector<16xf32> to vector<1x16xf32>
      tpu.vector_store %arg15[%swap3A_871, %swap3A_872], %swap3A_875 {strides = array<i32>} : memref<4x128xf32, #tpu.memory_space<vmem>>, vector<1x16xf32>,
      %mul3A_876 = arith.constant 512 : i32
      %mul3A_877 = arith.muli %scan3A_622, %mul3A_876 : i32
      %add3A_878 = arith.constant 128 : i32
      %add3A_879 = arith.addi %mul3A_877, %add3A_878 : i32
      %add3A_880 = arith.constant 16 : i32
      %add3A_881 = arith.addi %add3A_879, %add3A_880 : i32
      %get3A_882 = arith.constant 1 : i32
      %get3A_883 = arith.index_cast %get3A_882 : i32 to index
      %get3A_884 = arith.constant 16 : index
      %get3A_885 = tpu.vector_load %arg15[%get3A_883, %get3A_884] {strides = array<i32>} : memref<4x128xf32, #tpu.memory_space<vmem>>, vector<1x16xf32>,
      %get3A_886 = vector.shape_cast %get3A_885 : vector<1x16xf32> to vector<16xf32>
      %get3A_887 = arith.index_cast %add3A_881 : i32 to index
      %get3A_888 = tpu.vector_load %arg13[%get3A_887] {strides = array<i32>} : memref<13312xf32, #tpu.memory_space<vmem>>, vector<16xf32>,
      %get3A_889 = vector.shape_cast %get3A_888 : vector<16xf32> to vector<16xf32>
      %mul3A_890 = arith.mulf %get3A_627, %get3A_889 : vector<16xf32>
      %add3A_891 = arith.addf %get3A_886, %mul3A_890 : vector<16xf32>
      %get3A_892 = arith.index_cast %add3A_881 : i32 to index
      %get3A_893 = tpu.vector_load %arg14[%get3A_892] {strides = array<i32>} : memref<13312xf32, #tpu.memory_space<vmem>>, vector<16xf32>,
      %get3A_894 = vector.shape_cast %get3A_893 : vector<16xf32> to vector<16xf32>
      %mul3A_895 = arith.mulf %get3A_632, %get3A_894 : vector<16xf32>
      %add3A_896 = arith.addf %add3A_891, %mul3A_895 : vector<16xf32>
      %swap3A_897 = arith.constant 1 : i32
      %swap3A_898 = arith.index_cast %swap3A_897 : i32 to index
      %swap3A_899 = arith.constant 16 : index
      %swap3A_900 = tpu.vector_load %arg15[%swap3A_898, %swap3A_899] {strides = array<i32>} : memref<4x128xf32, #tpu.memory_space<vmem>>, vector<1x16xf32>,
      %swap3A_901 = vector.shape_cast %swap3A_900 : vector<1x16xf32> to vector<16xf32>
      %swap3A_902 = vector.shape_cast %add3A_896 : vector<16xf32> to vector<1x16xf32>
      tpu.vector_store %arg15[%swap3A_898, %swap3A_899], %swap3A_902 {strides = array<i32>} : memref<4x128xf32, #tpu.memory_space<vmem>>, vector<1x16xf32>,
      %mul3A_903 = arith.constant 512 : i32
      %mul3A_904 = arith.muli %scan3A_622, %mul3A_903 : i32
      %add3A_905 = arith.constant 128 : i32
      %add3A_906 = arith.addi %mul3A_904, %add3A_905 : i32
      %add3A_907 = arith.constant 32 : i32
      %add3A_908 = arith.addi %add3A_906, %add3A_907 : i32
      %get3A_909 = arith.constant 1 : i32
      %get3A_910 = arith.index_cast %get3A_909 : i32 to index
      %get3A_911 = arith.constant 32 : index
      %get3A_912 = tpu.vector_load %arg15[%get3A_910, %get3A_911] {strides = array<i32>} : memref<4x128xf32, #tpu.memory_space<vmem>>, vector<1x16xf32>,
      %get3A_913 = vector.shape_cast %get3A_912 : vector<1x16xf32> to vector<16xf32>
      %get3A_914 = arith.index_cast %add3A_908 : i32 to index
      %get3A_915 = tpu.vector_load %arg13[%get3A_914] {strides = array<i32>} : memref<13312xf32, #tpu.memory_space<vmem>>, vector<16xf32>,
      %get3A_916 = vector.shape_cast %get3A_915 : vector<16xf32> to vector<16xf32>
      %mul3A_917 = arith.mulf %get3A_627, %get3A_916 : vector<16xf32>
      %add3A_918 = arith.addf %get3A_913, %mul3A_917 : vector<16xf32>
      %get3A_919 = arith.index_cast %add3A_908 : i32 to index
      %get3A_920 = tpu.vector_load %arg14[%get3A_919] {strides = array<i32>} : memref<13312xf32, #tpu.memory_space<vmem>>, vector<16xf32>,
      %get3A_921 = vector.shape_cast %get3A_920 : vector<16xf32> to vector<16xf32>
      %mul3A_922 = arith.mulf %get3A_632, %get3A_921 : vector<16xf32>
      %add3A_923 = arith.addf %add3A_918, %mul3A_922 : vector<16xf32>
      %swap3A_924 = arith.constant 1 : i32
      %swap3A_925 = arith.index_cast %swap3A_924 : i32 to index
      %swap3A_926 = arith.constant 32 : index
      %swap3A_927 = tpu.vector_load %arg15[%swap3A_925, %swap3A_926] {strides = array<i32>} : memref<4x128xf32, #tpu.memory_space<vmem>>, vector<1x16xf32>,
      %swap3A_928 = vector.shape_cast %swap3A_927 : vector<1x16xf32> to vector<16xf32>
      %swap3A_929 = vector.shape_cast %add3A_923 : vector<16xf32> to vector<1x16xf32>
      tpu.vector_store %arg15[%swap3A_925, %swap3A_926], %swap3A_929 {strides = array<i32>} : memref<4x128xf32, #tpu.memory_space<vmem>>, vector<1x16xf32>,
      %mul3A_930 = arith.constant 512 : i32
      %mul3A_931 = arith.muli %scan3A_622, %mul3A_930 : i32
      %add3A_932 = arith.constant 128 : i32
      %add3A_933 = arith.addi %mul3A_931, %add3A_932 : i32
      %add3A_934 = arith.constant 48 : i32
      %add3A_935 = arith.addi %add3A_933, %add3A_934 : i32
      %get3A_936 = arith.constant 1 : i32
      %get3A_937 = arith.index_cast %get3A_936 : i32 to index
      %get3A_938 = arith.constant 48 : index
      %get3A_939 = tpu.vector_load %arg15[%get3A_937, %get3A_938] {strides = array<i32>} : memref<4x128xf32, #tpu.memory_space<vmem>>, vector<1x16xf32>,
      %get3A_940 = vector.shape_cast %get3A_939 : vector<1x16xf32> to vector<16xf32>
      %get3A_941 = arith.index_cast %add3A_935 : i32 to index
      %get3A_942 = tpu.vector_load %arg13[%get3A_941] {strides = array<i32>} : memref<13312xf32, #tpu.memory_space<vmem>>, vector<16xf32>,
      %get3A_943 = vector.shape_cast %get3A_942 : vector<16xf32> to vector<16xf32>
      %mul3A_944 = arith.mulf %get3A_627, %get3A_943 : vector<16xf32>
      %add3A_945 = arith.addf %get3A_940, %mul3A_944 : vector<16xf32>
      %get3A_946 = arith.index_cast %add3A_935 : i32 to index
      %get3A_947 = tpu.vector_load %arg14[%get3A_946] {strides = array<i32>} : memref<13312xf32, #tpu.memory_space<vmem>>, vector<16xf32>,
      %get3A_948 = vector.shape_cast %get3A_947 : vector<16xf32> to vector<16xf32>
      %mul3A_949 = arith.mulf %get3A_632, %get3A_948 : vector<16xf32>
      %add3A_950 = arith.addf %add3A_945, %mul3A_949 : vector<16xf32>
      %swap3A_951 = arith.constant 1 : i32
      %swap3A_952 = arith.index_cast %swap3A_951 : i32 to index
      %swap3A_953 = arith.constant 48 : index
      %swap3A_954 = tpu.vector_load %arg15[%swap3A_952, %swap3A_953] {strides = array<i32>} : memref<4x128xf32, #tpu.memory_space<vmem>>, vector<1x16xf32>,
      %swap3A_955 = vector.shape_cast %swap3A_954 : vector<1x16xf32> to vector<16xf32>
      %swap3A_956 = vector.shape_cast %add3A_950 : vector<16xf32> to vector<1x16xf32>
      tpu.vector_store %arg15[%swap3A_952, %swap3A_953], %swap3A_956 {strides = array<i32>} : memref<4x128xf32, #tpu.memory_space<vmem>>, vector<1x16xf32>,
      %mul3A_957 = arith.constant 512 : i32
      %mul3A_958 = arith.muli %scan3A_622, %mul3A_957 : i32
      %add3A_959 = arith.constant 128 : i32
      %add3A_960 = arith.addi %mul3A_958, %add3A_959 : i32
      %add3A_961 = arith.constant 64 : i32
      %add3A_962 = arith.addi %add3A_960, %add3A_961 : i32
      %get3A_963 = arith.constant 1 : i32
      %get3A_964 = arith.index_cast %get3A_963 : i32 to index
      %get3A_965 = arith.constant 64 : index
      %get3A_966 = tpu.vector_load %arg15[%get3A_964, %get3A_965] {strides = array<i32>} : memref<4x128xf32, #tpu.memory_space<vmem>>, vector<1x16xf32>,
      %get3A_967 = vector.shape_cast %get3A_966 : vector<1x16xf32> to vector<16xf32>
      %get3A_968 = arith.index_cast %add3A_962 : i32 to index
      %get3A_969 = tpu.vector_load %arg13[%get3A_968] {strides = array<i32>} : memref<13312xf32, #tpu.memory_space<vmem>>, vector<16xf32>,
      %get3A_970 = vector.shape_cast %get3A_969 : vector<16xf32> to vector<16xf32>
      %mul3A_971 = arith.mulf %get3A_627, %get3A_970 : vector<16xf32>
      %add3A_972 = arith.addf %get3A_967, %mul3A_971 : vector<16xf32>
      %get3A_973 = arith.index_cast %add3A_962 : i32 to index
      %get3A_974 = tpu.vector_load %arg14[%get3A_973] {strides = array<i32>} : memref<13312xf32, #tpu.memory_space<vmem>>, vector<16xf32>,
      %get3A_975 = vector.shape_cast %get3A_974 : vector<16xf32> to vector<16xf32>
      %mul3A_976 = arith.mulf %get3A_632, %get3A_975 : vector<16xf32>
      %add3A_977 = arith.addf %add3A_972, %mul3A_976 : vector<16xf32>
      %swap3A_978 = arith.constant 1 : i32
      %swap3A_979 = arith.index_cast %swap3A_978 : i32 to index
      %swap3A_980 = arith.constant 64 : index
      %swap3A_981 = tpu.vector_load %arg15[%swap3A_979, %swap3A_980] {strides = array<i32>} : memref<4x128xf32, #tpu.memory_space<vmem>>, vector<1x16xf32>,
      %swap3A_982 = vector.shape_cast %swap3A_981 : vector<1x16xf32> to vector<16xf32>
      %swap3A_983 = vector.shape_cast %add3A_977 : vector<16xf32> to vector<1x16xf32>
      tpu.vector_store %arg15[%swap3A_979, %swap3A_980], %swap3A_983 {strides = array<i32>} : memref<4x128xf32, #tpu.memory_space<vmem>>, vector<1x16xf32>,
      %mul3A_984 = arith.constant 512 : i32
      %mul3A_985 = arith.muli %scan3A_622, %mul3A_984 : i32
      %add3A_986 = arith.constant 128 : i32
      %add3A_987 = arith.addi %mul3A_985, %add3A_986 : i32
      %add3A_988 = arith.constant 80 : i32
      %add3A_989 = arith.addi %add3A_987, %add3A_988 : i32
      %get3A_990 = arith.constant 1 : i32
      %get3A_991 = arith.index_cast %get3A_990 : i32 to index
      %get3A_992 = arith.constant 80 : index
      %get3A_993 = tpu.vector_load %arg15[%get3A_991, %get3A_992] {strides = array<i32>} : memref<4x128xf32, #tpu.memory_space<vmem>>, vector<1x16xf32>,
      %get3A_994 = vector.shape_cast %get3A_993 : vector<1x16xf32> to vector<16xf32>
      %get3A_995 = arith.index_cast %add3A_989 : i32 to index
      %get3A_996 = tpu.vector_load %arg13[%get3A_995] {strides = array<i32>} : memref<13312xf32, #tpu.memory_space<vmem>>, vector<16xf32>,
      %get3A_997 = vector.shape_cast %get3A_996 : vector<16xf32> to vector<16xf32>
      %mul3A_998 = arith.mulf %get3A_627, %get3A_997 : vector<16xf32>
      %add3A_999 = arith.addf %get3A_994, %mul3A_998 : vector<16xf32>
      %get3A_1000 = arith.index_cast %add3A_989 : i32 to index
      %get3A_1001 = tpu.vector_load %arg14[%get3A_1000] {strides = array<i32>} : memref<13312xf32, #tpu.memory_space<vmem>>, vector<16xf32>,
      %get3A_1002 = vector.shape_cast %get3A_1001 : vector<16xf32> to vector<16xf32>
      %mul3A_1003 = arith.mulf %get3A_632, %get3A_1002 : vector<16xf32>
      %add3A_1004 = arith.addf %add3A_999, %mul3A_1003 : vector<16xf32>
      %swap3A_1005 = arith.constant 1 : i32
      %swap3A_1006 = arith.index_cast %swap3A_1005 : i32 to index
      %swap3A_1007 = arith.constant 80 : index
      %swap3A_1008 = tpu.vector_load %arg15[%swap3A_1006, %swap3A_1007] {strides = array<i32>} : memref<4x128xf32, #tpu.memory_space<vmem>>, vector<1x16xf32>,
      %swap3A_1009 = vector.shape_cast %swap3A_1008 : vector<1x16xf32> to vector<16xf32>
      %swap3A_1010 = vector.shape_cast %add3A_1004 : vector<16xf32> to vector<1x16xf32>
      tpu.vector_store %arg15[%swap3A_1006, %swap3A_1007], %swap3A_1010 {strides = array<i32>} : memref<4x128xf32, #tpu.memory_space<vmem>>, vector<1x16xf32>,
      %mul3A_1011 = arith.constant 512 : i32
      %mul3A_1012 = arith.muli %scan3A_622, %mul3A_1011 : i32
      %add3A_1013 = arith.constant 128 : i32
      %add3A_1014 = arith.addi %mul3A_1012, %add3A_1013 : i32
      %add3A_1015 = arith.constant 96 : i32
      %add3A_1016 = arith.addi %add3A_1014, %add3A_1015 : i32
      %get3A_1017 = arith.constant 1 : i32
      %get3A_1018 = arith.index_cast %get3A_1017 : i32 to index
      %get3A_1019 = arith.constant 96 : index
      %get3A_1020 = tpu.vector_load %arg15[%get3A_1018, %get3A_1019] {strides = array<i32>} : memref<4x128xf32, #tpu.memory_space<vmem>>, vector<1x16xf32>,
      %get3A_1021 = vector.shape_cast %get3A_1020 : vector<1x16xf32> to vector<16xf32>
      %get3A_1022 = arith.index_cast %add3A_1016 : i32 to index
      %get3A_1023 = tpu.vector_load %arg13[%get3A_1022] {strides = array<i32>} : memref<13312xf32, #tpu.memory_space<vmem>>, vector<16xf32>,
      %get3A_1024 = vector.shape_cast %get3A_1023 : vector<16xf32> to vector<16xf32>
      %mul3A_1025 = arith.mulf %get3A_627, %get3A_1024 : vector<16xf32>
      %add3A_1026 = arith.addf %get3A_1021, %mul3A_1025 : vector<16xf32>
      %get3A_1027 = arith.index_cast %add3A_1016 : i32 to index
      %get3A_1028 = tpu.vector_load %arg14[%get3A_1027] {strides = array<i32>} : memref<13312xf32, #tpu.memory_space<vmem>>, vector<16xf32>,
      %get3A_1029 = vector.shape_cast %get3A_1028 : vector<16xf32> to vector<16xf32>
      %mul3A_1030 = arith.mulf %get3A_632, %get3A_1029 : vector<16xf32>
      %add3A_1031 = arith.addf %add3A_1026, %mul3A_1030 : vector<16xf32>
      %swap3A_1032 = arith.constant 1 : i32
      %swap3A_1033 = arith.index_cast %swap3A_1032 : i32 to index
      %swap3A_1034 = arith.constant 96 : index
      %swap3A_1035 = tpu.vector_load %arg15[%swap3A_1033, %swap3A_1034] {strides = array<i32>} : memref<4x128xf32, #tpu.memory_space<vmem>>, vector<1x16xf32>,
      %swap3A_1036 = vector.shape_cast %swap3A_1035 : vector<1x16xf32> to vector<16xf32>
      %swap3A_1037 = vector.shape_cast %add3A_1031 : vector<16xf32> to vector<1x16xf32>
      tpu.vector_store %arg15[%swap3A_1033, %swap3A_1034], %swap3A_1037 {strides = array<i32>} : memref<4x128xf32, #tpu.memory_space<vmem>>, vector<1x16xf32>,
      %mul3A_1038 = arith.constant 512 : i32
      %mul3A_1039 = arith.muli %scan3A_622, %mul3A_1038 : i32
      %add3A_1040 = arith.constant 128 : i32
      %add3A_1041 = arith.addi %mul3A_1039, %add3A_1040 : i32
      %add3A_1042 = arith.constant 112 : i32
      %add3A_1043 = arith.addi %add3A_1041, %add3A_1042 : i32
      %get3A_1044 = arith.constant 1 : i32
      %get3A_1045 = arith.index_cast %get3A_1044 : i32 to index
      %get3A_1046 = arith.constant 112 : index
      %get3A_1047 = tpu.vector_load %arg15[%get3A_1045, %get3A_1046] {strides = array<i32>} : memref<4x128xf32, #tpu.memory_space<vmem>>, vector<1x16xf32>,
      %get3A_1048 = vector.shape_cast %get3A_1047 : vector<1x16xf32> to vector<16xf32>
      %get3A_1049 = arith.index_cast %add3A_1043 : i32 to index
      %get3A_1050 = tpu.vector_load %arg13[%get3A_1049] {strides = array<i32>} : memref<13312xf32, #tpu.memory_space<vmem>>, vector<16xf32>,
      %get3A_1051 = vector.shape_cast %get3A_1050 : vector<16xf32> to vector<16xf32>
      %mul3A_1052 = arith.mulf %get3A_627, %get3A_1051 : vector<16xf32>
      %add3A_1053 = arith.addf %get3A_1048, %mul3A_1052 : vector<16xf32>
      %get3A_1054 = arith.index_cast %add3A_1043 : i32 to index
      %get3A_1055 = tpu.vector_load %arg14[%get3A_1054] {strides = array<i32>} : memref<13312xf32, #tpu.memory_space<vmem>>, vector<16xf32>,
      %get3A_1056 = vector.shape_cast %get3A_1055 : vector<16xf32> to vector<16xf32>
      %mul3A_1057 = arith.mulf %get3A_632, %get3A_1056 : vector<16xf32>
      %add3A_1058 = arith.addf %add3A_1053, %mul3A_1057 : vector<16xf32>
      %swap3A_1059 = arith.constant 1 : i32
      %swap3A_1060 = arith.index_cast %swap3A_1059 : i32 to index
      %swap3A_1061 = arith.constant 112 : index
      %swap3A_1062 = tpu.vector_load %arg15[%swap3A_1060, %swap3A_1061] {strides = array<i32>} : memref<4x128xf32, #tpu.memory_space<vmem>>, vector<1x16xf32>,
      %swap3A_1063 = vector.shape_cast %swap3A_1062 : vector<1x16xf32> to vector<16xf32>
      %swap3A_1064 = vector.shape_cast %add3A_1058 : vector<16xf32> to vector<1x16xf32>
      tpu.vector_store %arg15[%swap3A_1060, %swap3A_1061], %swap3A_1064 {strides = array<i32>} : memref<4x128xf32, #tpu.memory_space<vmem>>, vector<1x16xf32>,
      %mul3A_1065 = arith.constant 512 : i32
      %mul3A_1066 = arith.muli %scan3A_622, %mul3A_1065 : i32
      %add3A_1067 = arith.constant 256 : i32
      %add3A_1068 = arith.addi %mul3A_1066, %add3A_1067 : i32
      %add3A_1069 = arith.constant 0 : i32
      %add3A_1070 = arith.addi %add3A_1068, %add3A_1069 : i32
      %get3A_1071 = arith.constant 2 : i32
      %get3A_1072 = arith.index_cast %get3A_1071 : i32 to index
      %get3A_1073 = arith.constant 0 : index
      %get3A_1074 = tpu.vector_load %arg15[%get3A_1072, %get3A_1073] {strides = array<i32>} : memref<4x128xf32, #tpu.memory_space<vmem>>, vector<1x16xf32>,
      %get3A_1075 = vector.shape_cast %get3A_1074 : vector<1x16xf32> to vector<16xf32>
      %get3A_1076 = arith.index_cast %add3A_1070 : i32 to index
      %get3A_1077 = tpu.vector_load %arg13[%get3A_1076] {strides = array<i32>} : memref<13312xf32, #tpu.memory_space<vmem>>, vector<16xf32>,
      %get3A_1078 = vector.shape_cast %get3A_1077 : vector<16xf32> to vector<16xf32>
      %mul3A_1079 = arith.mulf %get3A_627, %get3A_1078 : vector<16xf32>
      %add3A_1080 = arith.addf %get3A_1075, %mul3A_1079 : vector<16xf32>
      %get3A_1081 = arith.index_cast %add3A_1070 : i32 to index
      %get3A_1082 = tpu.vector_load %arg14[%get3A_1081] {strides = array<i32>} : memref<13312xf32, #tpu.memory_space<vmem>>, vector<16xf32>,
      %get3A_1083 = vector.shape_cast %get3A_1082 : vector<16xf32> to vector<16xf32>
      %mul3A_1084 = arith.mulf %get3A_632, %get3A_1083 : vector<16xf32>
      %add3A_1085 = arith.addf %add3A_1080, %mul3A_1084 : vector<16xf32>
      %swap3A_1086 = arith.constant 2 : i32
      %swap3A_1087 = arith.index_cast %swap3A_1086 : i32 to index
      %swap3A_1088 = arith.constant 0 : index
      %swap3A_1089 = tpu.vector_load %arg15[%swap3A_1087, %swap3A_1088] {strides = array<i32>} : memref<4x128xf32, #tpu.memory_space<vmem>>, vector<1x16xf32>,
      %swap3A_1090 = vector.shape_cast %swap3A_1089 : vector<1x16xf32> to vector<16xf32>
      %swap3A_1091 = vector.shape_cast %add3A_1085 : vector<16xf32> to vector<1x16xf32>
      tpu.vector_store %arg15[%swap3A_1087, %swap3A_1088], %swap3A_1091 {strides = array<i32>} : memref<4x128xf32, #tpu.memory_space<vmem>>, vector<1x16xf32>,
      %mul3A_1092 = arith.constant 512 : i32
      %mul3A_1093 = arith.muli %scan3A_622, %mul3A_1092 : i32
      %add3A_1094 = arith.constant 256 : i32
      %add3A_1095 = arith.addi %mul3A_1093, %add3A_1094 : i32
      %add3A_1096 = arith.constant 16 : i32
      %add3A_1097 = arith.addi %add3A_1095, %add3A_1096 : i32
      %get3A_1098 = arith.constant 2 : i32
      %get3A_1099 = arith.index_cast %get3A_1098 : i32 to index
      %get3A_1100 = arith.constant 16 : index
      %get3A_1101 = tpu.vector_load %arg15[%get3A_1099, %get3A_1100] {strides = array<i32>} : memref<4x128xf32, #tpu.memory_space<vmem>>, vector<1x16xf32>,
      %get3A_1102 = vector.shape_cast %get3A_1101 : vector<1x16xf32> to vector<16xf32>
      %get3A_1103 = arith.index_cast %add3A_1097 : i32 to index
      %get3A_1104 = tpu.vector_load %arg13[%get3A_1103] {strides = array<i32>} : memref<13312xf32, #tpu.memory_space<vmem>>, vector<16xf32>,
      %get3A_1105 = vector.shape_cast %get3A_1104 : vector<16xf32> to vector<16xf32>
      %mul3A_1106 = arith.mulf %get3A_627, %get3A_1105 : vector<16xf32>
      %add3A_1107 = arith.addf %get3A_1102, %mul3A_1106 : vector<16xf32>
      %get3A_1108 = arith.index_cast %add3A_1097 : i32 to index
      %get3A_1109 = tpu.vector_load %arg14[%get3A_1108] {strides = array<i32>} : memref<13312xf32, #tpu.memory_space<vmem>>, vector<16xf32>,
      %get3A_1110 = vector.shape_cast %get3A_1109 : vector<16xf32> to vector<16xf32>
      %mul3A_1111 = arith.mulf %get3A_632, %get3A_1110 : vector<16xf32>
      %add3A_1112 = arith.addf %add3A_1107, %mul3A_1111 : vector<16xf32>
      %swap3A_1113 = arith.constant 2 : i32
      %swap3A_1114 = arith.index_cast %swap3A_1113 : i32 to index
      %swap3A_1115 = arith.constant 16 : index
      %swap3A_1116 = tpu.vector_load %arg15[%swap3A_1114, %swap3A_1115] {strides = array<i32>} : memref<4x128xf32, #tpu.memory_space<vmem>>, vector<1x16xf32>,
      %swap3A_1117 = vector.shape_cast %swap3A_1116 : vector<1x16xf32> to vector<16xf32>
      %swap3A_1118 = vector.shape_cast %add3A_1112 : vector<16xf32> to vector<1x16xf32>
      tpu.vector_store %arg15[%swap3A_1114, %swap3A_1115], %swap3A_1118 {strides = array<i32>} : memref<4x128xf32, #tpu.memory_space<vmem>>, vector<1x16xf32>,
      %mul3A_1119 = arith.constant 512 : i32
      %mul3A_1120 = arith.muli %scan3A_622, %mul3A_1119 : i32
      %add3A_1121 = arith.constant 256 : i32
      %add3A_1122 = arith.addi %mul3A_1120, %add3A_1121 : i32
      %add3A_1123 = arith.constant 32 : i32
      %add3A_1124 = arith.addi %add3A_1122, %add3A_1123 : i32
      %get3A_1125 = arith.constant 2 : i32
      %get3A_1126 = arith.index_cast %get3A_1125 : i32 to index
      %get3A_1127 = arith.constant 32 : index
      %get3A_1128 = tpu.vector_load %arg15[%get3A_1126, %get3A_1127] {strides = array<i32>} : memref<4x128xf32, #tpu.memory_space<vmem>>, vector<1x16xf32>,
      %get3A_1129 = vector.shape_cast %get3A_1128 : vector<1x16xf32> to vector<16xf32>
      %get3A_1130 = arith.index_cast %add3A_1124 : i32 to index
      %get3A_1131 = tpu.vector_load %arg13[%get3A_1130] {strides = array<i32>} : memref<13312xf32, #tpu.memory_space<vmem>>, vector<16xf32>,
      %get3A_1132 = vector.shape_cast %get3A_1131 : vector<16xf32> to vector<16xf32>
      %mul3A_1133 = arith.mulf %get3A_627, %get3A_1132 : vector<16xf32>
      %add3A_1134 = arith.addf %get3A_1129, %mul3A_1133 : vector<16xf32>
      %get3A_1135 = arith.index_cast %add3A_1124 : i32 to index
      %get3A_1136 = tpu.vector_load %arg14[%get3A_1135] {strides = array<i32>} : memref<13312xf32, #tpu.memory_space<vmem>>, vector<16xf32>,
      %get3A_1137 = vector.shape_cast %get3A_1136 : vector<16xf32> to vector<16xf32>
      %mul3A_1138 = arith.mulf %get3A_632, %get3A_1137 : vector<16xf32>
      %add3A_1139 = arith.addf %add3A_1134, %mul3A_1138 : vector<16xf32>
      %swap3A_1140 = arith.constant 2 : i32
      %swap3A_1141 = arith.index_cast %swap3A_1140 : i32 to index
      %swap3A_1142 = arith.constant 32 : index
      %swap3A_1143 = tpu.vector_load %arg15[%swap3A_1141, %swap3A_1142] {strides = array<i32>} : memref<4x128xf32, #tpu.memory_space<vmem>>, vector<1x16xf32>,
      %swap3A_1144 = vector.shape_cast %swap3A_1143 : vector<1x16xf32> to vector<16xf32>
      %swap3A_1145 = vector.shape_cast %add3A_1139 : vector<16xf32> to vector<1x16xf32>
      tpu.vector_store %arg15[%swap3A_1141, %swap3A_1142], %swap3A_1145 {strides = array<i32>} : memref<4x128xf32, #tpu.memory_space<vmem>>, vector<1x16xf32>,
      %mul3A_1146 = arith.constant 512 : i32
      %mul3A_1147 = arith.muli %scan3A_622, %mul3A_1146 : i32
      %add3A_1148 = arith.constant 256 : i32
      %add3A_1149 = arith.addi %mul3A_1147, %add3A_1148 : i32
      %add3A_1150 = arith.constant 48 : i32
      %add3A_1151 = arith.addi %add3A_1149, %add3A_1150 : i32
      %get3A_1152 = arith.constant 2 : i32
      %get3A_1153 = arith.index_cast %get3A_1152 : i32 to index
      %get3A_1154 = arith.constant 48 : index
      %get3A_1155 = tpu.vector_load %arg15[%get3A_1153, %get3A_1154] {strides = array<i32>} : memref<4x128xf32, #tpu.memory_space<vmem>>, vector<1x16xf32>,
      %get3A_1156 = vector.shape_cast %get3A_1155 : vector<1x16xf32> to vector<16xf32>
      %get3A_1157 = arith.index_cast %add3A_1151 : i32 to index
      %get3A_1158 = tpu.vector_load %arg13[%get3A_1157] {strides = array<i32>} : memref<13312xf32, #tpu.memory_space<vmem>>, vector<16xf32>,
      %get3A_1159 = vector.shape_cast %get3A_1158 : vector<16xf32> to vector<16xf32>
      %mul3A_1160 = arith.mulf %get3A_627, %get3A_1159 : vector<16xf32>
      %add3A_1161 = arith.addf %get3A_1156, %mul3A_1160 : vector<16xf32>
      %get3A_1162 = arith.index_cast %add3A_1151 : i32 to index
      %get3A_1163 = tpu.vector_load %arg14[%get3A_1162] {strides = array<i32>} : memref<13312xf32, #tpu.memory_space<vmem>>, vector<16xf32>,
      %get3A_1164 = vector.shape_cast %get3A_1163 : vector<16xf32> to vector<16xf32>
      %mul3A_1165 = arith.mulf %get3A_632, %get3A_1164 : vector<16xf32>
      %add3A_1166 = arith.addf %add3A_1161, %mul3A_1165 : vector<16xf32>
      %swap3A_1167 = arith.constant 2 : i32
      %swap3A_1168 = arith.index_cast %swap3A_1167 : i32 to index
      %swap3A_1169 = arith.constant 48 : index
      %swap3A_1170 = tpu.vector_load %arg15[%swap3A_1168, %swap3A_1169] {strides = array<i32>} : memref<4x128xf32, #tpu.memory_space<vmem>>, vector<1x16xf32>,
      %swap3A_1171 = vector.shape_cast %swap3A_1170 : vector<1x16xf32> to vector<16xf32>
      %swap3A_1172 = vector.shape_cast %add3A_1166 : vector<16xf32> to vector<1x16xf32>
      tpu.vector_store %arg15[%swap3A_1168, %swap3A_1169], %swap3A_1172 {strides = array<i32>} : memref<4x128xf32, #tpu.memory_space<vmem>>, vector<1x16xf32>,
      %mul3A_1173 = arith.constant 512 : i32
      %mul3A_1174 = arith.muli %scan3A_622, %mul3A_1173 : i32
      %add3A_1175 = arith.constant 256 : i32
      %add3A_1176 = arith.addi %mul3A_1174, %add3A_1175 : i32
      %add3A_1177 = arith.constant 64 : i32
      %add3A_1178 = arith.addi %add3A_1176, %add3A_1177 : i32
      %get3A_1179 = arith.constant 2 : i32
      %get3A_1180 = arith.index_cast %get3A_1179 : i32 to index
      %get3A_1181 = arith.constant 64 : index
      %get3A_1182 = tpu.vector_load %arg15[%get3A_1180, %get3A_1181] {strides = array<i32>} : memref<4x128xf32, #tpu.memory_space<vmem>>, vector<1x16xf32>,
      %get3A_1183 = vector.shape_cast %get3A_1182 : vector<1x16xf32> to vector<16xf32>
      %get3A_1184 = arith.index_cast %add3A_1178 : i32 to index
      %get3A_1185 = tpu.vector_load %arg13[%get3A_1184] {strides = array<i32>} : memref<13312xf32, #tpu.memory_space<vmem>>, vector<16xf32>,
      %get3A_1186 = vector.shape_cast %get3A_1185 : vector<16xf32> to vector<16xf32>
      %mul3A_1187 = arith.mulf %get3A_627, %get3A_1186 : vector<16xf32>
      %add3A_1188 = arith.addf %get3A_1183, %mul3A_1187 : vector<16xf32>
      %get3A_1189 = arith.index_cast %add3A_1178 : i32 to index
      %get3A_1190 = tpu.vector_load %arg14[%get3A_1189] {strides = array<i32>} : memref<13312xf32, #tpu.memory_space<vmem>>, vector<16xf32>,
      %get3A_1191 = vector.shape_cast %get3A_1190 : vector<16xf32> to vector<16xf32>
      %mul3A_1192 = arith.mulf %get3A_632, %get3A_1191 : vector<16xf32>
      %add3A_1193 = arith.addf %add3A_1188, %mul3A_1192 : vector<16xf32>
      %swap3A_1194 = arith.constant 2 : i32
      %swap3A_1195 = arith.index_cast %swap3A_1194 : i32 to index
      %swap3A_1196 = arith.constant 64 : index
      %swap3A_1197 = tpu.vector_load %arg15[%swap3A_1195, %swap3A_1196] {strides = array<i32>} : memref<4x128xf32, #tpu.memory_space<vmem>>, vector<1x16xf32>,
      %swap3A_1198 = vector.shape_cast %swap3A_1197 : vector<1x16xf32> to vector<16xf32>
      %swap3A_1199 = vector.shape_cast %add3A_1193 : vector<16xf32> to vector<1x16xf32>
      tpu.vector_store %arg15[%swap3A_1195, %swap3A_1196], %swap3A_1199 {strides = array<i32>} : memref<4x128xf32, #tpu.memory_space<vmem>>, vector<1x16xf32>,
      %mul3A_1200 = arith.constant 512 : i32
      %mul3A_1201 = arith.muli %scan3A_622, %mul3A_1200 : i32
      %add3A_1202 = arith.constant 256 : i32
      %add3A_1203 = arith.addi %mul3A_1201, %add3A_1202 : i32
      %add3A_1204 = arith.constant 80 : i32
      %add3A_1205 = arith.addi %add3A_1203, %add3A_1204 : i32
      %get3A_1206 = arith.constant 2 : i32
      %get3A_1207 = arith.index_cast %get3A_1206 : i32 to index
      %get3A_1208 = arith.constant 80 : index
      %get3A_1209 = tpu.vector_load %arg15[%get3A_1207, %get3A_1208] {strides = array<i32>} : memref<4x128xf32, #tpu.memory_space<vmem>>, vector<1x16xf32>,
      %get3A_1210 = vector.shape_cast %get3A_1209 : vector<1x16xf32> to vector<16xf32>
      %get3A_1211 = arith.index_cast %add3A_1205 : i32 to index
      %get3A_1212 = tpu.vector_load %arg13[%get3A_1211] {strides = array<i32>} : memref<13312xf32, #tpu.memory_space<vmem>>, vector<16xf32>,
      %get3A_1213 = vector.shape_cast %get3A_1212 : vector<16xf32> to vector<16xf32>
      %mul3A_1214 = arith.mulf %get3A_627, %get3A_1213 : vector<16xf32>
      %add3A_1215 = arith.addf %get3A_1210, %mul3A_1214 : vector<16xf32>
      %get3A_1216 = arith.index_cast %add3A_1205 : i32 to index
      %get3A_1217 = tpu.vector_load %arg14[%get3A_1216] {strides = array<i32>} : memref<13312xf32, #tpu.memory_space<vmem>>, vector<16xf32>,
      %get3A_1218 = vector.shape_cast %get3A_1217 : vector<16xf32> to vector<16xf32>
      %mul3A_1219 = arith.mulf %get3A_632, %get3A_1218 : vector<16xf32>
      %add3A_1220 = arith.addf %add3A_1215, %mul3A_1219 : vector<16xf32>
      %swap3A_1221 = arith.constant 2 : i32
      %swap3A_1222 = arith.index_cast %swap3A_1221 : i32 to index
      %swap3A_1223 = arith.constant 80 : index
      %swap3A_1224 = tpu.vector_load %arg15[%swap3A_1222, %swap3A_1223] {strides = array<i32>} : memref<4x128xf32, #tpu.memory_space<vmem>>, vector<1x16xf32>,
      %swap3A_1225 = vector.shape_cast %swap3A_1224 : vector<1x16xf32> to vector<16xf32>
      %swap3A_1226 = vector.shape_cast %add3A_1220 : vector<16xf32> to vector<1x16xf32>
      tpu.vector_store %arg15[%swap3A_1222, %swap3A_1223], %swap3A_1226 {strides = array<i32>} : memref<4x128xf32, #tpu.memory_space<vmem>>, vector<1x16xf32>,
      %mul3A_1227 = arith.constant 512 : i32
      %mul3A_1228 = arith.muli %scan3A_622, %mul3A_1227 : i32
      %add3A_1229 = arith.constant 256 : i32
      %add3A_1230 = arith.addi %mul3A_1228, %add3A_1229 : i32
      %add3A_1231 = arith.constant 96 : i32
      %add3A_1232 = arith.addi %add3A_1230, %add3A_1231 : i32
      %get3A_1233 = arith.constant 2 : i32
      %get3A_1234 = arith.index_cast %get3A_1233 : i32 to index
      %get3A_1235 = arith.constant 96 : index
      %get3A_1236 = tpu.vector_load %arg15[%get3A_1234, %get3A_1235] {strides = array<i32>} : memref<4x128xf32, #tpu.memory_space<vmem>>, vector<1x16xf32>,
      %get3A_1237 = vector.shape_cast %get3A_1236 : vector<1x16xf32> to vector<16xf32>
      %get3A_1238 = arith.index_cast %add3A_1232 : i32 to index
      %get3A_1239 = tpu.vector_load %arg13[%get3A_1238] {strides = array<i32>} : memref<13312xf32, #tpu.memory_space<vmem>>, vector<16xf32>,
      %get3A_1240 = vector.shape_cast %get3A_1239 : vector<16xf32> to vector<16xf32>
      %mul3A_1241 = arith.mulf %get3A_627, %get3A_1240 : vector<16xf32>
      %add3A_1242 = arith.addf %get3A_1237, %mul3A_1241 : vector<16xf32>
      %get3A_1243 = arith.index_cast %add3A_1232 : i32 to index
      %get3A_1244 = tpu.vector_load %arg14[%get3A_1243] {strides = array<i32>} : memref<13312xf32, #tpu.memory_space<vmem>>, vector<16xf32>,
      %get3A_1245 = vector.shape_cast %get3A_1244 : vector<16xf32> to vector<16xf32>
      %mul3A_1246 = arith.mulf %get3A_632, %get3A_1245 : vector<16xf32>
      %add3A_1247 = arith.addf %add3A_1242, %mul3A_1246 : vector<16xf32>
      %swap3A_1248 = arith.constant 2 : i32
      %swap3A_1249 = arith.index_cast %swap3A_1248 : i32 to index
      %swap3A_1250 = arith.constant 96 : index
      %swap3A_1251 = tpu.vector_load %arg15[%swap3A_1249, %swap3A_1250] {strides = array<i32>} : memref<4x128xf32, #tpu.memory_space<vmem>>, vector<1x16xf32>,
      %swap3A_1252 = vector.shape_cast %swap3A_1251 : vector<1x16xf32> to vector<16xf32>
      %swap3A_1253 = vector.shape_cast %add3A_1247 : vector<16xf32> to vector<1x16xf32>
      tpu.vector_store %arg15[%swap3A_1249, %swap3A_1250], %swap3A_1253 {strides = array<i32>} : memref<4x128xf32, #tpu.memory_space<vmem>>, vector<1x16xf32>,
      %mul3A_1254 = arith.constant 512 : i32
      %mul3A_1255 = arith.muli %scan3A_622, %mul3A_1254 : i32
      %add3A_1256 = arith.constant 256 : i32
      %add3A_1257 = arith.addi %mul3A_1255, %add3A_1256 : i32
      %add3A_1258 = arith.constant 112 : i32
      %add3A_1259 = arith.addi %add3A_1257, %add3A_1258 : i32
      %get3A_1260 = arith.constant 2 : i32
      %get3A_1261 = arith.index_cast %get3A_1260 : i32 to index
      %get3A_1262 = arith.constant 112 : index
      %get3A_1263 = tpu.vector_load %arg15[%get3A_1261, %get3A_1262] {strides = array<i32>} : memref<4x128xf32, #tpu.memory_space<vmem>>, vector<1x16xf32>,
      %get3A_1264 = vector.shape_cast %get3A_1263 : vector<1x16xf32> to vector<16xf32>
      %get3A_1265 = arith.index_cast %add3A_1259 : i32 to index
      %get3A_1266 = tpu.vector_load %arg13[%get3A_1265] {strides = array<i32>} : memref<13312xf32, #tpu.memory_space<vmem>>, vector<16xf32>,
      %get3A_1267 = vector.shape_cast %get3A_1266 : vector<16xf32> to vector<16xf32>
      %mul3A_1268 = arith.mulf %get3A_627, %get3A_1267 : vector<16xf32>
      %add3A_1269 = arith.addf %get3A_1264, %mul3A_1268 : vector<16xf32>
      %get3A_1270 = arith.index_cast %add3A_1259 : i32 to index
      %get3A_1271 = tpu.vector_load %arg14[%get3A_1270] {strides = array<i32>} : memref<13312xf32, #tpu.memory_space<vmem>>, vector<16xf32>,
      %get3A_1272 = vector.shape_cast %get3A_1271 : vector<16xf32> to vector<16xf32>
      %mul3A_1273 = arith.mulf %get3A_632, %get3A_1272 : vector<16xf32>
      %add3A_1274 = arith.addf %add3A_1269, %mul3A_1273 : vector<16xf32>
      %swap3A_1275 = arith.constant 2 : i32
      %swap3A_1276 = arith.index_cast %swap3A_1275 : i32 to index
      %swap3A_1277 = arith.constant 112 : index
      %swap3A_1278 = tpu.vector_load %arg15[%swap3A_1276, %swap3A_1277] {strides = array<i32>} : memref<4x128xf32, #tpu.memory_space<vmem>>, vector<1x16xf32>,
      %swap3A_1279 = vector.shape_cast %swap3A_1278 : vector<1x16xf32> to vector<16xf32>
      %swap3A_1280 = vector.shape_cast %add3A_1274 : vector<16xf32> to vector<1x16xf32>
      tpu.vector_store %arg15[%swap3A_1276, %swap3A_1277], %swap3A_1280 {strides = array<i32>} : memref<4x128xf32, #tpu.memory_space<vmem>>, vector<1x16xf32>,
      %mul3A_1281 = arith.constant 512 : i32
      %mul3A_1282 = arith.muli %scan3A_622, %mul3A_1281 : i32
      %add3A_1283 = arith.constant 384 : i32
      %add3A_1284 = arith.addi %mul3A_1282, %add3A_1283 : i32
      %add3A_1285 = arith.constant 0 : i32
      %add3A_1286 = arith.addi %add3A_1284, %add3A_1285 : i32
      %get3A_1287 = arith.constant 3 : i32
      %get3A_1288 = arith.index_cast %get3A_1287 : i32 to index
      %get3A_1289 = arith.constant 0 : index
      %get3A_1290 = tpu.vector_load %arg15[%get3A_1288, %get3A_1289] {strides = array<i32>} : memref<4x128xf32, #tpu.memory_space<vmem>>, vector<1x16xf32>,
      %get3A_1291 = vector.shape_cast %get3A_1290 : vector<1x16xf32> to vector<16xf32>
      %get3A_1292 = arith.index_cast %add3A_1286 : i32 to index
      %get3A_1293 = tpu.vector_load %arg13[%get3A_1292] {strides = array<i32>} : memref<13312xf32, #tpu.memory_space<vmem>>, vector<16xf32>,
      %get3A_1294 = vector.shape_cast %get3A_1293 : vector<16xf32> to vector<16xf32>
      %mul3A_1295 = arith.mulf %get3A_627, %get3A_1294 : vector<16xf32>
      %add3A_1296 = arith.addf %get3A_1291, %mul3A_1295 : vector<16xf32>
      %get3A_1297 = arith.index_cast %add3A_1286 : i32 to index
      %get3A_1298 = tpu.vector_load %arg14[%get3A_1297] {strides = array<i32>} : memref<13312xf32, #tpu.memory_space<vmem>>, vector<16xf32>,
      %get3A_1299 = vector.shape_cast %get3A_1298 : vector<16xf32> to vector<16xf32>
      %mul3A_1300 = arith.mulf %get3A_632, %get3A_1299 : vector<16xf32>
      %add3A_1301 = arith.addf %add3A_1296, %mul3A_1300 : vector<16xf32>
      %swap3A_1302 = arith.constant 3 : i32
      %swap3A_1303 = arith.index_cast %swap3A_1302 : i32 to index
      %swap3A_1304 = arith.constant 0 : index
      %swap3A_1305 = tpu.vector_load %arg15[%swap3A_1303, %swap3A_1304] {strides = array<i32>} : memref<4x128xf32, #tpu.memory_space<vmem>>, vector<1x16xf32>,
      %swap3A_1306 = vector.shape_cast %swap3A_1305 : vector<1x16xf32> to vector<16xf32>
      %swap3A_1307 = vector.shape_cast %add3A_1301 : vector<16xf32> to vector<1x16xf32>
      tpu.vector_store %arg15[%swap3A_1303, %swap3A_1304], %swap3A_1307 {strides = array<i32>} : memref<4x128xf32, #tpu.memory_space<vmem>>, vector<1x16xf32>,
      %mul3A_1308 = arith.constant 512 : i32
      %mul3A_1309 = arith.muli %scan3A_622, %mul3A_1308 : i32
      %add3A_1310 = arith.constant 384 : i32
      %add3A_1311 = arith.addi %mul3A_1309, %add3A_1310 : i32
      %add3A_1312 = arith.constant 16 : i32
      %add3A_1313 = arith.addi %add3A_1311, %add3A_1312 : i32
      %get3A_1314 = arith.constant 3 : i32
      %get3A_1315 = arith.index_cast %get3A_1314 : i32 to index
      %get3A_1316 = arith.constant 16 : index
      %get3A_1317 = tpu.vector_load %arg15[%get3A_1315, %get3A_1316] {strides = array<i32>} : memref<4x128xf32, #tpu.memory_space<vmem>>, vector<1x16xf32>,
      %get3A_1318 = vector.shape_cast %get3A_1317 : vector<1x16xf32> to vector<16xf32>
      %get3A_1319 = arith.index_cast %add3A_1313 : i32 to index
      %get3A_1320 = tpu.vector_load %arg13[%get3A_1319] {strides = array<i32>} : memref<13312xf32, #tpu.memory_space<vmem>>, vector<16xf32>,
      %get3A_1321 = vector.shape_cast %get3A_1320 : vector<16xf32> to vector<16xf32>
      %mul3A_1322 = arith.mulf %get3A_627, %get3A_1321 : vector<16xf32>
      %add3A_1323 = arith.addf %get3A_1318, %mul3A_1322 : vector<16xf32>
      %get3A_1324 = arith.index_cast %add3A_1313 : i32 to index
      %get3A_1325 = tpu.vector_load %arg14[%get3A_1324] {strides = array<i32>} : memref<13312xf32, #tpu.memory_space<vmem>>, vector<16xf32>,
      %get3A_1326 = vector.shape_cast %get3A_1325 : vector<16xf32> to vector<16xf32>
      %mul3A_1327 = arith.mulf %get3A_632, %get3A_1326 : vector<16xf32>
      %add3A_1328 = arith.addf %add3A_1323, %mul3A_1327 : vector<16xf32>
      %swap3A_1329 = arith.constant 3 : i32
      %swap3A_1330 = arith.index_cast %swap3A_1329 : i32 to index
      %swap3A_1331 = arith.constant 16 : index
      %swap3A_1332 = tpu.vector_load %arg15[%swap3A_1330, %swap3A_1331] {strides = array<i32>} : memref<4x128xf32, #tpu.memory_space<vmem>>, vector<1x16xf32>,
      %swap3A_1333 = vector.shape_cast %swap3A_1332 : vector<1x16xf32> to vector<16xf32>
      %swap3A_1334 = vector.shape_cast %add3A_1328 : vector<16xf32> to vector<1x16xf32>
      tpu.vector_store %arg15[%swap3A_1330, %swap3A_1331], %swap3A_1334 {strides = array<i32>} : memref<4x128xf32, #tpu.memory_space<vmem>>, vector<1x16xf32>,
      %mul3A_1335 = arith.constant 512 : i32
      %mul3A_1336 = arith.muli %scan3A_622, %mul3A_1335 : i32
      %add3A_1337 = arith.constant 384 : i32
      %add3A_1338 = arith.addi %mul3A_1336, %add3A_1337 : i32
      %add3A_1339 = arith.constant 32 : i32
      %add3A_1340 = arith.addi %add3A_1338, %add3A_1339 : i32
      %get3A_1341 = arith.constant 3 : i32
      %get3A_1342 = arith.index_cast %get3A_1341 : i32 to index
      %get3A_1343 = arith.constant 32 : index
      %get3A_1344 = tpu.vector_load %arg15[%get3A_1342, %get3A_1343] {strides = array<i32>} : memref<4x128xf32, #tpu.memory_space<vmem>>, vector<1x16xf32>,
      %get3A_1345 = vector.shape_cast %get3A_1344 : vector<1x16xf32> to vector<16xf32>
      %get3A_1346 = arith.index_cast %add3A_1340 : i32 to index
      %get3A_1347 = tpu.vector_load %arg13[%get3A_1346] {strides = array<i32>} : memref<13312xf32, #tpu.memory_space<vmem>>, vector<16xf32>,
      %get3A_1348 = vector.shape_cast %get3A_1347 : vector<16xf32> to vector<16xf32>
      %mul3A_1349 = arith.mulf %get3A_627, %get3A_1348 : vector<16xf32>
      %add3A_1350 = arith.addf %get3A_1345, %mul3A_1349 : vector<16xf32>
      %get3A_1351 = arith.index_cast %add3A_1340 : i32 to index
      %get3A_1352 = tpu.vector_load %arg14[%get3A_1351] {strides = array<i32>} : memref<13312xf32, #tpu.memory_space<vmem>>, vector<16xf32>,
      %get3A_1353 = vector.shape_cast %get3A_1352 : vector<16xf32> to vector<16xf32>
      %mul3A_1354 = arith.mulf %get3A_632, %get3A_1353 : vector<16xf32>
      %add3A_1355 = arith.addf %add3A_1350, %mul3A_1354 : vector<16xf32>
      %swap3A_1356 = arith.constant 3 : i32
      %swap3A_1357 = arith.index_cast %swap3A_1356 : i32 to index
      %swap3A_1358 = arith.constant 32 : index
      %swap3A_1359 = tpu.vector_load %arg15[%swap3A_1357, %swap3A_1358] {strides = array<i32>} : memref<4x128xf32, #tpu.memory_space<vmem>>, vector<1x16xf32>,
      %swap3A_1360 = vector.shape_cast %swap3A_1359 : vector<1x16xf32> to vector<16xf32>
      %swap3A_1361 = vector.shape_cast %add3A_1355 : vector<16xf32> to vector<1x16xf32>
      tpu.vector_store %arg15[%swap3A_1357, %swap3A_1358], %swap3A_1361 {strides = array<i32>} : memref<4x128xf32, #tpu.memory_space<vmem>>, vector<1x16xf32>,
      %mul3A_1362 = arith.constant 512 : i32
      %mul3A_1363 = arith.muli %scan3A_622, %mul3A_1362 : i32
      %add3A_1364 = arith.constant 384 : i32
      %add3A_1365 = arith.addi %mul3A_1363, %add3A_1364 : i32
      %add3A_1366 = arith.constant 48 : i32
      %add3A_1367 = arith.addi %add3A_1365, %add3A_1366 : i32
      %get3A_1368 = arith.constant 3 : i32
      %get3A_1369 = arith.index_cast %get3A_1368 : i32 to index
      %get3A_1370 = arith.constant 48 : index
      %get3A_1371 = tpu.vector_load %arg15[%get3A_1369, %get3A_1370] {strides = array<i32>} : memref<4x128xf32, #tpu.memory_space<vmem>>, vector<1x16xf32>,
      %get3A_1372 = vector.shape_cast %get3A_1371 : vector<1x16xf32> to vector<16xf32>
      %get3A_1373 = arith.index_cast %add3A_1367 : i32 to index
      %get3A_1374 = tpu.vector_load %arg13[%get3A_1373] {strides = array<i32>} : memref<13312xf32, #tpu.memory_space<vmem>>, vector<16xf32>,
      %get3A_1375 = vector.shape_cast %get3A_1374 : vector<16xf32> to vector<16xf32>
      %mul3A_1376 = arith.mulf %get3A_627, %get3A_1375 : vector<16xf32>
      %add3A_1377 = arith.addf %get3A_1372, %mul3A_1376 : vector<16xf32>
      %get3A_1378 = arith.index_cast %add3A_1367 : i32 to index
      %get3A_1379 = tpu.vector_load %arg14[%get3A_1378] {strides = array<i32>} : memref<13312xf32, #tpu.memory_space<vmem>>, vector<16xf32>,
      %get3A_1380 = vector.shape_cast %get3A_1379 : vector<16xf32> to vector<16xf32>
      %mul3A_1381 = arith.mulf %get3A_632, %get3A_1380 : vector<16xf32>
      %add3A_1382 = arith.addf %add3A_1377, %mul3A_1381 : vector<16xf32>
      %swap3A_1383 = arith.constant 3 : i32
      %swap3A_1384 = arith.index_cast %swap3A_1383 : i32 to index
      %swap3A_1385 = arith.constant 48 : index
      %swap3A_1386 = tpu.vector_load %arg15[%swap3A_1384, %swap3A_1385] {strides = array<i32>} : memref<4x128xf32, #tpu.memory_space<vmem>>, vector<1x16xf32>,
      %swap3A_1387 = vector.shape_cast %swap3A_1386 : vector<1x16xf32> to vector<16xf32>
      %swap3A_1388 = vector.shape_cast %add3A_1382 : vector<16xf32> to vector<1x16xf32>
      tpu.vector_store %arg15[%swap3A_1384, %swap3A_1385], %swap3A_1388 {strides = array<i32>} : memref<4x128xf32, #tpu.memory_space<vmem>>, vector<1x16xf32>,
      %mul3A_1389 = arith.constant 512 : i32
      %mul3A_1390 = arith.muli %scan3A_622, %mul3A_1389 : i32
      %add3A_1391 = arith.constant 384 : i32
      %add3A_1392 = arith.addi %mul3A_1390, %add3A_1391 : i32
      %add3A_1393 = arith.constant 64 : i32
      %add3A_1394 = arith.addi %add3A_1392, %add3A_1393 : i32
      %get3A_1395 = arith.constant 3 : i32
      %get3A_1396 = arith.index_cast %get3A_1395 : i32 to index
      %get3A_1397 = arith.constant 64 : index
      %get3A_1398 = tpu.vector_load %arg15[%get3A_1396, %get3A_1397] {strides = array<i32>} : memref<4x128xf32, #tpu.memory_space<vmem>>, vector<1x16xf32>,
      %get3A_1399 = vector.shape_cast %get3A_1398 : vector<1x16xf32> to vector<16xf32>
      %get3A_1400 = arith.index_cast %add3A_1394 : i32 to index
      %get3A_1401 = tpu.vector_load %arg13[%get3A_1400] {strides = array<i32>} : memref<13312xf32, #tpu.memory_space<vmem>>, vector<16xf32>,
      %get3A_1402 = vector.shape_cast %get3A_1401 : vector<16xf32> to vector<16xf32>
      %mul3A_1403 = arith.mulf %get3A_627, %get3A_1402 : vector<16xf32>
      %add3A_1404 = arith.addf %get3A_1399, %mul3A_1403 : vector<16xf32>
      %get3A_1405 = arith.index_cast %add3A_1394 : i32 to index
      %get3A_1406 = tpu.vector_load %arg14[%get3A_1405] {strides = array<i32>} : memref<13312xf32, #tpu.memory_space<vmem>>, vector<16xf32>,
      %get3A_1407 = vector.shape_cast %get3A_1406 : vector<16xf32> to vector<16xf32>
      %mul3A_1408 = arith.mulf %get3A_632, %get3A_1407 : vector<16xf32>
      %add3A_1409 = arith.addf %add3A_1404, %mul3A_1408 : vector<16xf32>
      %swap3A_1410 = arith.constant 3 : i32
      %swap3A_1411 = arith.index_cast %swap3A_1410 : i32 to index
      %swap3A_1412 = arith.constant 64 : index
      %swap3A_1413 = tpu.vector_load %arg15[%swap3A_1411, %swap3A_1412] {strides = array<i32>} : memref<4x128xf32, #tpu.memory_space<vmem>>, vector<1x16xf32>,
      %swap3A_1414 = vector.shape_cast %swap3A_1413 : vector<1x16xf32> to vector<16xf32>
      %swap3A_1415 = vector.shape_cast %add3A_1409 : vector<16xf32> to vector<1x16xf32>
      tpu.vector_store %arg15[%swap3A_1411, %swap3A_1412], %swap3A_1415 {strides = array<i32>} : memref<4x128xf32, #tpu.memory_space<vmem>>, vector<1x16xf32>,
      %mul3A_1416 = arith.constant 512 : i32
      %mul3A_1417 = arith.muli %scan3A_622, %mul3A_1416 : i32
      %add3A_1418 = arith.constant 384 : i32
      %add3A_1419 = arith.addi %mul3A_1417, %add3A_1418 : i32
      %add3A_1420 = arith.constant 80 : i32
      %add3A_1421 = arith.addi %add3A_1419, %add3A_1420 : i32
      %get3A_1422 = arith.constant 3 : i32
      %get3A_1423 = arith.index_cast %get3A_1422 : i32 to index
      %get3A_1424 = arith.constant 80 : index
      %get3A_1425 = tpu.vector_load %arg15[%get3A_1423, %get3A_1424] {strides = array<i32>} : memref<4x128xf32, #tpu.memory_space<vmem>>, vector<1x16xf32>,
      %get3A_1426 = vector.shape_cast %get3A_1425 : vector<1x16xf32> to vector<16xf32>
      %get3A_1427 = arith.index_cast %add3A_1421 : i32 to index
      %get3A_1428 = tpu.vector_load %arg13[%get3A_1427] {strides = array<i32>} : memref<13312xf32, #tpu.memory_space<vmem>>, vector<16xf32>,
      %get3A_1429 = vector.shape_cast %get3A_1428 : vector<16xf32> to vector<16xf32>
      %mul3A_1430 = arith.mulf %get3A_627, %get3A_1429 : vector<16xf32>
      %add3A_1431 = arith.addf %get3A_1426, %mul3A_1430 : vector<16xf32>
      %get3A_1432 = arith.index_cast %add3A_1421 : i32 to index
      %get3A_1433 = tpu.vector_load %arg14[%get3A_1432] {strides = array<i32>} : memref<13312xf32, #tpu.memory_space<vmem>>, vector<16xf32>,
      %get3A_1434 = vector.shape_cast %get3A_1433 : vector<16xf32> to vector<16xf32>
      %mul3A_1435 = arith.mulf %get3A_632, %get3A_1434 : vector<16xf32>
      %add3A_1436 = arith.addf %add3A_1431, %mul3A_1435 : vector<16xf32>
      %swap3A_1437 = arith.constant 3 : i32
      %swap3A_1438 = arith.index_cast %swap3A_1437 : i32 to index
      %swap3A_1439 = arith.constant 80 : index
      %swap3A_1440 = tpu.vector_load %arg15[%swap3A_1438, %swap3A_1439] {strides = array<i32>} : memref<4x128xf32, #tpu.memory_space<vmem>>, vector<1x16xf32>,
      %swap3A_1441 = vector.shape_cast %swap3A_1440 : vector<1x16xf32> to vector<16xf32>
      %swap3A_1442 = vector.shape_cast %add3A_1436 : vector<16xf32> to vector<1x16xf32>
      tpu.vector_store %arg15[%swap3A_1438, %swap3A_1439], %swap3A_1442 {strides = array<i32>} : memref<4x128xf32, #tpu.memory_space<vmem>>, vector<1x16xf32>,
      %mul3A_1443 = arith.constant 512 : i32
      %mul3A_1444 = arith.muli %scan3A_622, %mul3A_1443 : i32
      %add3A_1445 = arith.constant 384 : i32
      %add3A_1446 = arith.addi %mul3A_1444, %add3A_1445 : i32
      %add3A_1447 = arith.constant 96 : i32
      %add3A_1448 = arith.addi %add3A_1446, %add3A_1447 : i32
      %get3A_1449 = arith.constant 3 : i32
      %get3A_1450 = arith.index_cast %get3A_1449 : i32 to index
      %get3A_1451 = arith.constant 96 : index
      %get3A_1452 = tpu.vector_load %arg15[%get3A_1450, %get3A_1451] {strides = array<i32>} : memref<4x128xf32, #tpu.memory_space<vmem>>, vector<1x16xf32>,
      %get3A_1453 = vector.shape_cast %get3A_1452 : vector<1x16xf32> to vector<16xf32>
      %get3A_1454 = arith.index_cast %add3A_1448 : i32 to index
      %get3A_1455 = tpu.vector_load %arg13[%get3A_1454] {strides = array<i32>} : memref<13312xf32, #tpu.memory_space<vmem>>, vector<16xf32>,
      %get3A_1456 = vector.shape_cast %get3A_1455 : vector<16xf32> to vector<16xf32>
      %mul3A_1457 = arith.mulf %get3A_627, %get3A_1456 : vector<16xf32>
      %add3A_1458 = arith.addf %get3A_1453, %mul3A_1457 : vector<16xf32>
      %get3A_1459 = arith.index_cast %add3A_1448 : i32 to index
      %get3A_1460 = tpu.vector_load %arg14[%get3A_1459] {strides = array<i32>} : memref<13312xf32, #tpu.memory_space<vmem>>, vector<16xf32>,
      %get3A_1461 = vector.shape_cast %get3A_1460 : vector<16xf32> to vector<16xf32>
      %mul3A_1462 = arith.mulf %get3A_632, %get3A_1461 : vector<16xf32>
      %add3A_1463 = arith.addf %add3A_1458, %mul3A_1462 : vector<16xf32>
      %swap3A_1464 = arith.constant 3 : i32
      %swap3A_1465 = arith.index_cast %swap3A_1464 : i32 to index
      %swap3A_1466 = arith.constant 96 : index
      %swap3A_1467 = tpu.vector_load %arg15[%swap3A_1465, %swap3A_1466] {strides = array<i32>} : memref<4x128xf32, #tpu.memory_space<vmem>>, vector<1x16xf32>,
      %swap3A_1468 = vector.shape_cast %swap3A_1467 : vector<1x16xf32> to vector<16xf32>
      %swap3A_1469 = vector.shape_cast %add3A_1463 : vector<16xf32> to vector<1x16xf32>
      tpu.vector_store %arg15[%swap3A_1465, %swap3A_1466], %swap3A_1469 {strides = array<i32>} : memref<4x128xf32, #tpu.memory_space<vmem>>, vector<1x16xf32>,
      %mul3A_1470 = arith.constant 512 : i32
      %mul3A_1471 = arith.muli %scan3A_622, %mul3A_1470 : i32
      %add3A_1472 = arith.constant 384 : i32
      %add3A_1473 = arith.addi %mul3A_1471, %add3A_1472 : i32
      %add3A_1474 = arith.constant 112 : i32
      %add3A_1475 = arith.addi %add3A_1473, %add3A_1474 : i32
      %get3A_1476 = arith.constant 3 : i32
      %get3A_1477 = arith.index_cast %get3A_1476 : i32 to index
      %get3A_1478 = arith.constant 112 : index
      %get3A_1479 = tpu.vector_load %arg15[%get3A_1477, %get3A_1478] {strides = array<i32>} : memref<4x128xf32, #tpu.memory_space<vmem>>, vector<1x16xf32>,
      %get3A_1480 = vector.shape_cast %get3A_1479 : vector<1x16xf32> to vector<16xf32>
      %get3A_1481 = arith.index_cast %add3A_1475 : i32 to index
      %get3A_1482 = tpu.vector_load %arg13[%get3A_1481] {strides = array<i32>} : memref<13312xf32, #tpu.memory_space<vmem>>, vector<16xf32>,
      %get3A_1483 = vector.shape_cast %get3A_1482 : vector<16xf32> to vector<16xf32>
      %mul3A_1484 = arith.mulf %get3A_627, %get3A_1483 : vector<16xf32>
      %add3A_1485 = arith.addf %get3A_1480, %mul3A_1484 : vector<16xf32>
      %get3A_1486 = arith.index_cast %add3A_1475 : i32 to index
      %get3A_1487 = tpu.vector_load %arg14[%get3A_1486] {strides = array<i32>} : memref<13312xf32, #tpu.memory_space<vmem>>, vector<16xf32>,
      %get3A_1488 = vector.shape_cast %get3A_1487 : vector<16xf32> to vector<16xf32>
      %mul3A_1489 = arith.mulf %get3A_632, %get3A_1488 : vector<16xf32>
      %add3A_1490 = arith.addf %add3A_1485, %mul3A_1489 : vector<16xf32>
      %swap3A_1491 = arith.constant 3 : i32
      %swap3A_1492 = arith.index_cast %swap3A_1491 : i32 to index
      %swap3A_1493 = arith.constant 112 : index
      %swap3A_1494 = tpu.vector_load %arg15[%swap3A_1492, %swap3A_1493] {strides = array<i32>} : memref<4x128xf32, #tpu.memory_space<vmem>>, vector<1x16xf32>,
      %swap3A_1495 = vector.shape_cast %swap3A_1494 : vector<1x16xf32> to vector<16xf32>
      %swap3A_1496 = vector.shape_cast %add3A_1490 : vector<16xf32> to vector<1x16xf32>
      tpu.vector_store %arg15[%swap3A_1492, %swap3A_1493], %swap3A_1496 {strides = array<i32>} : memref<4x128xf32, #tpu.memory_space<vmem>>, vector<1x16xf32>,
    }
    %scan3A_619 = arith.constant 26 : i32
    "tpu.region"() ({
      %run_scoped3A = tpu.sem_alloc : memref<!tpu.dma_semaphore, #tpu.memory_space<semaphore_mem>>
      %dma_start3A_622 = arith.constant 0 : i32
      %dma_start3A_623 = arith.constant 0 : i32
      %dma_start3A_624 = tpu.memref_slice %arg8[%add3A, %dma_start3A_622, %dma_start3A_623] : memref<32x4x128xf32, #tpu.memory_space<hbm>> -> memref<1x4x128xf32, #tpu.memory_space<hbm>>
      %dma_start3A_625 = tpu.memref_squeeze %dma_start3A_624 : memref<1x4x128xf32, #tpu.memory_space<hbm>> -> memref<4x128xf32, #tpu.memory_space<hbm>>
      %dma_start3A_626 = arith.constant 0 : i32
      %dma_start3A_627 = arith.constant 0 : i32
      %dma_start3A_628 = tpu.memref_slice %arg8[%add3A, %dma_start3A_626, %dma_start3A_627] : memref<32x4x128xf32, #tpu.memory_space<hbm>> -> memref<1x4x128xf32, #tpu.memory_space<hbm>>
      %dma_start3A_629 = tpu.memref_squeeze %dma_start3A_628 : memref<1x4x128xf32, #tpu.memory_space<hbm>> -> memref<4x128xf32, #tpu.memory_space<hbm>>
      tpu.enqueue_dma source(%arg15 : memref<4x128xf32, #tpu.memory_space<vmem>>) target(%dma_start3A_629 : memref<4x128xf32, #tpu.memory_space<hbm>>) target_semaphore(%run_scoped3A : memref<!tpu.dma_semaphore, #tpu.memory_space<semaphore_mem>>)
      %dma_wait3A_630 = arith.constant 0 : i32
      %dma_wait3A_631 = arith.constant 0 : i32
      %dma_wait3A_632 = tpu.memref_slice %arg8[%add3A, %dma_wait3A_630, %dma_wait3A_631] : memref<32x4x128xf32, #tpu.memory_space<hbm>> -> memref<1x4x128xf32, #tpu.memory_space<hbm>>
      %dma_wait3A_633 = tpu.memref_squeeze %dma_wait3A_632 : memref<1x4x128xf32, #tpu.memory_space<hbm>> -> memref<4x128xf32, #tpu.memory_space<hbm>>
      %dma_wait3A_634 = arith.constant 0 : i32
      %dma_wait3A_635 = arith.constant 0 : i32
      %dma_wait3A_636 = tpu.memref_slice %arg8[%add3A, %dma_wait3A_634, %dma_wait3A_635] : memref<32x4x128xf32, #tpu.memory_space<hbm>> -> memref<1x4x128xf32, #tpu.memory_space<hbm>>
      %dma_wait3A_637 = tpu.memref_squeeze %dma_wait3A_636 : memref<1x4x128xf32, #tpu.memory_space<hbm>> -> memref<4x128xf32, #tpu.memory_space<hbm>>
      tpu.wait_dma2 semaphore(%run_scoped3A : memref<!tpu.dma_semaphore, #tpu.memory_space<semaphore_mem>>) src(%arg15 : memref<4x128xf32, #tpu.memory_space<vmem>>) dst(%dma_wait3A_637 : memref<4x128xf32, #tpu.memory_space<hbm>>)
      tpu.yield
    }) : () -> ()
    %eq3A = arith.constant 0 : i32
    %eq3A_620 = arith.cmpi eq, %add3A, %eq3A : i32
    %convert_element_type3A = arith.extui %eq3A_620 : i1 to i32
    %cond3A = arith.constant 0 : i32
    %cond3A_621 = arith.cmpi ne, %convert_element_type3A, %cond3A : i32
    scf.if %cond3A_621 {
      %slice3A_622 = vector.extract_strided_slice %div3A_228 {offsets = [0], sizes = [1], strides = [1]} : vector<16xf32> to vector<1xf32>
      %squeeze3A_623 = vector.extract %slice3A_622[0] : f32 from vector<1xf32>
      %slice3A_624 = vector.extract_strided_slice %div3A_228 {offsets = [1], sizes = [1], strides = [1]} : vector<16xf32> to vector<1xf32>
      %squeeze3A_625 = vector.extract %slice3A_624[0] : f32 from vector<1xf32>
      %add3A_626 = arith.addf %squeeze3A_623, %squeeze3A_625 : f32
      %slice3A_627 = vector.extract_strided_slice %div3A_228 {offsets = [2], sizes = [1], strides = [1]} : vector<16xf32> to vector<1xf32>
      %squeeze3A_628 = vector.extract %slice3A_627[0] : f32 from vector<1xf32>
      %add3A_629 = arith.addf %add3A_626, %squeeze3A_628 : f32
      %slice3A_630 = vector.extract_strided_slice %div3A_228 {offsets = [3], sizes = [1], strides = [1]} : vector<16xf32> to vector<1xf32>
      %squeeze3A_631 = vector.extract %slice3A_630[0] : f32 from vector<1xf32>
      %add3A_632 = arith.addf %add3A_629, %squeeze3A_631 : f32
      %slice3A_633 = vector.extract_strided_slice %div3A_228 {offsets = [4], sizes = [1], strides = [1]} : vector<16xf32> to vector<1xf32>
      %squeeze3A_634 = vector.extract %slice3A_633[0] : f32 from vector<1xf32>
      %add3A_635 = arith.addf %add3A_632, %squeeze3A_634 : f32
      %slice3A_636 = vector.extract_strided_slice %div3A_228 {offsets = [5], sizes = [1], strides = [1]} : vector<16xf32> to vector<1xf32>
      %squeeze3A_637 = vector.extract %slice3A_636[0] : f32 from vector<1xf32>
      %add3A_638 = arith.addf %add3A_635, %squeeze3A_637 : f32
      %slice3A_639 = vector.extract_strided_slice %div3A_228 {offsets = [6], sizes = [1], strides = [1]} : vector<16xf32> to vector<1xf32>
      %squeeze3A_640 = vector.extract %slice3A_639[0] : f32 from vector<1xf32>
      %add3A_641 = arith.addf %add3A_638, %squeeze3A_640 : f32
      %slice3A_642 = vector.extract_strided_slice %div3A_228 {offsets = [7], sizes = [1], strides = [1]} : vector<16xf32> to vector<1xf32>
      %squeeze3A_643 = vector.extract %slice3A_642[0] : f32 from vector<1xf32>
      %add3A_644 = arith.addf %add3A_641, %squeeze3A_643 : f32
      %slice3A_645 = vector.extract_strided_slice %div3A_228 {offsets = [8], sizes = [1], strides = [1]} : vector<16xf32> to vector<1xf32>
      %squeeze3A_646 = vector.extract %slice3A_645[0] : f32 from vector<1xf32>
      %add3A_647 = arith.addf %add3A_644, %squeeze3A_646 : f32
      %slice3A_648 = vector.extract_strided_slice %div3A_228 {offsets = [9], sizes = [1], strides = [1]} : vector<16xf32> to vector<1xf32>
      %squeeze3A_649 = vector.extract %slice3A_648[0] : f32 from vector<1xf32>
      %add3A_650 = arith.addf %add3A_647, %squeeze3A_649 : f32
      %slice3A_651 = vector.extract_strided_slice %div3A_228 {offsets = [10], sizes = [1], strides = [1]} : vector<16xf32> to vector<1xf32>
      %squeeze3A_652 = vector.extract %slice3A_651[0] : f32 from vector<1xf32>
      %add3A_653 = arith.addf %add3A_650, %squeeze3A_652 : f32
      %slice3A_654 = vector.extract_strided_slice %div3A_228 {offsets = [11], sizes = [1], strides = [1]} : vector<16xf32> to vector<1xf32>
      %squeeze3A_655 = vector.extract %slice3A_654[0] : f32 from vector<1xf32>
      %add3A_656 = arith.addf %add3A_653, %squeeze3A_655 : f32
      %slice3A_657 = vector.extract_strided_slice %div3A_228 {offsets = [12], sizes = [1], strides = [1]} : vector<16xf32> to vector<1xf32>
      %squeeze3A_658 = vector.extract %slice3A_657[0] : f32 from vector<1xf32>
      %add3A_659 = arith.addf %add3A_656, %squeeze3A_658 : f32
      %slice3A_660 = vector.extract_strided_slice %div3A_228 {offsets = [13], sizes = [1], strides = [1]} : vector<16xf32> to vector<1xf32>
      %squeeze3A_661 = vector.extract %slice3A_660[0] : f32 from vector<1xf32>
      %add3A_662 = arith.addf %add3A_659, %squeeze3A_661 : f32
      %slice3A_663 = vector.extract_strided_slice %div3A_228 {offsets = [14], sizes = [1], strides = [1]} : vector<16xf32> to vector<1xf32>
      %squeeze3A_664 = vector.extract %slice3A_663[0] : f32 from vector<1xf32>
      %add3A_665 = arith.addf %add3A_662, %squeeze3A_664 : f32
      %slice3A_666 = vector.extract_strided_slice %div3A_228 {offsets = [15], sizes = [1], strides = [1]} : vector<16xf32> to vector<1xf32>
      %squeeze3A_667 = vector.extract %slice3A_666[0] : f32 from vector<1xf32>
      %add3A_668 = arith.addf %add3A_665, %squeeze3A_667 : f32
      %slice3A_669 = vector.extract_strided_slice %div3A_238 {offsets = [0], sizes = [1], strides = [1]} : vector<16xf32> to vector<1xf32>
      %squeeze3A_670 = vector.extract %slice3A_669[0] : f32 from vector<1xf32>
      %add3A_671 = arith.addf %add3A_668, %squeeze3A_670 : f32
      %slice3A_672 = vector.extract_strided_slice %div3A_238 {offsets = [1], sizes = [1], strides = [1]} : vector<16xf32> to vector<1xf32>
      %squeeze3A_673 = vector.extract %slice3A_672[0] : f32 from vector<1xf32>
      %add3A_674 = arith.addf %add3A_671, %squeeze3A_673 : f32
      %slice3A_675 = vector.extract_strided_slice %div3A_238 {offsets = [2], sizes = [1], strides = [1]} : vector<16xf32> to vector<1xf32>
      %squeeze3A_676 = vector.extract %slice3A_675[0] : f32 from vector<1xf32>
      %add3A_677 = arith.addf %add3A_674, %squeeze3A_676 : f32
      %slice3A_678 = vector.extract_strided_slice %div3A_238 {offsets = [3], sizes = [1], strides = [1]} : vector<16xf32> to vector<1xf32>
      %squeeze3A_679 = vector.extract %slice3A_678[0] : f32 from vector<1xf32>
      %add3A_680 = arith.addf %add3A_677, %squeeze3A_679 : f32
      %slice3A_681 = vector.extract_strided_slice %div3A_238 {offsets = [4], sizes = [1], strides = [1]} : vector<16xf32> to vector<1xf32>
      %squeeze3A_682 = vector.extract %slice3A_681[0] : f32 from vector<1xf32>
      %add3A_683 = arith.addf %add3A_680, %squeeze3A_682 : f32
      %slice3A_684 = vector.extract_strided_slice %div3A_238 {offsets = [5], sizes = [1], strides = [1]} : vector<16xf32> to vector<1xf32>
      %squeeze3A_685 = vector.extract %slice3A_684[0] : f32 from vector<1xf32>
      %add3A_686 = arith.addf %add3A_683, %squeeze3A_685 : f32
      %slice3A_687 = vector.extract_strided_slice %div3A_238 {offsets = [6], sizes = [1], strides = [1]} : vector<16xf32> to vector<1xf32>
      %squeeze3A_688 = vector.extract %slice3A_687[0] : f32 from vector<1xf32>
      %add3A_689 = arith.addf %add3A_686, %squeeze3A_688 : f32
      %slice3A_690 = vector.extract_strided_slice %div3A_238 {offsets = [7], sizes = [1], strides = [1]} : vector<16xf32> to vector<1xf32>
      %squeeze3A_691 = vector.extract %slice3A_690[0] : f32 from vector<1xf32>
      %add3A_692 = arith.addf %add3A_689, %squeeze3A_691 : f32
      %slice3A_693 = vector.extract_strided_slice %div3A_238 {offsets = [8], sizes = [1], strides = [1]} : vector<16xf32> to vector<1xf32>
      %squeeze3A_694 = vector.extract %slice3A_693[0] : f32 from vector<1xf32>
      %add3A_695 = arith.addf %add3A_692, %squeeze3A_694 : f32
      %slice3A_696 = vector.extract_strided_slice %div3A_238 {offsets = [9], sizes = [1], strides = [1]} : vector<16xf32> to vector<1xf32>
      %squeeze3A_697 = vector.extract %slice3A_696[0] : f32 from vector<1xf32>
      %add3A_698 = arith.addf %add3A_695, %squeeze3A_697 : f32
      %mul3A_699 = arith.constant 0.00384615385 : f32
      %mul3A_700 = arith.mulf %add3A_698, %mul3A_699 : f32
      %broadcast_in_dim3A_701 = vector.broadcast %mul3A_700 : f32 to vector<16xf32>
      %swap3A_702 = arith.constant 0 : i32
      %swap3A_703 = arith.index_cast %swap3A_702 : i32 to index
      %swap3A_704 = arith.constant 0 : index
      %swap3A_705 = tpu.vector_load %arg15[%swap3A_703, %swap3A_704] {strides = array<i32>} : memref<4x128xf32, #tpu.memory_space<vmem>>, vector<1x16xf32>,
      %swap3A_706 = vector.shape_cast %swap3A_705 : vector<1x16xf32> to vector<16xf32>
      %swap3A_707 = vector.shape_cast %broadcast_in_dim3A_701 : vector<16xf32> to vector<1x16xf32>
      tpu.vector_store %arg15[%swap3A_703, %swap3A_704], %swap3A_707 {strides = array<i32>} : memref<4x128xf32, #tpu.memory_space<vmem>>, vector<1x16xf32>,
      %run_scoped3A = arith.constant 0 : i32
      "tpu.region"() ({
        %run_scoped3A_708 = tpu.sem_alloc : memref<!tpu.dma_semaphore, #tpu.memory_space<semaphore_mem>>
        %dma_start3A_709 = arith.constant 0 : i32
        %dma_start3A_710 = tpu.memref_slice %arg15[%run_scoped3A, %dma_start3A_709] : memref<4x128xf32, #tpu.memory_space<vmem>> -> memref<1x16xf32, #tpu.memory_space<vmem>>
        %dma_start3A_711 = tpu.memref_squeeze %dma_start3A_710 : memref<1x16xf32, #tpu.memory_space<vmem>> -> memref<16xf32, #tpu.memory_space<vmem>>
        %dma_start3A_712 = arith.constant 0 : i32
        %dma_start3A_713 = tpu.memref_slice %arg15[%run_scoped3A, %dma_start3A_712] : memref<4x128xf32, #tpu.memory_space<vmem>> -> memref<1x16xf32, #tpu.memory_space<vmem>>
        %dma_start3A_714 = tpu.memref_squeeze %dma_start3A_713 : memref<1x16xf32, #tpu.memory_space<vmem>> -> memref<16xf32, #tpu.memory_space<vmem>>
        tpu.enqueue_dma source(%dma_start3A_714 : memref<16xf32, #tpu.memory_space<vmem>>) target(%arg9 : memref<16xf32, #tpu.memory_space<hbm>>) target_semaphore(%run_scoped3A_708 : memref<!tpu.dma_semaphore, #tpu.memory_space<semaphore_mem>>)
        %dma_wait3A_715 = arith.constant 0 : i32
        %dma_wait3A_716 = tpu.memref_slice %arg15[%run_scoped3A, %dma_wait3A_715] : memref<4x128xf32, #tpu.memory_space<vmem>> -> memref<1x16xf32, #tpu.memory_space<vmem>>
        %dma_wait3A_717 = tpu.memref_squeeze %dma_wait3A_716 : memref<1x16xf32, #tpu.memory_space<vmem>> -> memref<16xf32, #tpu.memory_space<vmem>>
        %dma_wait3A_718 = arith.constant 0 : i32
        %dma_wait3A_719 = tpu.memref_slice %arg15[%run_scoped3A, %dma_wait3A_718] : memref<4x128xf32, #tpu.memory_space<vmem>> -> memref<1x16xf32, #tpu.memory_space<vmem>>
        %dma_wait3A_720 = tpu.memref_squeeze %dma_wait3A_719 : memref<1x16xf32, #tpu.memory_space<vmem>> -> memref<16xf32, #tpu.memory_space<vmem>>
        tpu.wait_dma2 semaphore(%run_scoped3A_708 : memref<!tpu.dma_semaphore, #tpu.memory_space<semaphore_mem>>) src(%dma_wait3A_720 : memref<16xf32, #tpu.memory_space<vmem>>) dst(%arg9 : memref<16xf32, #tpu.memory_space<hbm>>)
        tpu.yield
      }) : () -> ()
    } else {
    }
    return
  }
}

</mosaic_0001>

<sc_bundles>
// kernel: kernel.3.cloned.1.call-start
scs
__scs_entry_jumppad:
0x0: {  	(pc) =	sbr.rel $0x88, $3  }
0x1: {  	(tag) =	ssettag $0x0;
	lr =	simm.s32 $0x1  }
0x2: {  	[smem:$0x3F9D] =	sst lr;
	_ =	strace $0xD0000000  }
0x3: {  	_ = 	snop  }
0x4: {  	_ = 	snop  }
0x5: {  	_ = 	snop  }
0x6: {  	_ = 	snop  }
0x7: {  	_ = 	snop  }
__scs_overlays_trampoline_lowered:
0x8: {  	[smem:$0x3FAC] =	sst s0  }
0x9: {  	[smem:$0x3FAD] =	sst s1  }
0xa: {  	[smem:$0x3FAE] =	sst s2  }
0xb: {  	[smem:$0x3FAF] =	sst s3  }
0xc: {  	[smem:$0x3FB0] =	sst s4  }
0xd: {  	[smem:$0x3FB1] =	sst s5  }
0xe: {  	[smem:$0x3FB2] =	sst s6  }
0xf: {  	[smem:$0x3FB3] =	sst s7  }
0x10: {  	[smem:$0x3FB4] =	sst s8  }
0x11: {  	[smem:$0x3FB5] =	sst s9;
	s0 =	simm.s32 @!p0 $0x0  }
0x12: {  	s1 =	sld [smem:$0x3F9B];
	s0 =	simm.s32 @p0 $0x1  }
0x13: {  	[smem:$0x3FB6] =	sst s0;
	s0 =	simm.s32 @!p1 $0x0  }
0x14: {  	s2 =	sld [smem:$0x3F9A];
	s0 =	simm.s32 @p1 $0x1  }
0x15: {  	[smem:$0x3FB7] =	sst s0;
	s0 =	simm.s32 @!p2 $0x0  }
0x16: {  	s3 =	sld [smem:$0x3FDB];
	s0 =	simm.s32 @p2 $0x1  }
0x17: {  	s4 =	simm.s32 $0x1BF5;
	[smem:$0x3FB9] =	sst s0  }
0x18: {  	s0 =	sld [smem:$0x3F9C];
	_ =	swait.ge [sflag:s4], $0x0  }
0x19: {  	s7 =	sld [smem:$0x3F9D]  }
0x1a: {  	s8 =	sadd.s32 $0xFFFFE003, lr  }
0x1b: {  	s9 =	sadd.s32 $0xFFFFFEF7, lr;
	s5 =	simm.s32 $0xFFFFFFFF;
	p2 =	slt.u32 s8, $0xFFFFF086  }
0x1c: {  	p1 =	slt.u32 s9, $0xF7A;
	s5 =	simm.s32 @!p2 $0x0  }
0x1d: {  	s5 =	simm.s32 @p1 $0x1;
	p0 =	seq.s32 s7, s2  }
0x1e: {  	s7 =	smul.u32 @!p0 $0xF7A, s2;
	p2 =	seq.s32 @!p0 s5, $0x0  }
0x1f: {  	s9 =	smul.u32 $0xF7A, s1;
	s8 =	simm.s32 @!p0 $0x1BF5;
	p2 =	por !p2, p0  }
0x20: {  	[sflag:s8] =	ssyncset.s32 @!p0 $0xFFFFF086;
	s6 =	sadd.s32 @!p0 s3, s7;
	s7 =	simm.s32 @!p0 $0x108  }
0x21: {  	s3 =	sadd.s32 s3, s9;
	s6 =	sadd.s32 @!p0 $0x88, s6;
	s7 =	simm.s32 @p2 $0x1082  }
0x22: {  	[simem:s7], [sflag:s8] =	dma.local @!p0 [hbm:s6], $0xF7A  }
0x23: {  	s9 =	sor.u32 $0xD0000000, s2;
	s6 =	simm.s32 $0x108;
	_ =	swait.ge @!p0 [sflag:s8], $0x0  }
0x24: {  	s3 =	sadd.s32 $0x88, s3;
	s6 =	simm.s32 @!p1 $0x1082;
	[sflag:s4] =	ssyncset.s32 $0xFFFFF086  }
0x25: {  	[simem:s6], [sflag:s4] =	dma.local [hbm:s3], $0xF7A  }
0x26: {  	[smem:$0x3F9D] =	sst s1;
	(tag) =	ssettag s2;
	_ =	strace s9  }
0x27: {  	s1 =	sld [smem:$0x3FAD]  }
0x28: {  	s2 =	sld [smem:$0x3FAE]  }
0x29: {  	s4 =	sld [smem:$0x3FB0]  }
0x2a: {  	p0 =	seq.s32 s5, $0x0;
	s5 =	sld [smem:$0x3FB1]  }
0x2b: {  	s6 =	sld [smem:$0x3FB2]  }
0x2c: {  	s7 =	sld [smem:$0x3FB3]  }
0x2d: {  	s3 =	simm.s32 $0x108;
	s8 =	sld [smem:$0x3FB4]  }
0x2e: {  	s3 =	simm.s32 @!p0 $0x1082;
	s9 =	sld [smem:$0x3FB5]  }
0x2f: {  	lr =	sadd.s32 s0, s3;
	s0 =	sld [smem:$0x3FAC]  }
0x30: {  	s3 =	sld [smem:$0x3FAF]  }
0x31: {  	[smem:$0x3FB8] =	sst s10  }
0x32: {  	s10 =	sld [smem:$0x3FB6];
	_ =	sdelay $0x3  }
0x33: {  	p0 =	seq.s32 s10, $0x1;
	s10 =	sld [smem:$0x3FB8];
	_ =	sdelay $0x3  }
0x34: {  	[smem:$0x3FB8] =	sst s10  }
0x35: {  	s10 =	sld [smem:$0x3FB7];
	_ =	sdelay $0x3  }
0x36: {  	p1 =	seq.s32 s10, $0x1;
	s10 =	sld [smem:$0x3FB8];
	_ =	sdelay $0x3  }
0x37: {  	[smem:$0x3FB8] =	sst s10  }
0x38: {  	s10 =	sld [smem:$0x3FB9]  }
0x39: {  	_ = 	snop;
	(pc) =	sbr.ind lr, $3  }
0x3a: {  	_ = 	snop  }
0x3b: {  	_ = 	snop  }
0x3c: {  	p2 =	seq.s32 s10, $0x1;
	s10 =	sld [smem:$0x3FB8]  }
0x3d: {  	_ =	shalt  }
0x3e: {  	_ =	shalt  }
0x3f: {  	_ =	shalt  }
0x40: {  	_ =	shalt  }
0x41: {  	_ =	shalt  }
0x42: {  	_ =	shalt  }
0x43: {  	_ =	shalt  }
0x44: {  	_ =	shalt  }
0x45: {  	_ =	shalt  }
0x46: {  	_ =	shalt  }
0x47: {  	_ =	shalt  }
0x48: {  	_ =	shalt  }
0x49: {  	_ =	shalt  }
0x4a: {  	_ =	shalt  }
0x4b: {  	_ =	shalt  }
0x4c: {  	_ =	shalt  }
0x4d: {  	_ =	shalt  }
0x4e: {  	_ =	shalt  }
0x4f: {  	_ =	shalt  }
0x50: {  	_ =	shalt  }
0x51: {  	_ =	shalt  }
0x52: {  	_ =	shalt  }
0x53: {  	_ =	shalt  }
0x54: {  	_ =	shalt  }
0x55: {  	_ =	shalt  }
0x56: {  	_ =	shalt  }
0x57: {  	_ =	shalt  }
0x58: {  	_ =	shalt  }
0x59: {  	_ =	shalt  }
0x5a: {  	_ =	shalt  }
0x5b: {  	_ =	shalt  }
0x5c: {  	_ =	shalt  }
0x5d: {  	_ =	shalt  }
0x5e: {  	_ =	shalt  }
0x5f: {  	_ =	shalt  }
0x60: {  	_ =	shalt  }
0x61: {  	_ =	shalt  }
0x62: {  	_ =	shalt  }
0x63: {  	_ =	shalt  }
0x64: {  	_ =	shalt  }
0x65: {  	_ =	shalt  }
0x66: {  	_ =	shalt  }
0x67: {  	_ =	shalt  }
0x68: {  	_ =	shalt  }
0x69: {  	_ =	shalt  }
0x6a: {  	_ =	shalt  }
0x6b: {  	_ =	shalt  }
0x6c: {  	_ =	shalt  }
0x6d: {  	_ =	shalt  }
0x6e: {  	_ =	shalt  }
0x6f: {  	_ =	shalt  }
0x70: {  	_ =	shalt  }
0x71: {  	_ =	shalt  }
0x72: {  	_ =	shalt  }
0x73: {  	_ =	shalt  }
0x74: {  	_ =	shalt  }
0x75: {  	_ =	shalt  }
0x76: {  	_ =	shalt  }
0x77: {  	_ =	shalt  }
0x78: {  	_ =	shalt  }
0x79: {  	_ =	shalt  }
0x7a: {  	_ =	shalt  }
0x7b: {  	_ =	shalt  }
0x7c: {  	_ =	shalt  }
0x7d: {  	_ =	shalt  }
0x7e: {  	_ =	shalt  }
0x7f: {  	_ =	shalt  }
0x80: {  	_ =	shalt  }
0x81: {  	_ =	shalt  }
0x82: {  	_ =	shalt  }
0x83: {  	_ =	shalt  }
0x84: {  	_ =	shalt  }
0x85: {  	_ =	shalt  }
0x86: {  	_ =	shalt  }
0x87: {  	_ =	shalt  }
.Lfunc_end0:
.L_simem_size_0:
called_computation_lowered:
.L_overlay_start_0:
0x88: {  	s2 =	sld [smem:$0x3FD9]  }
0x89: {  	s3 =	sld [smem:$0x3FFE];
	_ =	sdelay $0x1  }
0x8a: {  	s1 =	srdreg.scid  }
0x8b: {  	s0 =	sand.u32 $0x1, s1  }
0x8c: {  	s14 =	sshll.u32 s0, $0xA;
	s2 =	sadd.s32 s3, s2  }
0x8d: {  	s2 =	sadd.s32 s2, s14  }
0x8e: {  	[smem:$0x3FC4] =	sst s2  }
0x8f: {  	_ = 	snop  }
0x90: {  	s2 =	sld [smem:$0x3FD0];
	_ =	sdelay $0x2  }
0x91: {  	s15 =	simm.s32 $0xA;
	s4 =	simm.s32 $0x10  }
0x92: {  	[smem:s4], [sflag:s15] =	dma.local [hbm:s2], $0x1  }
0x93: {  	_ =	swait.eq [sflag:s15], $0x1  }
0x94: {  	[sflag:s15] =	ssyncset.done $0x0  }
0x95: {  	s16 =	sld [smem:$0x10];
	[sflag:s15] =	ssyncadd.s32 $0xFFFFFFFF  }
0x96: {  	s17 =	sld [smem:$0x11];
	(tm) =	ssettm $0x1  }
0x97: {  	s18 =	sld [smem:$0x3FFB];
	_ =	sdelay $0x3  }
0x98: {  	_ =	strace s18  }
0x99: {  	s4 =	sld [smem:$0x3FFC];
	_ =	sdelay $0x3  }
0x9a: {  	_ =	strace s4  }
0x9b: {  	s4 =	sld [smem:$0x3FFD];
	_ =	sdelay $0x3  }
0x9c: {  	_ =	strace s4  }
0x9d: {  	_ =	strace $0x8FFFFFFF  }
0x9e: {  	s19 =	sld [smem:$0x3FDB];
	_ =	sdelay $0x1  }
0x9f: {  	s5 =	simm.s32 $_scs_section_size  }
0xa0: {  	s6 =	simm.s32 $_size__tile_overlayer_lowered;
	s7 =	simm.s32 $_tile_overlayer_lowered  }
0xa1: {  	s22 =	simm.s32 $0x1BFF;
	s21 =	sshll.u32 s7, $0x1;
	s4 =	sadd.s32 s5, s19  }
0xa2: {  	s8 =	simm.s32 $0x0;
	s20 =	sshll.u32 s6, $0x1;
	s6 =	sadd.s32 s21, s4  }
0xa3: {  	[timem:s8], [sflag:s22] =	dma.local [hbm:s6], s20  }
0xa4: {  	_ =	swait.ge [sflag:s22], s20  }
0xa5: {  	s5 =	ssub.s32 $0x0, s20;
	[sflag:s22] =	ssyncset.done $0x0  }
0xa6: {  	[sflag:s22] =	ssyncadd.s32 s5;
	_ =	sdelay $0x1  }
0xa7: {  	s23 =	simm.s32 $0x1B8B  }
0xa8: {  	_ =	swait.ge [sflag:s23], $0x1  }
0xa9: {  	[sflag:s23] =	ssyncset.done $0x0  }
0xaa: {  	s25 =	simm.s32 $0x1B8E;
	s24 =	sld [smem:$0x3FFE];
	[sflag:s23] =	ssyncadd.s32 $0xFFFFFFFF  }
0xab: {  	s26 =	simm.s32 $execute0_lowered;
	[smem:$0x3FD2] =	sst s25  }
0xac: {  	s6 =	sshll.u32 s26, $0x1;
	_ =	strace $0x80000046;
	[dreg:$0x1] =	wrdreg $0xFFFFFFFF  }
0xad: {  	s28 =	simm.s32 $_size_execute0_lowered;
	s4 =	sadd.s32 s4, s6;
	[dreg:$0x0] =	wrdreg $0x0  }
0xae: {  	s6 =	sshll.u32 s28, $0x1;
	[dreg:$0x2] =	wrdreg s4  }
0xaf: {  	[dreg:$0x3] =	wrdreg s6  }
0xb0: {  	[dreg:$0x4] =	wrdreg $0xC0  }
0xb1: {  	_ =	task [dreg:s8], $0x5FFFF  }
0xb2: {  	[dreg:$0x1] =	wrdreg $0xFFFFFFFF  }
0xb3: {  	[dreg:$0x0] =	wrdreg $0x60  }
0xb4: {  	[dreg:$0x2] =	wrdreg s24  }
0xb5: {  	[dreg:$0x3] =	wrdreg s16  }
0xb6: {  	[dreg:$0x4] =	wrdreg s17  }
0xb7: {  	[dreg:$0x5] =	wrdreg $0x9  }
0xb8: {  	_ =	task.clear_ibuf [dreg:s8], $0x6FFFF;
	_ =	strace $0x90000046  }
0xb9: {  	s29 =	simm.s32 $0x9;
	_ =	strace $0x80000048  }
0xba: {  	_ =	swait.ge [sflag:s29], $0x1  }
0xbb: {  	[sflag:s29] =	ssyncadd.s32 $0xFFFFFFFF  }
0xbc: {  	_ =	strace $0x90000048  }
0xbd: {  	_ =	sfence  }
0xbe: {  	s30 =	sld [smem:$0x0];
	_ =	sdelay $0x2  }
0xbf: {  	s31 =	sshll.u32 s1, $0xD;
	s1 =	sshrl.u32 s1, $0x2  }
0xc0: {  	s3 =	sand.u32 $0x4000, s31;
	s1 =	sadd.s32 s1, s30  }
0xc1: {  	s0 =	sor.u32 s3, s0;
	s1 =	sshll.u32 s1, $0x11  }
0xc2: {  	s0 =	sor.u32 s1, s0  }
0xc3: {  	s0 =	sadd.s32 $0x8F2B, s0  }
0xc4: {  	[sflag:s0] =	ssyncadd.remote.s32 $0x1  }
0xc5: {  	_ =	sfence.sel $0xFFFF  }
0xc6: {  	[dreg:$0x0] =	wrdreg $0xFFFFFFFF;
	(pc) =	sbr.abs _section_cstart, $3  }
0xc7: {  	[dreg:$0x1] =	wrdreg $0xFFFFFFFF  }
0xc8: {  	_ =	task.clear_ibuf [dreg:s8], $0x2FFFF;
	_ =	strace $0x9FFFFFFF  }
0xc9: {  	(tm) =	ssettm $0x7FFFFFFF  }
tec
execute0_lowered:
.L_overlay_start_1:
0x0: {  	(tag) =	ssettag $0x1  }
0x1: {  	s7 =	rddreg [dreg:$0x0]  }
0x2: {  	s1 =	srdreg.scid;
	s10 =	rddreg [dreg:$0x1]  }
0x3: {  	s0 =	stileid.u32;
	s2 =	rddreg [dreg:$0x2]  }
0x4: {  	s3 =	simm.s32 $0x0;
	s13 =	simm.s32 $0x400;
	s14 =	simm.s32 $0x4  }
0x5: {  	s15 =	simm.s32 $0x3400;
	s16 =	simm.s32 $0x6800;
	s17 =	simm.s32 $0x10600  }
0x6: {  	s18 =	simm.s32 $0x10680;
	s19 =	simm.s32 $0x9C00;
	s20 =	simm.s32 $0x1  }
0x7: {  	s21 =	simm.s32 $0xD000;
	s22 =	simm.s32 $0x2;
	s23 =	simm.s32 $0x3  }
0x8: {  	s25 =	simm.s32 $0x0;
	s6 =	sand.u32 $0x1, s1;
	s1 =	rddreg [dreg:$0x3]  }
0x9: {  	s29 =	sshll.u32 s0, $0x1;
	s30 =	sshrl.u32 s0, $0x2;
	[smem:$0x7FF] =	sst s3  }
0xa: {  	s24 =	sor.u32 s6, s29;
	s4 =	smul.u32 $0x1A000, s30;
	_ =	strace $0x80000047  }
0xb: {  	s31 =	ssub.s32 $0x2, s6;
	s6 =	sadd.s32 $0x333C00, s7;
	s5 =	sshll.u32 s24, $0x7  }
0xc: {  	s11 =	sshrl.u32 s31, $0x1;
	s12 =	sshll.u32 s24, $0x6;
	p0 =	sne.s32 s24, $0x0  }
.Ltmp0:
0xd: {  	s24 =	simm.s32 $0x10400;
	s5 =	sand.u32 $0x380, s5;
	(pc) =	sbr.rel .LBB2_1-.Ltmp0, $4  }
0xe: {  	s11 =	ssub.s32 s31, s11;
	s10 =	sadd.s32 s10, s12;
	s5 =	sor.u32 s4, s5  }
0xf: {  	s12 =	simm.s32 $0x80;
	s4 =	sadd.s32 $0x400, s7;
	s8 =	sshrl.u32 s5, $0x3  }
0x10: {  	s5 =	sadd.s32 $0x319C00, s7;
	s9 =	sadd.s32 s8, s7;
	s7 =	sadd.s32 $0x333E00, s7  }
0x11: {  	v0 =	vimm.f32 $0.0e+00;
	s11 =	smax.u32 s11, $0x1;
	s8 =	sadd.s32 $0x334000, s9;
	s9 =	sadd.s32 $0x326C00, s9  }
.LBB2_9:
0x12: {  	s25 =	sadd.s32 $0x1, s25  }
0x13: {  	p1 =	sne.s32 s25, s11  }
.Ltmp1:
0x14: {  	_ = 	snop;
	(pc) =	sbr.rel @!p1 .LBB2_10-.Ltmp1, $1  }
0x15: {  	_ =	sdelay $0x3  }
.LBB2_1:
0x16: {  	[tilespmem:s3], [sflag:$0x4] =	stream.strided.gather [hbm4b:s8+s12], $0x3400, s13, s12, $0x38;
	[tilespmem:$0x10B00] =	vst v63  }
0x17: {  	_ =	swait.ge [sflag:s14], $0x3400  }
0x18: {  	[sflag:s14] =	ssyncset.done $0x0  }
0x19: {  	[sflag:s14] =	ssyncadd.s32 $0xFFFFCC00  }
0x1a: {  	[tilespmem:s16], [sflag:$0x1] =	stream.indirect.gather [hbm4b:s5+s15], $0x1, s3, s15, $0xb8;
	[tilespmem:$0x10B00] =	vst v63  }
0x1b: {  	_ = 	snop  }
0x1c: {  	[tilespmem:s15], [sflag:$0x4] =	stream.strided.gather [hbm4b:s9+s12], $0x3400, s13, s12, $0x38;
	[tilespmem:$0x10B00] =	vst v63  }
0x1d: {  	_ =	swait.ge [sflag:s14], $0x3400  }
0x1e: {  	[sflag:s14] =	ssyncset.done $0x0  }
0x1f: {  	[sflag:s14] =	ssyncadd.s32 $0xFFFFCC00  }
0x20: {  	[tilespmem:s17], [sflag:$0x4] =	stream.linear.gather [hbm4b:s6+s3], $0x80, $0x38;
	[tilespmem:$0x10B00] =	vst v63  }
0x21: {  	_ =	swait.ge [sflag:s14], $0x80  }
0x22: {  	[sflag:s14] =	ssyncset.done $0x0  }
0x23: {  	[sflag:s14] =	ssyncadd.s32 $0xFFFFFF80  }
0x24: {  	[tilespmem:s18], [sflag:$0x4] =	stream.linear.gather [hbm4b:s7+s3], $0x80, $0x38;
	[tilespmem:$0x10B00] =	vst v63  }
0x25: {  	_ =	swait.ge [sflag:s14], $0x80  }
0x26: {  	[sflag:s14] =	ssyncset.done $0x0  }
0x27: {  	s26 =	simm.s32 $0x3500;
	[sflag:s14] =	ssyncadd.s32 $0xFFFFFF80  }
0x28: {  	v1 =	vld [tilespmem:s26+$0xFFFFFF00]  }
0x29: {  	v2 =	vld [tilespmem:s26+$0xFFFFFF10]  }
0x2a: {  	v3 =	vld [tilespmem:s26+$0xFFFFFF20]  }
0x2b: {  	v4 =	vld [tilespmem:s26+$0xFFFFFF30]  }
0x2c: {  	v5 =	vld [tilespmem:s26+$0xFFFFFF40]  }
0x2d: {  	v6 =	vld [tilespmem:s26+$0xFFFFFF50];
	v1 =	vadd.s32 s3, v1  }
0x2e: {  	[tilespmem:s26+$0xFFFFFF00] =	vst v1;
	v1 =	vadd.s32 s3, v2;
	v2 =	vld [tilespmem:s26+$0xFFFFFF60]  }
0x2f: {  	[tilespmem:s26+$0xFFFFFF10] =	vst v1;
	v1 =	vadd.s32 s3, v3;
	v3 =	vld [tilespmem:s26+$0xFFFFFF70]  }
0x30: {  	[tilespmem:s26+$0xFFFFFF20] =	vst v1;
	v1 =	vadd.s32 s3, v4;
	v4 =	vld [tilespmem:s26+$0xFFFFFF80]  }
0x31: {  	[tilespmem:s26+$0xFFFFFF30] =	vst v1;
	v1 =	vadd.s32 s3, v5;
	v5 =	vld [tilespmem:s26+$0xFFFFFF90]  }
0x32: {  	[tilespmem:s26+$0xFFFFFF40] =	vst v1;
	v1 =	vadd.s32 s3, v6;
	v6 =	vld [tilespmem:s26+$0xFFFFFFA0]  }
0x33: {  	[tilespmem:s26+$0xFFFFFF50] =	vst v1;
	v1 =	vadd.s32 s3, v2;
	v2 =	vld [tilespmem:s26+$0xFFFFFFB0]  }
0x34: {  	[tilespmem:s26+$0xFFFFFF60] =	vst v1;
	v1 =	vadd.s32 s3, v3;
	v3 =	vld [tilespmem:s26+$0xFFFFFFC0]  }
0x35: {  	[tilespmem:s26+$0xFFFFFF70] =	vst v1;
	v1 =	vadd.s32 s3, v4;
	v4 =	vld [tilespmem:s26+$0xFFFFFFD0]  }
0x36: {  	[tilespmem:s26+$0xFFFFFF80] =	vst v1;
	v1 =	vadd.s32 s3, v5;
	v5 =	vld [tilespmem:s26+$0xFFFFFFE0]  }
0x37: {  	[tilespmem:s26+$0xFFFFFF90] =	vst v1;
	v1 =	vadd.s32 s3, v6;
	v6 =	vld [tilespmem:s26+$0x0]  }
0x38: {  	[tilespmem:s26+$0xFFFFFFA0] =	vst v1;
	v1 =	vadd.s32 s3, v2;
	v2 =	vld [tilespmem:s26+$0x10]  }
0x39: {  	[tilespmem:s26+$0xFFFFFFB0] =	vst v1;
	v1 =	vadd.s32 s3, v3;
	v3 =	vld [tilespmem:s26+$0x20]  }
0x3a: {  	[tilespmem:s26+$0xFFFFFFC0] =	vst v1;
	v1 =	vadd.s32 s3, v4;
	v4 =	vld [tilespmem:s26+$0x30]  }
0x3b: {  	[tilespmem:s26+$0xFFFFFFD0] =	vst v1;
	v1 =	vadd.s32 s3, v5;
	v5 =	vld [tilespmem:s26+$0x40]  }
0x3c: {  	[tilespmem:s26+$0xFFFFFFE0] =	vst v1;
	v1 =	vadd.s32 s3, v6;
	v6 =	vld [tilespmem:s26+$0x50]  }
0x3d: {  	[tilespmem:s26+$0x0] =	vst v1;
	v1 =	vadd.s32 s3, v2;
	v2 =	vld [tilespmem:s26+$0x60]  }
0x3e: {  	[tilespmem:s26+$0x10] =	vst v1;
	v1 =	vadd.s32 s3, v3;
	v3 =	vld [tilespmem:s26+$0x70]  }
0x3f: {  	[tilespmem:s26+$0x20] =	vst v1;
	v1 =	vadd.s32 s3, v4;
	v4 =	vld [tilespmem:s26+$0x80]  }
0x40: {  	[tilespmem:s26+$0x30] =	vst v1;
	v1 =	vadd.s32 s3, v5;
	v5 =	vld [tilespmem:s26+$0x90]  }
0x41: {  	[tilespmem:s26+$0x40] =	vst v1;
	v1 =	vadd.s32 s3, v6;
	v6 =	vld [tilespmem:s26+$0xA0]  }
0x42: {  	[tilespmem:s26+$0x50] =	vst v1;
	v2 =	vadd.s32 s3, v2;
	v1 =	vld [tilespmem:s26+$0xB0]  }
0x43: {  	[tilespmem:s26+$0x60] =	vst v2;
	v3 =	vadd.s32 s3, v3;
	v2 =	vld [tilespmem:s26+$0xC0]  }
0x44: {  	[tilespmem:s26+$0x70] =	vst v3;
	v4 =	vadd.s32 s3, v4;
	v3 =	vld [tilespmem:s26+$0xD0]  }
0x45: {  	[tilespmem:s26+$0x80] =	vst v4;
	v5 =	vadd.s32 s3, v5;
	v4 =	vld [tilespmem:s26+$0xE0]  }
0x46: {  	s29 =	simm.s32 $0xF4240;
	s28 =	simm.s32 $0x0;
	s30 =	simm.s32 $0x3500;
	[tilespmem:s26+$0x90] =	vst v5;
	v6 =	vadd.s32 s3, v6;
	v5 =	vld [tilespmem:s26+$0xF0]  }
.LBB2_2:
0x47: {  	p1 =	sne.s32 s29, $0x17D7840;
	v7 =	vld [tilespmem:s26+$0xFFFFFFF0];
	[tilespmem:s26+$0xA0] =	vst v6;
	v1 =	vadd.s32 s28, v1;
	s30 =	sadd.s32 $0x200, s30  }
0x48: {  	v6 =	vld [tilespmem:s30+$0xFFFFFF00];
	[tilespmem:s26+$0xB0] =	vst v1;
	v1 =	vadd.s32 s28, v2  }
0x49: {  	v2 =	vld [tilespmem:s30+$0xFFFFFF10];
	[tilespmem:s26+$0xC0] =	vst v1;
	v1 =	vadd.s32 s28, v3  }
0x4a: {  	v3 =	vld [tilespmem:s30+$0xFFFFFF20];
	[tilespmem:s26+$0xD0] =	vst v1;
	v1 =	vadd.s32 s28, v4  }
0x4b: {  	v4 =	vld [tilespmem:s30+$0xFFFFFF30];
	[tilespmem:s26+$0xE0] =	vst v1;
	v1 =	vadd.s32 s28, v5  }
0x4c: {  	v5 =	vld [tilespmem:s30+$0xFFFFFF40];
	v7 =	vadd.s32 s28, v7;
	[tilespmem:s26+$0xF0] =	vst v1;
	s28 =	smov.u32 s29  }
0x4d: {  	v1 =	vadd.s32 s29, v6;
	v6 =	vld [tilespmem:s30+$0xFFFFFF50];
	[tilespmem:s26+$0xFFFFFFF0] =	vst v7;
	s26 =	smov.u32 s30  }
0x4e: {  	[tilespmem:s30+$0xFFFFFF00] =	vst v1;
	v1 =	vadd.s32 s29, v2;
	v2 =	vld [tilespmem:s30+$0xFFFFFF60]  }
0x4f: {  	[tilespmem:s30+$0xFFFFFF10] =	vst v1;
	v1 =	vadd.s32 s29, v3;
	v3 =	vld [tilespmem:s30+$0xFFFFFF70]  }
0x50: {  	[tilespmem:s30+$0xFFFFFF20] =	vst v1;
	v1 =	vadd.s32 s29, v4;
	v4 =	vld [tilespmem:s30+$0xFFFFFF80]  }
0x51: {  	[tilespmem:s30+$0xFFFFFF30] =	vst v1;
	v1 =	vadd.s32 s29, v5;
	v5 =	vld [tilespmem:s30+$0xFFFFFF90]  }
0x52: {  	[tilespmem:s30+$0xFFFFFF40] =	vst v1;
	v1 =	vadd.s32 s29, v6;
	v6 =	vld [tilespmem:s30+$0xFFFFFFA0]  }
0x53: {  	[tilespmem:s30+$0xFFFFFF50] =	vst v1;
	v1 =	vadd.s32 s29, v2;
	v2 =	vld [tilespmem:s30+$0xFFFFFFB0]  }
0x54: {  	[tilespmem:s30+$0xFFFFFF60] =	vst v1;
	v1 =	vadd.s32 s29, v3;
	v3 =	vld [tilespmem:s30+$0xFFFFFFC0]  }
0x55: {  	[tilespmem:s30+$0xFFFFFF70] =	vst v1;
	v1 =	vadd.s32 s29, v4;
	v4 =	vld [tilespmem:s30+$0xFFFFFFD0]  }
0x56: {  	[tilespmem:s30+$0xFFFFFF80] =	vst v1;
	v1 =	vadd.s32 s29, v5;
	v5 =	vld [tilespmem:s30+$0xFFFFFFE0]  }
0x57: {  	[tilespmem:s30+$0xFFFFFF90] =	vst v1;
	v1 =	vadd.s32 s29, v6;
	v6 =	vld [tilespmem:s30+$0x0]  }
0x58: {  	[tilespmem:s30+$0xFFFFFFA0] =	vst v1;
	v1 =	vadd.s32 s29, v2;
	v2 =	vld [tilespmem:s30+$0x10]  }
0x59: {  	[tilespmem:s30+$0xFFFFFFB0] =	vst v1;
	v1 =	vadd.s32 s29, v3;
	v3 =	vld [tilespmem:s30+$0x20]  }
0x5a: {  	[tilespmem:s30+$0xFFFFFFC0] =	vst v1;
	v1 =	vadd.s32 s29, v4;
	v4 =	vld [tilespmem:s30+$0x30]  }
0x5b: {  	[tilespmem:s30+$0xFFFFFFD0] =	vst v1;
	v1 =	vadd.s32 s29, v5;
	v5 =	vld [tilespmem:s30+$0x40]  }
0x5c: {  	[tilespmem:s30+$0xFFFFFFE0] =	vst v1;
	v1 =	vadd.s32 s29, v6;
	v6 =	vld [tilespmem:s30+$0x50]  }
0x5d: {  	[tilespmem:s30+$0x0] =	vst v1;
	v1 =	vadd.s32 s29, v2;
	v2 =	vld [tilespmem:s30+$0x60]  }
0x5e: {  	[tilespmem:s30+$0x10] =	vst v1;
	v1 =	vadd.s32 s29, v3;
	v3 =	vld [tilespmem:s30+$0x70]  }
0x5f: {  	[tilespmem:s30+$0x20] =	vst v1;
	v1 =	vadd.s32 s29, v4;
	v4 =	vld [tilespmem:s30+$0x80]  }
0x60: {  	[tilespmem:s30+$0x30] =	vst v1;
	v1 =	vadd.s32 s29, v5;
	v5 =	vld [tilespmem:s30+$0x90]  }
0x61: {  	[tilespmem:s30+$0x40] =	vst v1;
	v1 =	vadd.s32 s29, v6;
	v6 =	vld [tilespmem:s30+$0xA0]  }
.Ltmp2:
0x62: {  	[tilespmem:s30+$0x50] =	vst v1;
	v2 =	vadd.s32 s29, v2;
	v1 =	vld [tilespmem:s30+$0xB0];
	(pc) =	sbr.rel @p1 .LBB2_2-.Ltmp2, $4  }
0x63: {  	[tilespmem:s30+$0x60] =	vst v2;
	v3 =	vadd.s32 s29, v3;
	v2 =	vld [tilespmem:s30+$0xC0]  }
0x64: {  	[tilespmem:s30+$0x70] =	vst v3;
	v4 =	vadd.s32 s29, v4;
	v3 =	vld [tilespmem:s30+$0xD0]  }
0x65: {  	[tilespmem:s30+$0x80] =	vst v4;
	v5 =	vadd.s32 s29, v5;
	v4 =	vld [tilespmem:s30+$0xE0]  }
0x66: {  	s29 =	sadd.s32 $0xF4240, s29;
	[tilespmem:s30+$0x90] =	vst v5;
	v6 =	vadd.s32 s28, v6;
	v5 =	vld [tilespmem:s30+$0xF0]  }
0x67: {  	v7 =	vld [tilespmem:s26+$0xFFFFFFF0];
	[tilespmem:s26+$0xA0] =	vst v6;
	v1 =	vadd.s32 s28, v1  }
0x68: {  	[tilespmem:s26+$0xB0] =	vst v1;
	v1 =	vadd.s32 s28, v2  }
0x69: {  	[tilespmem:s26+$0xC0] =	vst v1;
	v1 =	vadd.s32 s28, v3  }
0x6a: {  	[tilespmem:s26+$0xD0] =	vst v1;
	v1 =	vadd.s32 s28, v4  }
0x6b: {  	[tilespmem:s26+$0xE0] =	vst v1;
	v1 =	vadd.s32 s28, v5  }
0x6c: {  	v2 =	vadd.s32 s28, v7;
	[tilespmem:s26+$0xF0] =	vst v1  }
0x6d: {  	[tilespmem:s26+$0xFFFFFFF0] =	vst v2  }
0x6e: {  	[tilespmem:s19], [sflag:$0x2] =	stream.indirect.gather [hbm4b:s4+s15], $0x1, s15, s15, $0xb8;
	[tilespmem:$0x10B00] =	vst v63  }
0x6f: {  	_ =	swait.ge [sflag:s20], $0x3400  }
0x70: {  	[sflag:s20] =	ssyncset.done $0x0  }
0x71: {  	s26 =	simm.s32 $0x6900;
	[sflag:s20] =	ssyncadd.s32 $0xFFFFCC00  }
0x72: {  	v1 =	vld [tilespmem:s26+$0xFFFFFF00]  }
0x73: {  	v2 =	vld [tilespmem:s26+$0xFFFFFF10]  }
0x74: {  	v3 =	vld [tilespmem:s26+$0xFFFFFF20]  }
0x75: {  	v4 =	vld [tilespmem:s26+$0xFFFFFF30]  }
0x76: {  	s28 =	simm.s32 $0x0;
	v5 =	vld [tilespmem:s26+$0xFFFFFF40]  }
0x77: {  	v6 =	vld [tilespmem:s26+$0xFFFFFF50];
	v1 =	vadd.s32 s28, v1  }
0x78: {  	[tilespmem:s26+$0xFFFFFF00] =	vst v1;
	v1 =	vadd.s32 s28, v2;
	v2 =	vld [tilespmem:s26+$0xFFFFFF60]  }
0x79: {  	[tilespmem:s26+$0xFFFFFF10] =	vst v1;
	v1 =	vadd.s32 s28, v3;
	v3 =	vld [tilespmem:s26+$0xFFFFFF70]  }
0x7a: {  	[tilespmem:s26+$0xFFFFFF20] =	vst v1;
	v1 =	vadd.s32 s28, v4;
	v4 =	vld [tilespmem:s26+$0xFFFFFF80]  }
0x7b: {  	[tilespmem:s26+$0xFFFFFF30] =	vst v1;
	v1 =	vadd.s32 s28, v5;
	v5 =	vld [tilespmem:s26+$0xFFFFFF90]  }
0x7c: {  	[tilespmem:s26+$0xFFFFFF40] =	vst v1;
	v1 =	vadd.s32 s28, v6;
	v6 =	vld [tilespmem:s26+$0xFFFFFFA0]  }
0x7d: {  	[tilespmem:s26+$0xFFFFFF50] =	vst v1;
	v1 =	vadd.s32 s28, v2;
	v2 =	vld [tilespmem:s26+$0xFFFFFFB0]  }
0x7e: {  	[tilespmem:s26+$0xFFFFFF60] =	vst v1;
	v1 =	vadd.s32 s28, v3;
	v3 =	vld [tilespmem:s26+$0xFFFFFFC0]  }
0x7f: {  	[tilespmem:s26+$0xFFFFFF70] =	vst v1;
	v1 =	vadd.s32 s28, v4;
	v4 =	vld [tilespmem:s26+$0xFFFFFFD0]  }
0x80: {  	[tilespmem:s26+$0xFFFFFF80] =	vst v1;
	v1 =	vadd.s32 s28, v5;
	v5 =	vld [tilespmem:s26+$0xFFFFFFE0]  }
0x81: {  	[tilespmem:s26+$0xFFFFFF90] =	vst v1;
	v1 =	vadd.s32 s28, v6;
	v6 =	vld [tilespmem:s26+$0x0]  }
0x82: {  	[tilespmem:s26+$0xFFFFFFA0] =	vst v1;
	v1 =	vadd.s32 s28, v2;
	v2 =	vld [tilespmem:s26+$0x10]  }
0x83: {  	[tilespmem:s26+$0xFFFFFFB0] =	vst v1;
	v1 =	vadd.s32 s28, v3;
	v3 =	vld [tilespmem:s26+$0x20]  }
0x84: {  	[tilespmem:s26+$0xFFFFFFC0] =	vst v1;
	v1 =	vadd.s32 s28, v4;
	v4 =	vld [tilespmem:s26+$0x30]  }
0x85: {  	[tilespmem:s26+$0xFFFFFFD0] =	vst v1;
	v1 =	vadd.s32 s28, v5;
	v5 =	vld [tilespmem:s26+$0x40]  }
0x86: {  	[tilespmem:s26+$0xFFFFFFE0] =	vst v1;
	v1 =	vadd.s32 s28, v6;
	v6 =	vld [tilespmem:s26+$0x50]  }
0x87: {  	[tilespmem:s26+$0x0] =	vst v1;
	v1 =	vadd.s32 s28, v2;
	v2 =	vld [tilespmem:s26+$0x60]  }
0x88: {  	[tilespmem:s26+$0x10] =	vst v1;
	v1 =	vadd.s32 s28, v3;
	v3 =	vld [tilespmem:s26+$0x70]  }
0x89: {  	[tilespmem:s26+$0x20] =	vst v1;
	v1 =	vadd.s32 s28, v4;
	v4 =	vld [tilespmem:s26+$0x80]  }
0x8a: {  	[tilespmem:s26+$0x30] =	vst v1;
	v1 =	vadd.s32 s28, v5;
	v5 =	vld [tilespmem:s26+$0x90]  }
0x8b: {  	[tilespmem:s26+$0x40] =	vst v1;
	v1 =	vadd.s32 s28, v6;
	v6 =	vld [tilespmem:s26+$0xA0]  }
0x8c: {  	[tilespmem:s26+$0x50] =	vst v1;
	v2 =	vadd.s32 s28, v2;
	v1 =	vld [tilespmem:s26+$0xB0]  }
0x8d: {  	[tilespmem:s26+$0x60] =	vst v2;
	v3 =	vadd.s32 s28, v3;
	v2 =	vld [tilespmem:s26+$0xC0]  }
0x8e: {  	[tilespmem:s26+$0x70] =	vst v3;
	v4 =	vadd.s32 s28, v4;
	v3 =	vld [tilespmem:s26+$0xD0]  }
0x8f: {  	[tilespmem:s26+$0x80] =	vst v4;
	v5 =	vadd.s32 s28, v5;
	v4 =	vld [tilespmem:s26+$0xE0]  }
0x90: {  	s29 =	simm.s32 $0xF4240;
	s30 =	simm.s32 $0x6900;
	[tilespmem:s26+$0x90] =	vst v5;
	v6 =	vadd.s32 s28, v6;
	v5 =	vld [tilespmem:s26+$0xF0]  }
.LBB2_4:
0x91: {  	p1 =	sne.s32 s29, $0x17D7840;
	v7 =	vld [tilespmem:s26+$0xFFFFFFF0];
	[tilespmem:s26+$0xA0] =	vst v6;
	v1 =	vadd.s32 s28, v1;
	s30 =	sadd.s32 $0x200, s30  }
0x92: {  	v6 =	vld [tilespmem:s30+$0xFFFFFF00];
	[tilespmem:s26+$0xB0] =	vst v1;
	v1 =	vadd.s32 s28, v2  }
0x93: {  	v2 =	vld [tilespmem:s30+$0xFFFFFF10];
	[tilespmem:s26+$0xC0] =	vst v1;
	v1 =	vadd.s32 s28, v3  }
0x94: {  	v3 =	vld [tilespmem:s30+$0xFFFFFF20];
	[tilespmem:s26+$0xD0] =	vst v1;
	v1 =	vadd.s32 s28, v4  }
0x95: {  	v4 =	vld [tilespmem:s30+$0xFFFFFF30];
	[tilespmem:s26+$0xE0] =	vst v1;
	v1 =	vadd.s32 s28, v5  }
0x96: {  	v5 =	vld [tilespmem:s30+$0xFFFFFF40];
	v7 =	vadd.s32 s28, v7;
	[tilespmem:s26+$0xF0] =	vst v1;
	s28 =	smov.u32 s29  }
0x97: {  	v1 =	vadd.s32 s29, v6;
	v6 =	vld [tilespmem:s30+$0xFFFFFF50];
	[tilespmem:s26+$0xFFFFFFF0] =	vst v7;
	s26 =	smov.u32 s30  }
0x98: {  	[tilespmem:s30+$0xFFFFFF00] =	vst v1;
	v1 =	vadd.s32 s29, v2;
	v2 =	vld [tilespmem:s30+$0xFFFFFF60]  }
0x99: {  	[tilespmem:s30+$0xFFFFFF10] =	vst v1;
	v1 =	vadd.s32 s29, v3;
	v3 =	vld [tilespmem:s30+$0xFFFFFF70]  }
0x9a: {  	[tilespmem:s30+$0xFFFFFF20] =	vst v1;
	v1 =	vadd.s32 s29, v4;
	v4 =	vld [tilespmem:s30+$0xFFFFFF80]  }
0x9b: {  	[tilespmem:s30+$0xFFFFFF30] =	vst v1;
	v1 =	vadd.s32 s29, v5;
	v5 =	vld [tilespmem:s30+$0xFFFFFF90]  }
0x9c: {  	[tilespmem:s30+$0xFFFFFF40] =	vst v1;
	v1 =	vadd.s32 s29, v6;
	v6 =	vld [tilespmem:s30+$0xFFFFFFA0]  }
0x9d: {  	[tilespmem:s30+$0xFFFFFF50] =	vst v1;
	v1 =	vadd.s32 s29, v2;
	v2 =	vld [tilespmem:s30+$0xFFFFFFB0]  }
0x9e: {  	[tilespmem:s30+$0xFFFFFF60] =	vst v1;
	v1 =	vadd.s32 s29, v3;
	v3 =	vld [tilespmem:s30+$0xFFFFFFC0]  }
0x9f: {  	[tilespmem:s30+$0xFFFFFF70] =	vst v1;
	v1 =	vadd.s32 s29, v4;
	v4 =	vld [tilespmem:s30+$0xFFFFFFD0]  }
0xa0: {  	[tilespmem:s30+$0xFFFFFF80] =	vst v1;
	v1 =	vadd.s32 s29, v5;
	v5 =	vld [tilespmem:s30+$0xFFFFFFE0]  }
0xa1: {  	[tilespmem:s30+$0xFFFFFF90] =	vst v1;
	v1 =	vadd.s32 s29, v6;
	v6 =	vld [tilespmem:s30+$0x0]  }
0xa2: {  	[tilespmem:s30+$0xFFFFFFA0] =	vst v1;
	v1 =	vadd.s32 s29, v2;
	v2 =	vld [tilespmem:s30+$0x10]  }
0xa3: {  	[tilespmem:s30+$0xFFFFFFB0] =	vst v1;
	v1 =	vadd.s32 s29, v3;
	v3 =	vld [tilespmem:s30+$0x20]  }
0xa4: {  	[tilespmem:s30+$0xFFFFFFC0] =	vst v1;
	v1 =	vadd.s32 s29, v4;
	v4 =	vld [tilespmem:s30+$0x30]  }
0xa5: {  	[tilespmem:s30+$0xFFFFFFD0] =	vst v1;
	v1 =	vadd.s32 s29, v5;
	v5 =	vld [tilespmem:s30+$0x40]  }
0xa6: {  	[tilespmem:s30+$0xFFFFFFE0] =	vst v1;
	v1 =	vadd.s32 s29, v6;
	v6 =	vld [tilespmem:s30+$0x50]  }
0xa7: {  	[tilespmem:s30+$0x0] =	vst v1;
	v1 =	vadd.s32 s29, v2;
	v2 =	vld [tilespmem:s30+$0x60]  }
0xa8: {  	[tilespmem:s30+$0x10] =	vst v1;
	v1 =	vadd.s32 s29, v3;
	v3 =	vld [tilespmem:s30+$0x70]  }
0xa9: {  	[tilespmem:s30+$0x20] =	vst v1;
	v1 =	vadd.s32 s29, v4;
	v4 =	vld [tilespmem:s30+$0x80]  }
0xaa: {  	[tilespmem:s30+$0x30] =	vst v1;
	v1 =	vadd.s32 s29, v5;
	v5 =	vld [tilespmem:s30+$0x90]  }
0xab: {  	[tilespmem:s30+$0x40] =	vst v1;
	v1 =	vadd.s32 s29, v6;
	v6 =	vld [tilespmem:s30+$0xA0]  }
.Ltmp3:
0xac: {  	[tilespmem:s30+$0x50] =	vst v1;
	v2 =	vadd.s32 s29, v2;
	v1 =	vld [tilespmem:s30+$0xB0];
	(pc) =	sbr.rel @p1 .LBB2_4-.Ltmp3, $4  }
0xad: {  	[tilespmem:s30+$0x60] =	vst v2;
	v3 =	vadd.s32 s29, v3;
	v2 =	vld [tilespmem:s30+$0xC0]  }
0xae: {  	[tilespmem:s30+$0x70] =	vst v3;
	v4 =	vadd.s32 s29, v4;
	v3 =	vld [tilespmem:s30+$0xD0]  }
0xaf: {  	[tilespmem:s30+$0x80] =	vst v4;
	v5 =	vadd.s32 s29, v5;
	v4 =	vld [tilespmem:s30+$0xE0]  }
0xb0: {  	s29 =	sadd.s32 $0xF4240, s29;
	[tilespmem:s30+$0x90] =	vst v5;
	v6 =	vadd.s32 s28, v6;
	v5 =	vld [tilespmem:s30+$0xF0]  }
0xb1: {  	v7 =	vld [tilespmem:s26+$0xFFFFFFF0];
	[tilespmem:s26+$0xA0] =	vst v6;
	v1 =	vadd.s32 s28, v1  }
0xb2: {  	[tilespmem:s26+$0xB0] =	vst v1;
	v1 =	vadd.s32 s28, v2  }
0xb3: {  	[tilespmem:s26+$0xC0] =	vst v1;
	v1 =	vadd.s32 s28, v3  }
0xb4: {  	[tilespmem:s26+$0xD0] =	vst v1;
	v1 =	vadd.s32 s28, v4  }
0xb5: {  	[tilespmem:s26+$0xE0] =	vst v1;
	v1 =	vadd.s32 s28, v5  }
0xb6: {  	v2 =	vadd.s32 s28, v7;
	[tilespmem:s26+$0xF0] =	vst v1  }
0xb7: {  	[tilespmem:s26+$0xFFFFFFF0] =	vst v2  }
0xb8: {  	[tilespmem:s21], [sflag:$0x3] =	stream.indirect.gather [hbm4b:s4+s15], $0x1, s16, s15, $0xb8;
	[tilespmem:$0x10B00] =	vst v63  }
0xb9: {  	v1 =	vld [tilespmem:$0x10600];
	_ =	sdelay $0x3  }
0xba: {  	[tilespmem:$0x10400] =	vst v0  }
0xbb: {  	[tilespmem:$0x10410] =	vst v0;
	v1 =	vmul.f32 $-5.000000000e+00, v1  }
0xbc: {  	[tilespmem:$0x10420] =	vst v0  }
0xbd: {  	[tilespmem:$0x10430] =	vst v0;
	v1 =	vmul.f32 $1.442695020e+00, v1  }
0xbe: {  	[tilespmem:$0x10440] =	vst v0  }
0xbf: {  	[tilespmem:$0x10450] =	vst v0;
	(erf) = vpow2.f32 v1  }
0xc0: {  	[tilespmem:$0x10460] =	vst v0  }
0xc1: {  	[tilespmem:$0x10470] =	vst v0  }
0xc2: {  	[tilespmem:$0x10480] =	vst v0  }
0xc3: {  	[tilespmem:$0x10490] =	vst v0  }
0xc4: {  	[tilespmem:$0x104A0] =	vst v0  }
0xc5: {  	[tilespmem:$0x104B0] =	vst v0  }
0xc6: {  	[tilespmem:$0x104C0] =	vst v0  }
0xc7: {  	[tilespmem:$0x104D0] =	vst v0  }
0xc8: {  	[tilespmem:$0x104E0] =	vst v0;
	v1 =	vpop (erf)  }
0xc9: {  	[tilespmem:$0x104F0] =	vst v0;
	v1 =	vadd.f32 $1.000000000e+00, v1  }
0xca: {  	[tilespmem:$0x10500] =	vst v0  }
0xcb: {  	[tilespmem:$0x10510] =	vst v0;
	(erf) = vrcp.f32 v1  }
0xcc: {  	[tilespmem:$0x10520] =	vst v0  }
0xcd: {  	[tilespmem:$0x10530] =	vst v0  }
0xce: {  	[tilespmem:$0x10540] =	vst v0  }
0xcf: {  	[tilespmem:$0x10550] =	vst v0  }
0xd0: {  	[tilespmem:$0x10560] =	vst v0  }
0xd1: {  	[tilespmem:$0x10570] =	vst v0;
	v2 =	vld [tilespmem:$0x10680]  }
0xd2: {  	[tilespmem:$0x10580] =	vst v0;
	v4 =	vld [tilespmem:$0x10610]  }
0xd3: {  	[tilespmem:$0x10590] =	vst v0  }
0xd4: {  	[tilespmem:$0x105A0] =	vst v0;
	v1 =	vpop (erf)  }
0xd5: {  	[tilespmem:$0x105B0] =	vst v0;
	v3 =	vsub.f32 $1.000000000e+00, v1  }
0xd6: {  	[tilespmem:$0x105C0] =	vst v0;
	v5 =	vmul.f32 v1, v2  }
0xd7: {  	[tilespmem:$0x105D0] =	vst v0;
	v4 =	vmul.f32 $-5.000000000e+00, v4;
	v3 =	vmul.f32 v3, v2  }
0xd8: {  	[tilespmem:$0x105E0] =	vst v0;
	v2 =	vbroadcast v5, $0x0  }
0xd9: {  	[tilespmem:$0x105F0] =	vst v0;
	v4 =	vmul.f32 $1.442695020e+00, v4;
	v6 =	vbroadcast v3, $0x0  }
0xda: {  	[tilespmem:$0x10700] =	vst v2;
	v2 =	vbroadcast v5, $0x1  }
0xdb: {  	(erf) = vpow2.f32 v4;
	v4 =	vbroadcast v3, $0x3;
	[tilespmem:$0x10900] =	vst v6  }
0xdc: {  	[tilespmem:$0x10710] =	vst v2;
	v2 =	vbroadcast v5, $0x2  }
0xdd: {  	v6 =	vbroadcast v3, $0x1;
	[tilespmem:$0x10930] =	vst v4  }
0xde: {  	[tilespmem:$0x10720] =	vst v2;
	v2 =	vbroadcast v5, $0x3  }
0xdf: {  	v4 =	vbroadcast v3, $0x4;
	[tilespmem:$0x10910] =	vst v6  }
0xe0: {  	[tilespmem:$0x10730] =	vst v2;
	v2 =	vbroadcast v5, $0x4  }
0xe1: {  	v6 =	vbroadcast v3, $0x2;
	[tilespmem:$0x10940] =	vst v4  }
0xe2: {  	[tilespmem:$0x10740] =	vst v2;
	v2 =	vbroadcast v5, $0x5  }
0xe3: {  	v4 =	vbroadcast v3, $0x5;
	[tilespmem:$0x10920] =	vst v6  }
0xe4: {  	[tilespmem:$0x10750] =	vst v2;
	v2 =	vbroadcast v5, $0x6  }
0xe5: {  	[tilespmem:$0x10950] =	vst v4;
	v4 =	vbroadcast v3, $0x6  }
0xe6: {  	[tilespmem:$0x10760] =	vst v2;
	v2 =	vbroadcast v5, $0x7  }
0xe7: {  	[tilespmem:$0x10960] =	vst v4;
	v4 =	vbroadcast v3, $0x7  }
0xe8: {  	v6 =	vpop (erf);
	[tilespmem:$0x10770] =	vst v2;
	v2 =	vbroadcast v5, $0x8  }
0xe9: {  	v6 =	vadd.f32 $1.000000000e+00, v6;
	[tilespmem:$0x10970] =	vst v4;
	v4 =	vbroadcast v3, $0x8  }
0xea: {  	[tilespmem:$0x10780] =	vst v2;
	v2 =	vbroadcast v5, $0x9  }
0xeb: {  	(erf) = vrcp.f32 v6;
	[tilespmem:$0x10980] =	vst v4;
	v4 =	vbroadcast v3, $0x9  }
0xec: {  	[tilespmem:$0x10790] =	vst v2;
	v2 =	vbroadcast v5, $0xA  }
0xed: {  	[tilespmem:$0x10990] =	vst v4;
	v4 =	vbroadcast v3, $0xA  }
0xee: {  	[tilespmem:$0x107A0] =	vst v2;
	v2 =	vbroadcast v5, $0xB  }
0xef: {  	[tilespmem:$0x109A0] =	vst v4;
	v4 =	vbroadcast v3, $0xB  }
0xf0: {  	v7 =	vbroadcast v5, $0xD;
	[tilespmem:$0x107B0] =	vst v2;
	v2 =	vbroadcast v5, $0xC  }
0xf1: {  	v6 =	vld [tilespmem:$0x10690];
	[tilespmem:$0x109B0] =	vst v4;
	v4 =	vbroadcast v3, $0xC  }
0xf2: {  	[tilespmem:$0x107D0] =	vst v7  }
0xf3: {  	[tilespmem:$0x109C0] =	vst v4;
	v4 =	vbroadcast v3, $0xD  }
0xf4: {  	v7 =	vbroadcast v5, $0xE;
	[tilespmem:$0x107C0] =	vst v2;
	v2 =	vpop (erf)  }
0xf5: {  	[tilespmem:$0x109D0] =	vst v4;
	v4 =	vbroadcast v3, $0xE;
	v8 =	vsub.f32 $1.000000000e+00, v2  }
0xf6: {  	[tilespmem:$0x107E0] =	vst v7;
	v5 =	vbroadcast v5, $0xF;
	v9 =	vmul.f32 v2, v6  }
0xf7: {  	v3 =	vbroadcast v3, $0xF;
	[tilespmem:$0x109E0] =	vst v4;
	v6 =	vmul.f32 v8, v6  }
0xf8: {  	[tilespmem:$0x107F0] =	vst v5;
	v4 =	vbroadcast v9, $0x0  }
0xf9: {  	[tilespmem:$0x109F0] =	vst v3;
	v3 =	vbroadcast v6, $0x0  }
0xfa: {  	[tilespmem:$0x10800] =	vst v4;
	v4 =	vbroadcast v9, $0x1  }
0xfb: {  	[tilespmem:$0x10A00] =	vst v3;
	v3 =	vbroadcast v6, $0x1  }
0xfc: {  	[tilespmem:$0x10810] =	vst v4;
	v4 =	vbroadcast v9, $0x2  }
0xfd: {  	[tilespmem:$0x10A10] =	vst v3;
	v3 =	vbroadcast v6, $0x2  }
0xfe: {  	[tilespmem:$0x10820] =	vst v4;
	v4 =	vbroadcast v9, $0x3  }
0xff: {  	[tilespmem:$0x10A20] =	vst v3;
	v3 =	vbroadcast v6, $0x3  }
0x100: {  	[tilespmem:$0x10830] =	vst v4;
	v4 =	vbroadcast v9, $0x4  }
0x101: {  	[tilespmem:$0x10A30] =	vst v3;
	v3 =	vbroadcast v6, $0x4  }
0x102: {  	[tilespmem:$0x10840] =	vst v4;
	v4 =	vbroadcast v9, $0x5  }
0x103: {  	[tilespmem:$0x10A40] =	vst v3;
	v3 =	vbroadcast v6, $0x5  }
0x104: {  	[tilespmem:$0x10850] =	vst v4;
	v4 =	vbroadcast v9, $0x6  }
0x105: {  	[tilespmem:$0x10A50] =	vst v3;
	v3 =	vbroadcast v6, $0x6  }
0x106: {  	[tilespmem:$0x10860] =	vst v4;
	v4 =	vbroadcast v9, $0x7  }
0x107: {  	[tilespmem:$0x10A60] =	vst v3;
	v3 =	vbroadcast v6, $0x7  }
0x108: {  	[tilespmem:$0x10870] =	vst v4;
	v4 =	vbroadcast v9, $0x8  }
0x109: {  	[tilespmem:$0x10A70] =	vst v3;
	v3 =	vbroadcast v6, $0x8  }
0x10a: {  	[tilespmem:$0x10880] =	vst v4;
	v4 =	vbroadcast v9, $0x9  }
0x10b: {  	[tilespmem:$0x10A80] =	vst v3;
	v3 =	vbroadcast v6, $0x9  }
0x10c: {  	[tilespmem:$0x10890] =	vst v4  }
0x10d: {  	[tilespmem:$0x10A90] =	vst v3  }
0x10e: {  	_ =	swait.ge [sflag:s22], $0x3400  }
0x10f: {  	[sflag:s22] =	ssyncset.done $0x0  }
0x110: {  	[sflag:s22] =	ssyncadd.s32 $0xFFFFCC00  }
0x111: {  	_ =	swait.ge [sflag:s23], $0x3400  }
0x112: {  	[sflag:s23] =	ssyncset.done $0x0  }
0x113: {  	[sflag:s23] =	ssyncadd.s32 $0xFFFFCC00  }
0x114: {  	v3 =	vld [tilespmem:$0x10400]  }
0x115: {  	v4 =	vld [tilespmem:$0x10410]  }
0x116: {  	v5 =	vld [tilespmem:$0x10420]  }
0x117: {  	v6 =	vld [tilespmem:$0x10430]  }
0x118: {  	v7 =	vld [tilespmem:$0x10440]  }
0x119: {  	v8 =	vld [tilespmem:$0x10450]  }
0x11a: {  	v9 =	vld [tilespmem:$0x10460]  }
0x11b: {  	v10 =	vld [tilespmem:$0x10470]  }
0x11c: {  	v11 =	vld [tilespmem:$0x10480]  }
0x11d: {  	v12 =	vld [tilespmem:$0x10490]  }
0x11e: {  	v13 =	vld [tilespmem:$0x104A0]  }
0x11f: {  	v14 =	vld [tilespmem:$0x104B0]  }
0x120: {  	v15 =	vld [tilespmem:$0x104C0]  }
0x121: {  	v16 =	vld [tilespmem:$0x104D0]  }
0x122: {  	v17 =	vld [tilespmem:$0x104E0]  }
0x123: {  	v18 =	vld [tilespmem:$0x104F0]  }
0x124: {  	v19 =	vld [tilespmem:$0x10500]  }
0x125: {  	v20 =	vld [tilespmem:$0x10510]  }
0x126: {  	v21 =	vld [tilespmem:$0x10520]  }
0x127: {  	v22 =	vld [tilespmem:$0x10530]  }
0x128: {  	v23 =	vld [tilespmem:$0x10540]  }
0x129: {  	v24 =	vld [tilespmem:$0x10550]  }
0x12a: {  	v25 =	vld [tilespmem:$0x10560]  }
0x12b: {  	v26 =	vld [tilespmem:$0x10570]  }
0x12c: {  	v27 =	vld [tilespmem:$0x10580]  }
0x12d: {  	v28 =	vld [tilespmem:$0x10590]  }
0x12e: {  	v29 =	vld [tilespmem:$0x105A0]  }
0x12f: {  	v30 =	vld [tilespmem:$0x105B0]  }
0x130: {  	v31 =	vld [tilespmem:$0x105C0]  }
0x131: {  	v32 =	vld [tilespmem:$0x105D0]  }
0x132: {  	v33 =	vld [tilespmem:$0x105E0]  }
0x133: {  	s29 =	simm.s32 $0x9D00;
	s28 =	simm.s32 $0xD100;
	s26 =	simm.s32 $0x0;
	v34 =	vld [tilespmem:$0x105F0]  }
.LBB2_6:
0x134: {  	s30 =	sshra.s32 s26, $0x2;
	v37 =	vld [tilespmem:s29+$0xFFFFFF00]  }
0x135: {  	v35 =	vld [tilespmem:s30+$0x10700]  }
0x136: {  	v38 =	vld [tilespmem:s28+$0xFFFFFF00]  }
0x137: {  	v36 =	vld [tilespmem:s30+$0x10900];
	_ =	sdelay $0x2  }
0x138: {  	v37 =	vmul.f32 v37, v35;
	_ =	sdelay $0x1  }
0x139: {  	v42 =	vmul.f32 v38, v36;
	v3 =	vadd.f32 v37, v3;
	_ =	sdelay $0x1  }
0x13a: {  	v3 =	vadd.f32 v42, v3;
	_ =	sdelay $0x1  }
0x13b: {  	[tilespmem:$0x10400] =	vst v3  }
0x13c: {  	v43 =	vld [tilespmem:s29+$0xFFFFFF10];
	_ =	sdelay $0x1  }
0x13d: {  	v44 =	vld [tilespmem:s28+$0xFFFFFF10];
	_ =	sdelay $0x2  }
0x13e: {  	v37 =	vmul.f32 v43, v35;
	_ =	sdelay $0x1  }
0x13f: {  	v45 =	vmul.f32 v44, v36;
	v4 =	vadd.f32 v37, v4;
	_ =	sdelay $0x1  }
0x140: {  	v4 =	vadd.f32 v45, v4;
	_ =	sdelay $0x1  }
0x141: {  	[tilespmem:$0x10410] =	vst v4  }
0x142: {  	v46 =	vld [tilespmem:s29+$0xFFFFFF20];
	_ =	sdelay $0x1  }
0x143: {  	v47 =	vld [tilespmem:s28+$0xFFFFFF20];
	_ =	sdelay $0x2  }
0x144: {  	v37 =	vmul.f32 v46, v35;
	_ =	sdelay $0x1  }
0x145: {  	v48 =	vmul.f32 v47, v36;
	v5 =	vadd.f32 v37, v5;
	_ =	sdelay $0x1  }
0x146: {  	v5 =	vadd.f32 v48, v5;
	_ =	sdelay $0x1  }
0x147: {  	[tilespmem:$0x10420] =	vst v5  }
0x148: {  	v49 =	vld [tilespmem:s29+$0xFFFFFF30];
	_ =	sdelay $0x1  }
0x149: {  	v50 =	vld [tilespmem:s28+$0xFFFFFF30];
	_ =	sdelay $0x2  }
0x14a: {  	v37 =	vmul.f32 v49, v35;
	_ =	sdelay $0x1  }
0x14b: {  	v51 =	vmul.f32 v50, v36;
	v6 =	vadd.f32 v37, v6;
	_ =	sdelay $0x1  }
0x14c: {  	v6 =	vadd.f32 v51, v6;
	_ =	sdelay $0x1  }
0x14d: {  	[tilespmem:$0x10430] =	vst v6  }
0x14e: {  	v52 =	vld [tilespmem:s29+$0xFFFFFF40];
	_ =	sdelay $0x1  }
0x14f: {  	v53 =	vld [tilespmem:s28+$0xFFFFFF40];
	_ =	sdelay $0x2  }
0x150: {  	v37 =	vmul.f32 v52, v35;
	_ =	sdelay $0x1  }
0x151: {  	v54 =	vmul.f32 v53, v36;
	v7 =	vadd.f32 v37, v7;
	_ =	sdelay $0x1  }
0x152: {  	v7 =	vadd.f32 v54, v7;
	_ =	sdelay $0x1  }
0x153: {  	[tilespmem:$0x10440] =	vst v7  }
0x154: {  	v55 =	vld [tilespmem:s29+$0xFFFFFF50];
	_ =	sdelay $0x1  }
0x155: {  	v56 =	vld [tilespmem:s28+$0xFFFFFF50];
	_ =	sdelay $0x2  }
0x156: {  	v37 =	vmul.f32 v55, v35;
	_ =	sdelay $0x1  }
0x157: {  	v57 =	vmul.f32 v56, v36;
	v8 =	vadd.f32 v37, v8;
	_ =	sdelay $0x1  }
0x158: {  	v8 =	vadd.f32 v57, v8;
	_ =	sdelay $0x1  }
0x159: {  	[tilespmem:$0x10450] =	vst v8  }
0x15a: {  	v58 =	vld [tilespmem:s29+$0xFFFFFF60];
	_ =	sdelay $0x1  }
0x15b: {  	v59 =	vld [tilespmem:s28+$0xFFFFFF60];
	_ =	sdelay $0x2  }
0x15c: {  	v37 =	vmul.f32 v58, v35;
	_ =	sdelay $0x1  }
0x15d: {  	v60 =	vmul.f32 v59, v36;
	v9 =	vadd.f32 v37, v9;
	_ =	sdelay $0x1  }
0x15e: {  	v9 =	vadd.f32 v60, v9;
	_ =	sdelay $0x1  }
0x15f: {  	[tilespmem:$0x10460] =	vst v9  }
0x160: {  	v61 =	vld [tilespmem:s29+$0xFFFFFF70];
	_ =	sdelay $0x1  }
0x161: {  	v62 =	vld [tilespmem:s28+$0xFFFFFF70];
	_ =	sdelay $0x2  }
0x162: {  	v37 =	vmul.f32 v61, v35;
	_ =	sdelay $0x1  }
0x163: {  	v63 =	vmul.f32 v62, v36;
	v10 =	vadd.f32 v37, v10;
	_ =	sdelay $0x1  }
0x164: {  	v10 =	vadd.f32 v63, v10;
	_ =	sdelay $0x1  }
0x165: {  	[tilespmem:$0x10470] =	vst v10  }
0x166: {  	v40 =	vld [tilespmem:s29+$0xFFFFFF80];
	_ =	sdelay $0x1  }
0x167: {  	v41 =	vld [tilespmem:s28+$0xFFFFFF80];
	_ =	sdelay $0x2  }
0x168: {  	v37 =	vmul.f32 v40, v35;
	_ =	sdelay $0x1  }
0x169: {  	v42 =	vmul.f32 v41, v36;
	v11 =	vadd.f32 v37, v11;
	_ =	sdelay $0x1  }
0x16a: {  	v11 =	vadd.f32 v42, v11;
	_ =	sdelay $0x1  }
0x16b: {  	[tilespmem:$0x10480] =	vst v11  }
0x16c: {  	v43 =	vld [tilespmem:s29+$0xFFFFFF90];
	_ =	sdelay $0x1  }
0x16d: {  	v44 =	vld [tilespmem:s28+$0xFFFFFF90];
	_ =	sdelay $0x2  }
0x16e: {  	v37 =	vmul.f32 v43, v35;
	_ =	sdelay $0x1  }
0x16f: {  	v45 =	vmul.f32 v44, v36;
	v12 =	vadd.f32 v37, v12;
	_ =	sdelay $0x1  }
0x170: {  	v12 =	vadd.f32 v45, v12;
	_ =	sdelay $0x1  }
0x171: {  	[tilespmem:$0x10490] =	vst v12  }
0x172: {  	v46 =	vld [tilespmem:s29+$0xFFFFFFA0];
	_ =	sdelay $0x1  }
0x173: {  	v47 =	vld [tilespmem:s28+$0xFFFFFFA0];
	_ =	sdelay $0x2  }
0x174: {  	v37 =	vmul.f32 v46, v35;
	_ =	sdelay $0x1  }
0x175: {  	v48 =	vmul.f32 v47, v36;
	v13 =	vadd.f32 v37, v13;
	_ =	sdelay $0x1  }
0x176: {  	v13 =	vadd.f32 v48, v13;
	_ =	sdelay $0x1  }
0x177: {  	[tilespmem:$0x104A0] =	vst v13  }
0x178: {  	v49 =	vld [tilespmem:s29+$0xFFFFFFB0];
	_ =	sdelay $0x1  }
0x179: {  	v50 =	vld [tilespmem:s28+$0xFFFFFFB0];
	_ =	sdelay $0x2  }
0x17a: {  	v37 =	vmul.f32 v49, v35;
	_ =	sdelay $0x1  }
0x17b: {  	v51 =	vmul.f32 v50, v36;
	v14 =	vadd.f32 v37, v14;
	_ =	sdelay $0x1  }
0x17c: {  	v14 =	vadd.f32 v51, v14;
	_ =	sdelay $0x1  }
0x17d: {  	[tilespmem:$0x104B0] =	vst v14  }
0x17e: {  	v52 =	vld [tilespmem:s29+$0xFFFFFFC0];
	_ =	sdelay $0x1  }
0x17f: {  	v53 =	vld [tilespmem:s28+$0xFFFFFFC0];
	_ =	sdelay $0x2  }
0x180: {  	v37 =	vmul.f32 v52, v35;
	_ =	sdelay $0x1  }
0x181: {  	v54 =	vmul.f32 v53, v36;
	v15 =	vadd.f32 v37, v15;
	_ =	sdelay $0x1  }
0x182: {  	v15 =	vadd.f32 v54, v15;
	_ =	sdelay $0x1  }
0x183: {  	[tilespmem:$0x104C0] =	vst v15  }
0x184: {  	v55 =	vld [tilespmem:s29+$0xFFFFFFD0];
	_ =	sdelay $0x1  }
0x185: {  	v56 =	vld [tilespmem:s28+$0xFFFFFFD0];
	_ =	sdelay $0x2  }
0x186: {  	v37 =	vmul.f32 v55, v35;
	_ =	sdelay $0x1  }
0x187: {  	v57 =	vmul.f32 v56, v36;
	v16 =	vadd.f32 v37, v16;
	_ =	sdelay $0x1  }
0x188: {  	v16 =	vadd.f32 v57, v16;
	_ =	sdelay $0x1  }
0x189: {  	[tilespmem:$0x104D0] =	vst v16  }
0x18a: {  	v58 =	vld [tilespmem:s29+$0xFFFFFFE0];
	_ =	sdelay $0x1  }
0x18b: {  	v59 =	vld [tilespmem:s28+$0xFFFFFFE0];
	_ =	sdelay $0x2  }
0x18c: {  	v37 =	vmul.f32 v58, v35;
	_ =	sdelay $0x1  }
0x18d: {  	v60 =	vmul.f32 v59, v36;
	v17 =	vadd.f32 v37, v17;
	_ =	sdelay $0x1  }
0x18e: {  	v17 =	vadd.f32 v60, v17;
	_ =	sdelay $0x1  }
0x18f: {  	[tilespmem:$0x104E0] =	vst v17  }
0x190: {  	v61 =	vld [tilespmem:s29+$0xFFFFFFF0];
	_ =	sdelay $0x1  }
0x191: {  	v62 =	vld [tilespmem:s28+$0xFFFFFFF0];
	_ =	sdelay $0x2  }
0x192: {  	v37 =	vmul.f32 v61, v35;
	_ =	sdelay $0x1  }
0x193: {  	v63 =	vmul.f32 v62, v36;
	v18 =	vadd.f32 v37, v18;
	_ =	sdelay $0x1  }
0x194: {  	v18 =	vadd.f32 v63, v18;
	_ =	sdelay $0x1  }
0x195: {  	[tilespmem:$0x104F0] =	vst v18  }
0x196: {  	v40 =	vld [tilespmem:s29+$0x0];
	_ =	sdelay $0x1  }
0x197: {  	v41 =	vld [tilespmem:s28+$0x0];
	_ =	sdelay $0x2  }
0x198: {  	v37 =	vmul.f32 v40, v35;
	_ =	sdelay $0x1  }
0x199: {  	v42 =	vmul.f32 v41, v36;
	v19 =	vadd.f32 v37, v19;
	_ =	sdelay $0x1  }
0x19a: {  	v19 =	vadd.f32 v42, v19;
	_ =	sdelay $0x1  }
0x19b: {  	[tilespmem:$0x10500] =	vst v19  }
0x19c: {  	v43 =	vld [tilespmem:s29+$0x10];
	_ =	sdelay $0x1  }
0x19d: {  	v44 =	vld [tilespmem:s28+$0x10];
	_ =	sdelay $0x2  }
0x19e: {  	v37 =	vmul.f32 v43, v35;
	_ =	sdelay $0x1  }
0x19f: {  	v45 =	vmul.f32 v44, v36;
	v20 =	vadd.f32 v37, v20;
	_ =	sdelay $0x1  }
0x1a0: {  	v20 =	vadd.f32 v45, v20;
	_ =	sdelay $0x1  }
0x1a1: {  	[tilespmem:$0x10510] =	vst v20  }
0x1a2: {  	v46 =	vld [tilespmem:s29+$0x20];
	_ =	sdelay $0x1  }
0x1a3: {  	v47 =	vld [tilespmem:s28+$0x20];
	_ =	sdelay $0x2  }
0x1a4: {  	v37 =	vmul.f32 v46, v35;
	_ =	sdelay $0x1  }
0x1a5: {  	v48 =	vmul.f32 v47, v36;
	v21 =	vadd.f32 v37, v21;
	_ =	sdelay $0x1  }
0x1a6: {  	v21 =	vadd.f32 v48, v21;
	_ =	sdelay $0x1  }
0x1a7: {  	[tilespmem:$0x10520] =	vst v21  }
0x1a8: {  	v49 =	vld [tilespmem:s29+$0x30];
	_ =	sdelay $0x1  }
0x1a9: {  	v50 =	vld [tilespmem:s28+$0x30];
	_ =	sdelay $0x2  }
0x1aa: {  	v37 =	vmul.f32 v49, v35;
	_ =	sdelay $0x1  }
0x1ab: {  	v51 =	vmul.f32 v50, v36;
	v22 =	vadd.f32 v37, v22;
	_ =	sdelay $0x1  }
0x1ac: {  	v22 =	vadd.f32 v51, v22;
	_ =	sdelay $0x1  }
0x1ad: {  	[tilespmem:$0x10530] =	vst v22  }
0x1ae: {  	v52 =	vld [tilespmem:s29+$0x40];
	_ =	sdelay $0x1  }
0x1af: {  	v53 =	vld [tilespmem:s28+$0x40];
	_ =	sdelay $0x2  }
0x1b0: {  	v37 =	vmul.f32 v52, v35;
	_ =	sdelay $0x1  }
0x1b1: {  	v54 =	vmul.f32 v53, v36;
	v23 =	vadd.f32 v37, v23;
	_ =	sdelay $0x1  }
0x1b2: {  	v23 =	vadd.f32 v54, v23;
	_ =	sdelay $0x1  }
0x1b3: {  	[tilespmem:$0x10540] =	vst v23  }
0x1b4: {  	v55 =	vld [tilespmem:s29+$0x50];
	_ =	sdelay $0x1  }
0x1b5: {  	v56 =	vld [tilespmem:s28+$0x50];
	_ =	sdelay $0x2  }
0x1b6: {  	v37 =	vmul.f32 v55, v35;
	_ =	sdelay $0x1  }
0x1b7: {  	v57 =	vmul.f32 v56, v36;
	v24 =	vadd.f32 v37, v24;
	_ =	sdelay $0x1  }
0x1b8: {  	v24 =	vadd.f32 v57, v24;
	_ =	sdelay $0x1  }
0x1b9: {  	[tilespmem:$0x10550] =	vst v24  }
0x1ba: {  	v58 =	vld [tilespmem:s29+$0x60];
	_ =	sdelay $0x1  }
0x1bb: {  	v59 =	vld [tilespmem:s28+$0x60];
	_ =	sdelay $0x2  }
0x1bc: {  	v37 =	vmul.f32 v58, v35;
	_ =	sdelay $0x1  }
0x1bd: {  	v60 =	vmul.f32 v59, v36;
	v25 =	vadd.f32 v37, v25;
	_ =	sdelay $0x1  }
0x1be: {  	v25 =	vadd.f32 v60, v25;
	_ =	sdelay $0x1  }
0x1bf: {  	[tilespmem:$0x10560] =	vst v25  }
0x1c0: {  	v61 =	vld [tilespmem:s29+$0x70];
	_ =	sdelay $0x1  }
0x1c1: {  	v62 =	vld [tilespmem:s28+$0x70];
	_ =	sdelay $0x2  }
0x1c2: {  	v37 =	vmul.f32 v61, v35;
	_ =	sdelay $0x1  }
0x1c3: {  	v63 =	vmul.f32 v62, v36;
	v26 =	vadd.f32 v37, v26;
	_ =	sdelay $0x1  }
0x1c4: {  	v26 =	vadd.f32 v63, v26;
	_ =	sdelay $0x1  }
0x1c5: {  	[tilespmem:$0x10570] =	vst v26  }
0x1c6: {  	v40 =	vld [tilespmem:s29+$0x80];
	_ =	sdelay $0x1  }
0x1c7: {  	v41 =	vld [tilespmem:s28+$0x80];
	_ =	sdelay $0x2  }
0x1c8: {  	v37 =	vmul.f32 v40, v35;
	_ =	sdelay $0x1  }
0x1c9: {  	v42 =	vmul.f32 v41, v36;
	v27 =	vadd.f32 v37, v27;
	_ =	sdelay $0x1  }
0x1ca: {  	v27 =	vadd.f32 v42, v27;
	_ =	sdelay $0x1  }
0x1cb: {  	[tilespmem:$0x10580] =	vst v27  }
0x1cc: {  	v43 =	vld [tilespmem:s29+$0x90];
	_ =	sdelay $0x1  }
0x1cd: {  	v44 =	vld [tilespmem:s28+$0x90];
	_ =	sdelay $0x2  }
0x1ce: {  	v37 =	vmul.f32 v43, v35;
	_ =	sdelay $0x1  }
0x1cf: {  	v45 =	vmul.f32 v44, v36;
	v28 =	vadd.f32 v37, v28;
	_ =	sdelay $0x1  }
0x1d0: {  	v28 =	vadd.f32 v45, v28;
	_ =	sdelay $0x1  }
0x1d1: {  	[tilespmem:$0x10590] =	vst v28  }
0x1d2: {  	v46 =	vld [tilespmem:s29+$0xA0];
	_ =	sdelay $0x1  }
0x1d3: {  	v47 =	vld [tilespmem:s28+$0xA0];
	_ =	sdelay $0x2  }
0x1d4: {  	v37 =	vmul.f32 v46, v35;
	_ =	sdelay $0x1  }
0x1d5: {  	v48 =	vmul.f32 v47, v36;
	v29 =	vadd.f32 v37, v29;
	_ =	sdelay $0x1  }
0x1d6: {  	v29 =	vadd.f32 v48, v29;
	_ =	sdelay $0x1  }
0x1d7: {  	[tilespmem:$0x105A0] =	vst v29  }
0x1d8: {  	v49 =	vld [tilespmem:s29+$0xB0];
	_ =	sdelay $0x1  }
0x1d9: {  	v50 =	vld [tilespmem:s28+$0xB0];
	_ =	sdelay $0x2  }
0x1da: {  	v37 =	vmul.f32 v49, v35;
	_ =	sdelay $0x1  }
0x1db: {  	v51 =	vmul.f32 v50, v36;
	v30 =	vadd.f32 v37, v30;
	_ =	sdelay $0x1  }
0x1dc: {  	v30 =	vadd.f32 v51, v30;
	_ =	sdelay $0x1  }
0x1dd: {  	[tilespmem:$0x105B0] =	vst v30  }
0x1de: {  	v52 =	vld [tilespmem:s29+$0xC0];
	_ =	sdelay $0x1  }
0x1df: {  	v53 =	vld [tilespmem:s28+$0xC0];
	_ =	sdelay $0x2  }
0x1e0: {  	v37 =	vmul.f32 v52, v35;
	_ =	sdelay $0x1  }
0x1e1: {  	v54 =	vmul.f32 v53, v36;
	v31 =	vadd.f32 v37, v31;
	_ =	sdelay $0x1  }
0x1e2: {  	v31 =	vadd.f32 v54, v31;
	_ =	sdelay $0x1  }
0x1e3: {  	[tilespmem:$0x105C0] =	vst v31  }
0x1e4: {  	v55 =	vld [tilespmem:s29+$0xD0];
	_ =	sdelay $0x1  }
0x1e5: {  	v56 =	vld [tilespmem:s28+$0xD0];
	_ =	sdelay $0x2  }
0x1e6: {  	v37 =	vmul.f32 v55, v35;
	_ =	sdelay $0x1  }
0x1e7: {  	v57 =	vmul.f32 v56, v36;
	v32 =	vadd.f32 v37, v32;
	_ =	sdelay $0x1  }
0x1e8: {  	v32 =	vadd.f32 v57, v32;
	_ =	sdelay $0x1  }
0x1e9: {  	[tilespmem:$0x105D0] =	vst v32  }
0x1ea: {  	v58 =	vld [tilespmem:s29+$0xE0];
	_ =	sdelay $0x1  }
0x1eb: {  	v59 =	vld [tilespmem:s28+$0xE0];
	_ =	sdelay $0x2  }
0x1ec: {  	v37 =	vmul.f32 v58, v35;
	_ =	sdelay $0x1  }
0x1ed: {  	v60 =	vmul.f32 v59, v36;
	v33 =	vadd.f32 v37, v33;
	_ =	sdelay $0x1  }
0x1ee: {  	v33 =	vadd.f32 v60, v33;
	_ =	sdelay $0x1  }
0x1ef: {  	[tilespmem:$0x105E0] =	vst v33  }
0x1f0: {  	v61 =	vld [tilespmem:s29+$0xF0];
	_ =	sdelay $0x1  }
0x1f1: {  	v62 =	vld [tilespmem:s28+$0xF0];
	_ =	sdelay $0x2  }
0x1f2: {  	v35 =	vmul.f32 v61, v35  }
0x1f3: {  	p1 =	sne.s32 s26, $0x640  }
.Ltmp4:
0x1f4: {  	v63 =	vmul.f32 v62, v36;
	v34 =	vadd.f32 v35, v34;
	(pc) =	sbr.rel @p1 .LBB2_6-.Ltmp4, $3  }
0x1f5: {  	_ = 	snop  }
0x1f6: {  	v34 =	vadd.f32 v63, v34;
	_ =	sdelay $0x1  }
0x1f7: {  	s26 =	sadd.s32 $0x40, s26;
	s28 =	sadd.s32 $0x200, s28;
	s29 =	sadd.s32 $0x200, s29;
	[tilespmem:$0x105F0] =	vst v34  }
.Ltmp5:
0x1f8: {  	(pc) =	sbr.rel @p0 .LBB2_9-.Ltmp5, $4  }
0x1f9: {  	[hbm4b:s10+s3] =	stream.linear.scatter [tilespmem:s24], [sflag:$0x4], $0x200, $0x38;
	[tilespmem:$0x10B00] =	vst v63  }
0x1fa: {  	_ =	swait.ge [sflag:s14], $0x200  }
0x1fb: {  	[sflag:s14] =	ssyncset.done $0x0  }
0x1fc: {  	[sflag:s14] =	ssyncadd.s32 $0xFFFFFE00  }
0x1fd: {  	(v2sf) =	vpush v1, $0x0  }
0x1fe: {  	(v2sf) =	vpush v1, $0x1;
	_ =	sdelay $0x1  }
0x1ff: {  	(v2sf) =	vpush v1, $0x2;
	_ =	sdelay $0x1  }
0x200: {  	(v2sf) =	vpush v1, $0x3;
	_ =	sdelay $0x1  }
0x201: {  	(v2sf) =	vpush v1, $0x4;
	_ =	sdelay $0x1  }
0x202: {  	(v2sf) =	vpush v1, $0x5;
	_ =	sdelay $0x1  }
0x203: {  	(v2sf) =	vpush v1, $0x6;
	_ =	sdelay $0x1  }
0x204: {  	(v2sf) =	vpush v1, $0x7;
	_ =	sdelay $0x1  }
0x205: {  	s26 =	spop (v2sf);
	(v2sf) =	vpush v1, $0x8  }
0x206: {  	s28 =	spop (v2sf)  }
0x207: {  	(v2sf) =	vpush v1, $0x9;
	s26 =	sadd.f32 s28, s26  }
0x208: {  	s29 =	spop (v2sf)  }
0x209: {  	(v2sf) =	vpush v1, $0xA;
	s26 =	sadd.f32 s26, s29  }
0x20a: {  	s30 =	spop (v2sf)  }
0x20b: {  	(v2sf) =	vpush v1, $0xB;
	s26 =	sadd.f32 s26, s30  }
0x20c: {  	s31 =	spop (v2sf)  }
0x20d: {  	(v2sf) =	vpush v1, $0xC;
	s26 =	sadd.f32 s26, s31  }
0x20e: {  	s29 =	spop (v2sf)  }
0x20f: {  	(v2sf) =	vpush v1, $0xD;
	s26 =	sadd.f32 s26, s29  }
0x210: {  	s30 =	spop (v2sf)  }
0x211: {  	(v2sf) =	vpush v1, $0xE;
	s26 =	sadd.f32 s26, s30  }
0x212: {  	s31 =	spop (v2sf)  }
0x213: {  	(v2sf) =	vpush v1, $0xF;
	s26 =	sadd.f32 s26, s31  }
0x214: {  	s29 =	spop (v2sf)  }
0x215: {  	(v2sf) =	vpush v2, $0x0;
	s26 =	sadd.f32 s26, s29  }
0x216: {  	s30 =	spop (v2sf)  }
0x217: {  	(v2sf) =	vpush v2, $0x1;
	s26 =	sadd.f32 s26, s30  }
0x218: {  	s31 =	spop (v2sf)  }
0x219: {  	(v2sf) =	vpush v2, $0x2;
	s26 =	sadd.f32 s26, s31  }
0x21a: {  	s29 =	spop (v2sf)  }
0x21b: {  	(v2sf) =	vpush v2, $0x3;
	s26 =	sadd.f32 s26, s29  }
0x21c: {  	s30 =	spop (v2sf)  }
0x21d: {  	(v2sf) =	vpush v2, $0x4;
	s26 =	sadd.f32 s26, s30  }
0x21e: {  	s31 =	spop (v2sf)  }
0x21f: {  	(v2sf) =	vpush v2, $0x5;
	s26 =	sadd.f32 s26, s31  }
0x220: {  	s29 =	spop (v2sf)  }
0x221: {  	(v2sf) =	vpush v2, $0x6;
	s26 =	sadd.f32 s26, s29  }
0x222: {  	s30 =	spop (v2sf)  }
0x223: {  	(v2sf) =	vpush v2, $0x7;
	s26 =	sadd.f32 s26, s30  }
0x224: {  	s31 =	spop (v2sf)  }
0x225: {  	(v2sf) =	vpush v2, $0x8;
	s26 =	sadd.f32 s26, s31  }
0x226: {  	s29 =	spop (v2sf)  }
0x227: {  	(v2sf) =	vpush v2, $0x9;
	s26 =	sadd.f32 s26, s29  }
0x228: {  	s30 =	spop (v2sf)  }
0x229: {  	s26 =	sadd.f32 s26, s30  }
0x22a: {  	s31 =	spop (v2sf)  }
0x22b: {  	s26 =	sadd.f32 s26, s31  }
0x22c: {  	s29 =	spop (v2sf)  }
0x22d: {  	s26 =	sadd.f32 s26, s29  }
0x22e: {  	s30 =	spop (v2sf)  }
0x22f: {  	s26 =	sadd.f32 s26, s30  }
0x230: {  	s31 =	spop (v2sf)  }
0x231: {  	s26 =	sadd.f32 s26, s31  }
0x232: {  	s29 =	spop (v2sf)  }
0x233: {  	s26 =	sadd.f32 s26, s29  }
0x234: {  	s30 =	spop (v2sf)  }
0x235: {  	s26 =	sadd.f32 s26, s30  }
0x236: {  	s31 =	spop (v2sf)  }
0x237: {  	s26 =	sadd.f32 s26, s31;
	_ =	sdelay $0x1  }
0x238: {  	s26 =	smul.f32 $3.846153850e-03, s26;
	_ =	sdelay $0x1  }
0x239: {  	v1 =	vmov s26  }
.Ltmp6:
0x23a: {  	[tilespmem:$0x10400] =	vst v1;
	(pc) =	sbr.rel .LBB2_9-.Ltmp6, $4  }
0x23b: {  	[hbm4b:s2+s3] =	stream.linear.scatter [tilespmem:s24], [sflag:$0x4], $0x10, $0x38;
	[tilespmem:$0x10B00] =	vst v63  }
0x23c: {  	_ =	swait.ge [sflag:s14], $0x10  }
0x23d: {  	[sflag:s14] =	ssyncset.done $0x0  }
0x23e: {  	[sflag:s14] =	ssyncadd.s32 $0xFFFFFFF0  }
.LBB2_10:
0x23f: {  	_ =	sfence.sel $0x180000  }
0x240: {  	[bflag:$0x0] =	sbarrier.arrive $0xFFFF  }
0x241: {  	p0 =	sne.s32 s0, $0x0;
	_ =	strace $0x90000047  }
0x242: {  	s0 =	sadd.s32 @!p0 $0x100000, s1;
	[bflag:$0x2] =	sbarrier.arrive $0xFFFF  }
0x243: {  	[sflag:s0] =	ssyncadd.tile.s32 @!p0 $0x1;
	_ =	shalt  }
.Lfunc_end2:
_tile_overlayer_lowered:
.L_overlay_start_2:
0x244: {  	(tag) =	ssettag $0x2  }
0x245: {  	s0 =	rddreg [dreg:$0x0];
	s2 =	stileid.u32  }
0x246: {  	s1 =	rddreg [dreg:$0x1];
	p0 =	sne.s32 s2, $0x0  }
0x247: {  	s3 =	rddreg [dreg:$0x2];
	[bflag:$0x3] =	sbarrier.arrive $0xFFFF;
	s2 =	simm.s32 @!p0 $0x1C04  }
0x248: {  	[timem:s3], [sflag:s2] =	dma.local @!p0 [hbm:s0], s1  }
0x249: {  	s0 =	simm.s32 @!p0 $0x4  }
0x24a: {  	_ =	swait.ge @!p0 [sflag:s0], s1  }
0x24b: {  	s1 =	ssub.s32 @!p0 $0x0, s1;
	[sflag:s0] =	ssyncset.done @!p0 $0x0  }
0x24c: {  	[sflag:s0] =	ssyncadd.s32 @!p0 s1  }
0x24d: {  	[bflag:$0x3] =	sbarrier.arrive $0xFFFF  }
0x24e: {  	_ =	shalt  }

</sc_bundles>
